<compile_context>
chip_gen: v7x
topology: tpu7x:2x2x1
jax: 0.10.2.dev20260603
libtpu: 0.0.44.dev20260713+nightly
codegen_flags: <defaults>
</compile_context>

<pallas_src>
import functools

import jax
import jax.numpy as jnp
from jax import lax
from jax.experimental import pallas as pl
from jax.experimental.pallas import tpu as pltpu
from jax.experimental.pallas import tpu_sc as plsc

N = 10000
E = 320000
DIN = 128
DH = 64
NG = 64
NC, NS = 2, 16
NW = NC * NS
CHUNK = 128
CPT = 80
CPT0 = 110
CPT1 = 50
CPTM = max(CPT0, CPT1)
NCH = NS * (CPT0 + CPT1)
E_PAD = NCH * CHUNK
N_PAD = 10240
RPT = N_PAD // NS
DUMMY = N
DW = 16
R = 1024

@functools.cache
def _sc_kernels():
    mesh = plsc.VectorSubcoreMesh(
        core_axis_name="c", subcore_axis_name="s",
        num_cores=NC, num_subcores=NS,
    )

    @functools.partial(
        pl.kernel,
        out_type=jax.ShapeDtypeStruct((NC, N_PAD, DW), jnp.float32),
        mesh=mesh,
        compiler_params=pltpu.CompilerParams(use_tc_tiling_on_sc=False),
        scratch_types=[
            pltpu.VMEM((CPT, CHUNK), jnp.int32),
            pltpu.VMEM((CHUNK, DW), jnp.float32),
            pltpu.VMEM_SHARED((N_PAD, DW), jnp.float32),
        ],
    )
    def _deg(dst_hbm, zeros_hbm, ones_hbm, out_hbm, dst_v, ones_v, deg_sh):
        cid = lax.axis_index("c")
        sid = lax.axis_index("s")
        wid = cid * NS + sid
        row0 = sid * RPT
        pltpu.sync_copy(dst_hbm.at[pl.ds(wid * CPT, CPT)], dst_v)
        pltpu.sync_copy(ones_hbm, ones_v)
        pltpu.sync_copy(
            zeros_hbm.at[pl.ds(row0, RPT)], deg_sh.at[pl.ds(row0, RPT)]
        )
        plsc.subcore_barrier()

        def body(j, carry):
            pltpu.sync_copy(ones_v, deg_sh.at[dst_v.at[j]], add=True)
            return carry

        lax.fori_loop(0, CPT, body, 0)
        plsc.subcore_barrier()
        pltpu.sync_copy(
            deg_sh.at[pl.ds(row0, RPT)], out_hbm.at[cid, pl.ds(row0, RPT)]
        )

    @functools.partial(
        pl.kernel,
        out_type=jax.ShapeDtypeStruct((NC, N_PAD, DH), jnp.float32),
        mesh=mesh,
        compiler_params=pltpu.CompilerParams(use_tc_tiling_on_sc=False),
        scratch_types=[
            pltpu.VMEM((CPTM, CHUNK), jnp.int32),
            pltpu.VMEM((CPTM, CHUNK), jnp.int32),
            pltpu.VMEM((CHUNK, DH), jnp.float32),
            pltpu.VMEM((CHUNK, DH), jnp.float32),
            pltpu.VMEM_SHARED((N_PAD, DH), jnp.float32),
            pltpu.SemaphoreType.DMA,
            pltpu.SemaphoreType.DMA,
            pltpu.SemaphoreType.DMA,
            pltpu.SemaphoreType.DMA,
        ],
    )
    def _agg(y_hbm, src_hbm, dst_hbm, zeros_hbm, out_hbm,
             src_v, dst_v, rows_a, rows_b, agg_sh,
             gsem_a, gsem_b, ssem_a, ssem_b):
        cid = lax.axis_index("c")
        sid = lax.axis_index("s")
        row0 = sid * RPT
        pltpu.sync_copy(
            zeros_hbm.at[pl.ds(row0, RPT)], agg_sh.at[pl.ds(row0, RPT)]
        )
        plsc.subcore_barrier()

        def g_start(j, rows, sem):
            pltpu.async_copy(y_hbm.at[src_v.at[j]], rows, sem)

        def g_wait(j, rows, sem):
            pltpu.make_async_copy(y_hbm.at[src_v.at[j]], rows, sem).wait()

        def s_start(j, rows, sem):
            pltpu.async_copy(rows, agg_sh.at[dst_v.at[j]], sem, add=True)

        def s_wait(j, rows, sem):
            pltpu.make_async_copy(rows, agg_sh.at[dst_v.at[j]], sem).wait()

        def stage_and_run(base, cnt):
            pltpu.sync_copy(
                src_hbm.at[pl.ds(base, cnt)], src_v.at[pl.ds(0, cnt)]
            )
            pltpu.sync_copy(
                dst_hbm.at[pl.ds(base, cnt)], dst_v.at[pl.ds(0, cnt)]
            )
            g_start(0, rows_a, gsem_a)
            g_wait(0, rows_a, gsem_a)
            s_start(0, rows_a, ssem_a)
            g_start(1, rows_b, gsem_b)

            def pair(t, carry):
                j1 = 2 * t + 1
                g_wait(j1, rows_b, gsem_b)
                s_start(j1, rows_b, ssem_b)
                s_wait(j1, rows_a, ssem_a)
                g_start(j1 + 1, rows_a, gsem_a)
                j2 = 2 * t + 2
                g_wait(j2, rows_a, gsem_a)
                s_start(j2, rows_a, ssem_a)
                s_wait(j2, rows_b, ssem_b)
                g_start(j2 + 1, rows_b, gsem_b)
                return carry

            lax.fori_loop(0, (cnt - 2) // 2, pair, 0)
            g_wait(cnt - 1, rows_b, gsem_b)
            s_start(cnt - 1, rows_b, ssem_b)
            s_wait(0, rows_a, ssem_a)
            s_wait(0, rows_b, ssem_b)

        @pl.when(cid == 0)
        def _():
            stage_and_run(sid * CPT0, CPT0)

        @pl.when(cid == 1)
        def _():
            stage_and_run(NS * CPT0 + sid * CPT1, CPT1)

        plsc.subcore_barrier()
        pltpu.sync_copy(
            agg_sh.at[pl.ds(row0, RPT)], out_hbm.at[cid, pl.ds(row0, RPT)]
        )

    return _deg, _agg


def _prep_body(x_ref, w_ref, d0_ref, d1_ref, y_ref, dinv_ref):
    deg = d0_ref[...] + d1_ref[...] + 1.0
    di = lax.rsqrt(deg)
    xw = jnp.dot(x_ref[...], w_ref[...], preferred_element_type=jnp.float32)
    y_ref[...] = xw * di
    dinv_ref[...] = di


_prep = pl.pallas_call(
    _prep_body,
    grid=(N_PAD // R,),
    in_specs=[
        pl.BlockSpec((R, DIN), lambda i: (i, 0)),
        pl.BlockSpec((DIN, DH), lambda i: (0, 0)),
        pl.BlockSpec((R, 1), lambda i: (i, 0)),
        pl.BlockSpec((R, 1), lambda i: (i, 0)),
    ],
    out_specs=[
        pl.BlockSpec((R, DH), lambda i: (i, 0)),
        pl.BlockSpec((R, 1), lambda i: (i, 0)),
    ],
    out_shape=[
        jax.ShapeDtypeStruct((N_PAD, DH), jnp.float32),
        jax.ShapeDtypeStruct((N_PAD, 1), jnp.float32),
    ],
)


def _mid_body(a0_ref, a1_ref, y_ref, dinv_ref, b_ref, w_ref, o_ref):
    di = dinv_ref[...]
    h = (a0_ref[...] + a1_ref[...] + y_ref[...]) * di + b_ref[...]
    h = jnp.maximum(h, 0.0)
    o_ref[...] = jnp.dot(h, w_ref[...], preferred_element_type=jnp.float32) * di


_mid = pl.pallas_call(
    _mid_body,
    grid=(N_PAD // R,),
    in_specs=[
        pl.BlockSpec((R, DH), lambda i: (i, 0)),
        pl.BlockSpec((R, DH), lambda i: (i, 0)),
        pl.BlockSpec((R, DH), lambda i: (i, 0)),
        pl.BlockSpec((R, 1), lambda i: (i, 0)),
        pl.BlockSpec((1, DH), lambda i: (0, 0)),
        pl.BlockSpec((DH, DH), lambda i: (0, 0)),
    ],
    out_specs=pl.BlockSpec((R, DH), lambda i: (i, 0)),
    out_shape=jax.ShapeDtypeStruct((N_PAD, DH), jnp.float32),
)


def _final_body(a0_ref, a1_ref, y_ref, dinv_ref, b_ref, batch_ref, wl_ref,
                bl_ref, o_ref, sums, cnts):
    i = pl.program_id(0)

    @pl.when(i == 0)
    def _():
        sums[...] = jnp.zeros_like(sums)
        cnts[...] = jnp.zeros_like(cnts)

    h = (a0_ref[...] + a1_ref[...] + y_ref[...]) * dinv_ref[...] + b_ref[...]
    gids = lax.broadcasted_iota(jnp.int32, (NG, R), 0)
    mask = (batch_ref[...] == gids).astype(jnp.float32)
    sums[...] += jnp.dot(mask, h, preferred_element_type=jnp.float32)
    cnts[...] += jnp.sum(mask, axis=1, keepdims=True)

    @pl.when(i == pl.num_programs(0) - 1)
    def _():
        g = sums[...] / jnp.maximum(cnts[...], 1.0)
        o_ref[...] = (
            jnp.dot(g, wl_ref[...], preferred_element_type=jnp.float32)
            + bl_ref[...]
        )


_final = pl.pallas_call(
    _final_body,
    grid=(N_PAD // R,),
    in_specs=[
        pl.BlockSpec((R, DH), lambda i: (i, 0)),
        pl.BlockSpec((R, DH), lambda i: (i, 0)),
        pl.BlockSpec((R, DH), lambda i: (i, 0)),
        pl.BlockSpec((R, 1), lambda i: (i, 0)),
        pl.BlockSpec((1, DH), lambda i: (0, 0)),
        pl.BlockSpec((1, R), lambda i: (0, i)),
        pl.BlockSpec((DH, 1), lambda i: (0, 0)),
        pl.BlockSpec((1, 1), lambda i: (0, 0)),
    ],
    out_specs=pl.BlockSpec((NG, 1), lambda i: (0, 0)),
    out_shape=jax.ShapeDtypeStruct((NG, 1), jnp.float32),
    scratch_shapes=[
        pltpu.VMEM((NG, DH), jnp.float32),
        pltpu.VMEM((NG, 1), jnp.float32),
    ],
)


def kernel(x, edge_index, batch, W1, b1, W2, b2, W3, b3, Wl, bl):
    src = edge_index[0].astype(jnp.int32)
    dst = edge_index[1].astype(jnp.int32)
    pad = E_PAD - E
    src_r = jnp.concatenate([src, jnp.zeros((pad,), jnp.int32)]).reshape(
        NCH, CHUNK
    )
    dst_pad = DUMMY + jnp.arange(pad, dtype=jnp.int32) % (N_PAD - N)
    dst_r = jnp.concatenate([dst, dst_pad]).reshape(NCH, CHUNK)
    x_p = jnp.pad(x, ((0, N_PAD - N), (0, 0)))
    batch_p = jnp.pad(
        batch.astype(jnp.int32), (0, N_PAD - N), constant_values=NG
    ).reshape(1, N_PAD)
    zeros_dw = jnp.zeros((N_PAD, DW), jnp.float32)
    zeros64 = jnp.zeros((N_PAD, DH), jnp.float32)
    ones_dw = jnp.ones((CHUNK, DW), jnp.float32)

    _deg, _agg = _sc_kernels()
    degs = _deg(dst_r, zeros_dw, ones_dw)
    y1, dinv = _prep(x_p, W1, degs[0, :, 0:1], degs[1, :, 0:1])
    a1 = _agg(y1, src_r, dst_r, zeros64)
    y2 = _mid(a1[0], a1[1], y1, dinv, b1.reshape(1, DH), W2)
    a2 = _agg(y2, src_r, dst_r, zeros64)
    y3 = _mid(a2[0], a2[1], y2, dinv, b2.reshape(1, DH), W3)
    a3 = _agg(y3, src_r, dst_r, zeros64)
    out = _final(
        a3[0], a3[1], y3, dinv, b3.reshape(1, DH), batch_p, Wl,
        bl.reshape(1, 1)
    )
    return out

# --- scband reference (transcript-rebuilt; emitter-appended) ---
"""Pipeline reference for scband-gnnmodel-31172872634884 (READ-ONLY COPY).

The authoritative reference and input builder live on the scoring server;
editing this copy changes nothing except your own understanding.
"""

import jax, jax.numpy as jnp
import numpy as np

NUM_GRAPHS = 64


def gcn_conv(x, src, dst, W, b):
    n = x.shape[0]
    # add self loops (PyG GCNConv default: add_self_loops=True)
    sl = jnp.arange(n, dtype=src.dtype)
    src2 = jnp.concatenate([src, sl])
    dst2 = jnp.concatenate([dst, sl])
    # symmetric normalization based on in-degree of A_hat
    deg = jnp.zeros((n,), dtype=x.dtype).at[dst2].add(1.0)
    dinv = jnp.where(deg > 0, 1.0 / jnp.sqrt(deg), 0.0)
    xw = x @ W
    norm = dinv[src2] * dinv[dst2]
    msg = xw[src2] * norm[:, None]
    out = jnp.zeros((n, W.shape[1]), dtype=x.dtype).at[dst2].add(msg)
    return out + b


def global_mean_pool(x, batch, num_graphs):
    sums = jax.ops.segment_sum(x, batch, num_segments=num_graphs)
    cnts = jax.ops.segment_sum(jnp.ones((x.shape[0],), dtype=x.dtype), batch, num_segments=num_graphs)
    return sums / jnp.maximum(cnts, 1.0)[:, None]


def setup_inputs(seed: int = 0) -> dict:
    key = jax.random.key(seed)
    ks = jax.random.split(key, 12)
    n_nodes, n_edges, d_in, d_h = 10000, 320000, 128, 64
    x = jax.random.normal(ks[0], (n_nodes, d_in), dtype=jnp.float32)
    edge_index = jax.random.randint(ks[1], (2, n_edges), 0, n_nodes, dtype=jnp.int64)
    batch = jnp.sort(jax.random.randint(ks[2], (n_nodes,), 0, NUM_GRAPHS, dtype=jnp.int64))
    def glorot(k, fan_in, fan_out):
        lim = float(np.sqrt(6.0 / (fan_in + fan_out)))
        return jax.random.uniform(k, (fan_in, fan_out), dtype=jnp.float32, minval=-lim, maxval=lim)
    W1 = glorot(ks[3], d_in, d_h); b1 = jnp.zeros((d_h,), dtype=jnp.float32)
    W2 = glorot(ks[4], d_h, d_h); b2 = jnp.zeros((d_h,), dtype=jnp.float32)
    W3 = glorot(ks[5], d_h, d_h); b3 = jnp.zeros((d_h,), dtype=jnp.float32)
    Wl = glorot(ks[6], d_h, 1); bl = jnp.zeros((1,), dtype=jnp.float32)
    return {"x": x, "edge_index": edge_index, "batch": batch,
            "W1": W1, "b1": b1, "W2": W2, "b2": b2, "W3": W3, "b3": b3,
            "Wl": Wl, "bl": bl}


def reference(x, edge_index, batch, W1, b1, W2, b2, W3, b3, Wl, bl):
    src, dst = edge_index[0], edge_index[1]
    h = gcn_conv(x, src, dst, W1, b1)
    h = jax.nn.relu(h)
    h = gcn_conv(h, src, dst, W2, b2)
    h = jax.nn.relu(h)
    h = gcn_conv(h, src, dst, W3, b3)
    g = global_mean_pool(h, batch, NUM_GRAPHS)
    # dropout p=0.5 is identity in eval mode
    out = g @ Wl + bl
    return out

if __name__ == "__main__":
    import jax
    _d = setup_inputs()
    print(jax.jit(kernel)(*tuple(_d.values())))

</pallas_src>

<mosaic_0001>
#map = affine_map<(d0, d1) -> (0, 0)>
#map1 = affine_map<(d0, d1) -> (0, 0, 0)>
module attributes {stable_mosaic.version = 14 : i64} {
  func.func @_agg(%arg0: i32, %arg1: i32, %arg2: memref<10240x64xf32, #tpu.memory_space<hbm>>, %arg3: memref<2560x128xi32, #tpu.memory_space<hbm>>, %arg4: memref<2560x128xi32, #tpu.memory_space<hbm>>, %arg5: memref<10240x64xf32, #tpu.memory_space<hbm>>, %arg6: memref<2x10240x64xf32, #tpu.memory_space<hbm>>, %arg7: memref<110x128xi32, #tpu.memory_space<vmem>>, %arg8: memref<110x128xi32, #tpu.memory_space<vmem>>, %arg9: memref<128x64xf32, #tpu.memory_space<vmem>>, %arg10: memref<128x64xf32, #tpu.memory_space<vmem>>, %arg11: memref<10240x64xf32, #tpu.memory_space<vmem_shared>>, %arg12: memref<!tpu.dma_semaphore, #tpu.memory_space<semaphore_mem>>, %arg13: memref<!tpu.dma_semaphore, #tpu.memory_space<semaphore_mem>>, %arg14: memref<!tpu.dma_semaphore, #tpu.memory_space<semaphore_mem>>, %arg15: memref<!tpu.dma_semaphore, #tpu.memory_space<semaphore_mem>>) attributes {dimension_semantics = [#tpu.dimension_semantics<core_parallel>, #tpu.dimension_semantics<subcore_parallel>], iteration_bounds = array<i64: 2, 16>, scalar_prefetch = 0 : i64, scratch_operands = 9 : i64, tpu.core_type = #tpu.core_type<sc_vector_subcore>, window_params = [{transform_indices = #map}, {transform_indices = #map}, {transform_indices = #map}, {transform_indices = #map}, {transform_indices = #map1}]} {
    %mul3A = arith.constant 640 : i32
    %mul3A_0 = arith.muli %arg1, %mul3A : i32
    "tpu.region"() ({
      %run_scoped3A = tpu.sem_alloc : memref<!tpu.dma_semaphore, #tpu.memory_space<semaphore_mem>>
      %dma_start3A = arith.constant 0 : i32
      %dma_start3A_9 = tpu.memref_slice %arg11[%mul3A_0, %dma_start3A] : memref<10240x64xf32, #tpu.memory_space<vmem_shared>> -> memref<640x64xf32, #tpu.memory_space<vmem_shared>>
      %dma_start3A_10 = arith.constant 0 : i32
      %dma_start3A_11 = tpu.memref_slice %arg5[%mul3A_0, %dma_start3A_10] : memref<10240x64xf32, #tpu.memory_space<hbm>> -> memref<640x64xf32, #tpu.memory_space<hbm>>
      tpu.enqueue_dma source(%dma_start3A_11 : memref<640x64xf32, #tpu.memory_space<hbm>>) target(%dma_start3A_9 : memref<640x64xf32, #tpu.memory_space<vmem_shared>>) target_semaphore(%run_scoped3A : memref<!tpu.dma_semaphore, #tpu.memory_space<semaphore_mem>>)
      %dma_wait3A = arith.constant 0 : i32
      %dma_wait3A_12 = tpu.memref_slice %arg11[%mul3A_0, %dma_wait3A] : memref<10240x64xf32, #tpu.memory_space<vmem_shared>> -> memref<640x64xf32, #tpu.memory_space<vmem_shared>>
      %dma_wait3A_13 = arith.constant 0 : i32
      %dma_wait3A_14 = tpu.memref_slice %arg5[%mul3A_0, %dma_wait3A_13] : memref<10240x64xf32, #tpu.memory_space<hbm>> -> memref<640x64xf32, #tpu.memory_space<hbm>>
      tpu.wait_dma2 semaphore(%run_scoped3A : memref<!tpu.dma_semaphore, #tpu.memory_space<semaphore_mem>>) src(%dma_wait3A_14 : memref<640x64xf32, #tpu.memory_space<hbm>>) dst(%dma_wait3A_12 : memref<640x64xf32, #tpu.memory_space<vmem_shared>>)
      tpu.yield
    }) : () -> ()
    %barrier3A = arith.constant 0 : index
    tpu.barrier barrier_id(%barrier3A)
    %eq3A = arith.constant 0 : i32
    %eq3A_1 = arith.cmpi eq, %arg0, %eq3A : i32
    %convert_element_type3A = arith.extui %eq3A_1 : i1 to i32
    %cond3A = arith.constant 0 : i32
    %cond3A_2 = arith.cmpi ne, %convert_element_type3A, %cond3A : i32
    scf.if %cond3A_2 {
      %mul3A_9 = arith.constant 110 : i32
      %mul3A_10 = arith.muli %arg1, %mul3A_9 : i32
      "tpu.region"() ({
        %run_scoped3A = tpu.sem_alloc : memref<!tpu.dma_semaphore, #tpu.memory_space<semaphore_mem>>
        %dma_start3A_70 = arith.constant 0 : i32
        %dma_start3A_71 = arith.constant 0 : i32
        %dma_start3A_72 = tpu.memref_slice %arg7[%dma_start3A_70, %dma_start3A_71] : memref<110x128xi32, #tpu.memory_space<vmem>> -> memref<110x128xi32, #tpu.memory_space<vmem>>
        %dma_start3A_73 = arith.constant 0 : i32
        %dma_start3A_74 = tpu.memref_slice %arg3[%mul3A_10, %dma_start3A_73] : memref<2560x128xi32, #tpu.memory_space<hbm>> -> memref<110x128xi32, #tpu.memory_space<hbm>>
        %dma_start3A_75 = arith.constant 0 : i32
        %dma_start3A_76 = arith.constant 0 : i32
        %dma_start3A_77 = tpu.memref_slice %arg7[%dma_start3A_75, %dma_start3A_76] : memref<110x128xi32, #tpu.memory_space<vmem>> -> memref<110x128xi32, #tpu.memory_space<vmem>>
        %dma_start3A_78 = arith.constant 0 : i32
        %dma_start3A_79 = tpu.memref_slice %arg3[%mul3A_10, %dma_start3A_78] : memref<2560x128xi32, #tpu.memory_space<hbm>> -> memref<110x128xi32, #tpu.memory_space<hbm>>
        tpu.enqueue_dma source(%dma_start3A_79 : memref<110x128xi32, #tpu.memory_space<hbm>>) target(%dma_start3A_77 : memref<110x128xi32, #tpu.memory_space<vmem>>) target_semaphore(%run_scoped3A : memref<!tpu.dma_semaphore, #tpu.memory_space<semaphore_mem>>)
        %dma_wait3A_80 = arith.constant 0 : i32
        %dma_wait3A_81 = arith.constant 0 : i32
        %dma_wait3A_82 = tpu.memref_slice %arg7[%dma_wait3A_80, %dma_wait3A_81] : memref<110x128xi32, #tpu.memory_space<vmem>> -> memref<110x128xi32, #tpu.memory_space<vmem>>
        %dma_wait3A_83 = arith.constant 0 : i32
        %dma_wait3A_84 = tpu.memref_slice %arg3[%mul3A_10, %dma_wait3A_83] : memref<2560x128xi32, #tpu.memory_space<hbm>> -> memref<110x128xi32, #tpu.memory_space<hbm>>
        %dma_wait3A_85 = arith.constant 0 : i32
        %dma_wait3A_86 = arith.constant 0 : i32
        %dma_wait3A_87 = tpu.memref_slice %arg7[%dma_wait3A_85, %dma_wait3A_86] : memref<110x128xi32, #tpu.memory_space<vmem>> -> memref<110x128xi32, #tpu.memory_space<vmem>>
        %dma_wait3A_88 = arith.constant 0 : i32
        %dma_wait3A_89 = tpu.memref_slice %arg3[%mul3A_10, %dma_wait3A_88] : memref<2560x128xi32, #tpu.memory_space<hbm>> -> memref<110x128xi32, #tpu.memory_space<hbm>>
        tpu.wait_dma2 semaphore(%run_scoped3A : memref<!tpu.dma_semaphore, #tpu.memory_space<semaphore_mem>>) src(%dma_wait3A_89 : memref<110x128xi32, #tpu.memory_space<hbm>>) dst(%dma_wait3A_87 : memref<110x128xi32, #tpu.memory_space<vmem>>)
        tpu.yield
      }) : () -> ()
      "tpu.region"() ({
        %run_scoped3A = tpu.sem_alloc : memref<!tpu.dma_semaphore, #tpu.memory_space<semaphore_mem>>
        %dma_start3A_70 = arith.constant 0 : i32
        %dma_start3A_71 = arith.constant 0 : i32
        %dma_start3A_72 = tpu.memref_slice %arg8[%dma_start3A_70, %dma_start3A_71] : memref<110x128xi32, #tpu.memory_space<vmem>> -> memref<110x128xi32, #tpu.memory_space<vmem>>
        %dma_start3A_73 = arith.constant 0 : i32
        %dma_start3A_74 = tpu.memref_slice %arg4[%mul3A_10, %dma_start3A_73] : memref<2560x128xi32, #tpu.memory_space<hbm>> -> memref<110x128xi32, #tpu.memory_space<hbm>>
        %dma_start3A_75 = arith.constant 0 : i32
        %dma_start3A_76 = arith.constant 0 : i32
        %dma_start3A_77 = tpu.memref_slice %arg8[%dma_start3A_75, %dma_start3A_76] : memref<110x128xi32, #tpu.memory_space<vmem>> -> memref<110x128xi32, #tpu.memory_space<vmem>>
        %dma_start3A_78 = arith.constant 0 : i32
        %dma_start3A_79 = tpu.memref_slice %arg4[%mul3A_10, %dma_start3A_78] : memref<2560x128xi32, #tpu.memory_space<hbm>> -> memref<110x128xi32, #tpu.memory_space<hbm>>
        tpu.enqueue_dma source(%dma_start3A_79 : memref<110x128xi32, #tpu.memory_space<hbm>>) target(%dma_start3A_77 : memref<110x128xi32, #tpu.memory_space<vmem>>) target_semaphore(%run_scoped3A : memref<!tpu.dma_semaphore, #tpu.memory_space<semaphore_mem>>)
        %dma_wait3A_80 = arith.constant 0 : i32
        %dma_wait3A_81 = arith.constant 0 : i32
        %dma_wait3A_82 = tpu.memref_slice %arg8[%dma_wait3A_80, %dma_wait3A_81] : memref<110x128xi32, #tpu.memory_space<vmem>> -> memref<110x128xi32, #tpu.memory_space<vmem>>
        %dma_wait3A_83 = arith.constant 0 : i32
        %dma_wait3A_84 = tpu.memref_slice %arg4[%mul3A_10, %dma_wait3A_83] : memref<2560x128xi32, #tpu.memory_space<hbm>> -> memref<110x128xi32, #tpu.memory_space<hbm>>
        %dma_wait3A_85 = arith.constant 0 : i32
        %dma_wait3A_86 = arith.constant 0 : i32
        %dma_wait3A_87 = tpu.memref_slice %arg8[%dma_wait3A_85, %dma_wait3A_86] : memref<110x128xi32, #tpu.memory_space<vmem>> -> memref<110x128xi32, #tpu.memory_space<vmem>>
        %dma_wait3A_88 = arith.constant 0 : i32
        %dma_wait3A_89 = tpu.memref_slice %arg4[%mul3A_10, %dma_wait3A_88] : memref<2560x128xi32, #tpu.memory_space<hbm>> -> memref<110x128xi32, #tpu.memory_space<hbm>>
        tpu.wait_dma2 semaphore(%run_scoped3A : memref<!tpu.dma_semaphore, #tpu.memory_space<semaphore_mem>>) src(%dma_wait3A_89 : memref<110x128xi32, #tpu.memory_space<hbm>>) dst(%dma_wait3A_87 : memref<110x128xi32, #tpu.memory_space<vmem>>)
        tpu.yield
      }) : () -> ()
      %dma_start3A = arith.constant 0 : i32
      %dma_start3A_11 = arith.constant 0 : i32
      %dma_start3A_12 = tpu.memref_slice %arg7[%dma_start3A, %dma_start3A_11] : memref<110x128xi32, #tpu.memory_space<vmem>> -> memref<1x128xi32, #tpu.memory_space<vmem>>
      %dma_start3A_13 = tpu.memref_squeeze %dma_start3A_12 : memref<1x128xi32, #tpu.memory_space<vmem>> -> memref<128xi32, #tpu.memory_space<vmem>>
      %dma_start3A_14 = arith.constant 0 : i32
      %dma_start3A_15 = arith.constant 0 : i32
      %dma_start3A_16 = tpu.memref_slice %arg2[%dma_start3A_14, %dma_start3A_15] : memref<10240x64xf32, #tpu.memory_space<hbm>> -> memref<10240x64xf32, #tpu.memory_space<hbm>>
      tpu.enqueue_indirect_dma source(%dma_start3A_16 : memref<10240x64xf32, #tpu.memory_space<hbm>>) target(%arg9 : memref<128x64xf32, #tpu.memory_space<vmem>>) offsets(%dma_start3A_13 : memref<128xi32, #tpu.memory_space<vmem>>) semaphore(%arg12 : memref<!tpu.dma_semaphore, #tpu.memory_space<semaphore_mem>>)
      %dma_wait3A = arith.constant 0 : i32
      %dma_wait3A_17 = arith.constant 0 : i32
      %dma_wait3A_18 = tpu.memref_slice %arg7[%dma_wait3A, %dma_wait3A_17] : memref<110x128xi32, #tpu.memory_space<vmem>> -> memref<1x128xi32, #tpu.memory_space<vmem>>
      %dma_wait3A_19 = tpu.memref_squeeze %dma_wait3A_18 : memref<1x128xi32, #tpu.memory_space<vmem>> -> memref<128xi32, #tpu.memory_space<vmem>>
      %dma_wait3A_20 = arith.constant 0 : i32
      %dma_wait3A_21 = arith.constant 0 : i32
      %dma_wait3A_22 = tpu.memref_slice %arg2[%dma_wait3A_20, %dma_wait3A_21] : memref<10240x64xf32, #tpu.memory_space<hbm>> -> memref<10240x64xf32, #tpu.memory_space<hbm>>
      tpu.wait_indirect_dma semaphore(%arg12 : memref<!tpu.dma_semaphore, #tpu.memory_space<semaphore_mem>>) src(%dma_wait3A_22 : memref<10240x64xf32, #tpu.memory_space<hbm>>) dst(%arg9 : memref<128x64xf32, #tpu.memory_space<vmem>>)
      %dma_start3A_23 = arith.constant 0 : i32
      %dma_start3A_24 = arith.constant 0 : i32
      %dma_start3A_25 = tpu.memref_slice %arg8[%dma_start3A_23, %dma_start3A_24] : memref<110x128xi32, #tpu.memory_space<vmem>> -> memref<1x128xi32, #tpu.memory_space<vmem>>
      %dma_start3A_26 = tpu.memref_squeeze %dma_start3A_25 : memref<1x128xi32, #tpu.memory_space<vmem>> -> memref<128xi32, #tpu.memory_space<vmem>>
      %dma_start3A_27 = arith.constant 0 : i32
      %dma_start3A_28 = arith.constant 0 : i32
      %dma_start3A_29 = tpu.memref_slice %arg11[%dma_start3A_27, %dma_start3A_28] : memref<10240x64xf32, #tpu.memory_space<vmem_shared>> -> memref<10240x64xf32, #tpu.memory_space<vmem_shared>>
      tpu.enqueue_indirect_dma source(%arg9 : memref<128x64xf32, #tpu.memory_space<vmem>>) target(%dma_start3A_29 : memref<10240x64xf32, #tpu.memory_space<vmem_shared>>) offsets(%dma_start3A_26 : memref<128xi32, #tpu.memory_space<vmem>>) semaphore(%arg14 : memref<!tpu.dma_semaphore, #tpu.memory_space<semaphore_mem>>) {add = true}
      %dma_start3A_30 = arith.constant 1 : i32
      %dma_start3A_31 = arith.constant 0 : i32
      %dma_start3A_32 = tpu.memref_slice %arg7[%dma_start3A_30, %dma_start3A_31] : memref<110x128xi32, #tpu.memory_space<vmem>> -> memref<1x128xi32, #tpu.memory_space<vmem>>
      %dma_start3A_33 = tpu.memref_squeeze %dma_start3A_32 : memref<1x128xi32, #tpu.memory_space<vmem>> -> memref<128xi32, #tpu.memory_space<vmem>>
      %dma_start3A_34 = arith.constant 0 : i32
      %dma_start3A_35 = arith.constant 0 : i32
      %dma_start3A_36 = tpu.memref_slice %arg2[%dma_start3A_34, %dma_start3A_35] : memref<10240x64xf32, #tpu.memory_space<hbm>> -> memref<10240x64xf32, #tpu.memory_space<hbm>>
      tpu.enqueue_indirect_dma source(%dma_start3A_36 : memref<10240x64xf32, #tpu.memory_space<hbm>>) target(%arg10 : memref<128x64xf32, #tpu.memory_space<vmem>>) offsets(%dma_start3A_33 : memref<128xi32, #tpu.memory_space<vmem>>) semaphore(%arg13 : memref<!tpu.dma_semaphore, #tpu.memory_space<semaphore_mem>>)
      %scan3A = arith.constant 0 : i32
      %scan3A_37 = arith.constant 0 : i32
      %scan3A_38 = arith.constant 54 : i32
      %scan3A_39 = arith.addi %scan3A_37, %scan3A_38 : i32
      %scan3A_40 = arith.constant 1 : i32
      scf.for %scan3A_70 = %scan3A_37 to %scan3A_39 step %scan3A_40  : i32 {
        %mul3A_71 = arith.constant 2 : i32
        %mul3A_72 = arith.muli %mul3A_71, %scan3A_70 : i32
        %add3A = arith.constant 1 : i32
        %add3A_73 = arith.addi %mul3A_72, %add3A : i32
        %dma_wait3A_74 = arith.constant 0 : i32
        %dma_wait3A_75 = tpu.memref_slice %arg7[%add3A_73, %dma_wait3A_74] : memref<110x128xi32, #tpu.memory_space<vmem>> -> memref<1x128xi32, #tpu.memory_space<vmem>>
        %dma_wait3A_76 = tpu.memref_squeeze %dma_wait3A_75 : memref<1x128xi32, #tpu.memory_space<vmem>> -> memref<128xi32, #tpu.memory_space<vmem>>
        %dma_wait3A_77 = arith.constant 0 : i32
        %dma_wait3A_78 = arith.constant 0 : i32
        %dma_wait3A_79 = tpu.memref_slice %arg2[%dma_wait3A_77, %dma_wait3A_78] : memref<10240x64xf32, #tpu.memory_space<hbm>> -> memref<10240x64xf32, #tpu.memory_space<hbm>>
        tpu.wait_indirect_dma semaphore(%arg13 : memref<!tpu.dma_semaphore, #tpu.memory_space<semaphore_mem>>) src(%dma_wait3A_79 : memref<10240x64xf32, #tpu.memory_space<hbm>>) dst(%arg10 : memref<128x64xf32, #tpu.memory_space<vmem>>)
        %dma_start3A_80 = arith.constant 0 : i32
        %dma_start3A_81 = tpu.memref_slice %arg8[%add3A_73, %dma_start3A_80] : memref<110x128xi32, #tpu.memory_space<vmem>> -> memref<1x128xi32, #tpu.memory_space<vmem>>
        %dma_start3A_82 = tpu.memref_squeeze %dma_start3A_81 : memref<1x128xi32, #tpu.memory_space<vmem>> -> memref<128xi32, #tpu.memory_space<vmem>>
        %dma_start3A_83 = arith.constant 0 : i32
        %dma_start3A_84 = arith.constant 0 : i32
        %dma_start3A_85 = tpu.memref_slice %arg11[%dma_start3A_83, %dma_start3A_84] : memref<10240x64xf32, #tpu.memory_space<vmem_shared>> -> memref<10240x64xf32, #tpu.memory_space<vmem_shared>>
        tpu.enqueue_indirect_dma source(%arg10 : memref<128x64xf32, #tpu.memory_space<vmem>>) target(%dma_start3A_85 : memref<10240x64xf32, #tpu.memory_space<vmem_shared>>) offsets(%dma_start3A_82 : memref<128xi32, #tpu.memory_space<vmem>>) semaphore(%arg15 : memref<!tpu.dma_semaphore, #tpu.memory_space<semaphore_mem>>) {add = true}
        %dma_wait3A_86 = arith.constant 0 : i32
        %dma_wait3A_87 = tpu.memref_slice %arg8[%add3A_73, %dma_wait3A_86] : memref<110x128xi32, #tpu.memory_space<vmem>> -> memref<1x128xi32, #tpu.memory_space<vmem>>
        %dma_wait3A_88 = tpu.memref_squeeze %dma_wait3A_87 : memref<1x128xi32, #tpu.memory_space<vmem>> -> memref<128xi32, #tpu.memory_space<vmem>>
        %dma_wait3A_89 = arith.constant 0 : i32
        %dma_wait3A_90 = arith.constant 0 : i32
        %dma_wait3A_91 = tpu.memref_slice %arg11[%dma_wait3A_89, %dma_wait3A_90] : memref<10240x64xf32, #tpu.memory_space<vmem_shared>> -> memref<10240x64xf32, #tpu.memory_space<vmem_shared>>
        tpu.wait_indirect_dma semaphore(%arg14 : memref<!tpu.dma_semaphore, #tpu.memory_space<semaphore_mem>>) src(%arg9 : memref<128x64xf32, #tpu.memory_space<vmem>>) dst(%dma_wait3A_91 : memref<10240x64xf32, #tpu.memory_space<vmem_shared>>)
        %add3A_92 = arith.constant 1 : i32
        %add3A_93 = arith.addi %add3A_73, %add3A_92 : i32
        %dma_start3A_94 = arith.constant 0 : i32
        %dma_start3A_95 = tpu.memref_slice %arg7[%add3A_93, %dma_start3A_94] : memref<110x128xi32, #tpu.memory_space<vmem>> -> memref<1x128xi32, #tpu.memory_space<vmem>>
        %dma_start3A_96 = tpu.memref_squeeze %dma_start3A_95 : memref<1x128xi32, #tpu.memory_space<vmem>> -> memref<128xi32, #tpu.memory_space<vmem>>
        %dma_start3A_97 = arith.constant 0 : i32
        %dma_start3A_98 = arith.constant 0 : i32
        %dma_start3A_99 = tpu.memref_slice %arg2[%dma_start3A_97, %dma_start3A_98] : memref<10240x64xf32, #tpu.memory_space<hbm>> -> memref<10240x64xf32, #tpu.memory_space<hbm>>
        tpu.enqueue_indirect_dma source(%dma_start3A_99 : memref<10240x64xf32, #tpu.memory_space<hbm>>) target(%arg9 : memref<128x64xf32, #tpu.memory_space<vmem>>) offsets(%dma_start3A_96 : memref<128xi32, #tpu.memory_space<vmem>>) semaphore(%arg12 : memref<!tpu.dma_semaphore, #tpu.memory_space<semaphore_mem>>)
        %mul3A_100 = arith.constant 2 : i32
        %mul3A_101 = arith.muli %mul3A_100, %scan3A_70 : i32
        %add3A_102 = arith.constant 2 : i32
        %add3A_103 = arith.addi %mul3A_101, %add3A_102 : i32
        %dma_wait3A_104 = arith.constant 0 : i32
        %dma_wait3A_105 = tpu.memref_slice %arg7[%add3A_103, %dma_wait3A_104] : memref<110x128xi32, #tpu.memory_space<vmem>> -> memref<1x128xi32, #tpu.memory_space<vmem>>
        %dma_wait3A_106 = tpu.memref_squeeze %dma_wait3A_105 : memref<1x128xi32, #tpu.memory_space<vmem>> -> memref<128xi32, #tpu.memory_space<vmem>>
        %dma_wait3A_107 = arith.constant 0 : i32
        %dma_wait3A_108 = arith.constant 0 : i32
        %dma_wait3A_109 = tpu.memref_slice %arg2[%dma_wait3A_107, %dma_wait3A_108] : memref<10240x64xf32, #tpu.memory_space<hbm>> -> memref<10240x64xf32, #tpu.memory_space<hbm>>
        tpu.wait_indirect_dma semaphore(%arg12 : memref<!tpu.dma_semaphore, #tpu.memory_space<semaphore_mem>>) src(%dma_wait3A_109 : memref<10240x64xf32, #tpu.memory_space<hbm>>) dst(%arg9 : memref<128x64xf32, #tpu.memory_space<vmem>>)
        %dma_start3A_110 = arith.constant 0 : i32
        %dma_start3A_111 = tpu.memref_slice %arg8[%add3A_103, %dma_start3A_110] : memref<110x128xi32, #tpu.memory_space<vmem>> -> memref<1x128xi32, #tpu.memory_space<vmem>>
        %dma_start3A_112 = tpu.memref_squeeze %dma_start3A_111 : memref<1x128xi32, #tpu.memory_space<vmem>> -> memref<128xi32, #tpu.memory_space<vmem>>
        %dma_start3A_113 = arith.constant 0 : i32
        %dma_start3A_114 = arith.constant 0 : i32
        %dma_start3A_115 = tpu.memref_slice %arg11[%dma_start3A_113, %dma_start3A_114] : memref<10240x64xf32, #tpu.memory_space<vmem_shared>> -> memref<10240x64xf32, #tpu.memory_space<vmem_shared>>
        tpu.enqueue_indirect_dma source(%arg9 : memref<128x64xf32, #tpu.memory_space<vmem>>) target(%dma_start3A_115 : memref<10240x64xf32, #tpu.memory_space<vmem_shared>>) offsets(%dma_start3A_112 : memref<128xi32, #tpu.memory_space<vmem>>) semaphore(%arg14 : memref<!tpu.dma_semaphore, #tpu.memory_space<semaphore_mem>>) {add = true}
        %dma_wait3A_116 = arith.constant 0 : i32
        %dma_wait3A_117 = tpu.memref_slice %arg8[%add3A_103, %dma_wait3A_116] : memref<110x128xi32, #tpu.memory_space<vmem>> -> memref<1x128xi32, #tpu.memory_space<vmem>>
        %dma_wait3A_118 = tpu.memref_squeeze %dma_wait3A_117 : memref<1x128xi32, #tpu.memory_space<vmem>> -> memref<128xi32, #tpu.memory_space<vmem>>
        %dma_wait3A_119 = arith.constant 0 : i32
        %dma_wait3A_120 = arith.constant 0 : i32
        %dma_wait3A_121 = tpu.memref_slice %arg11[%dma_wait3A_119, %dma_wait3A_120] : memref<10240x64xf32, #tpu.memory_space<vmem_shared>> -> memref<10240x64xf32, #tpu.memory_space<vmem_shared>>
        tpu.wait_indirect_dma semaphore(%arg15 : memref<!tpu.dma_semaphore, #tpu.memory_space<semaphore_mem>>) src(%arg10 : memref<128x64xf32, #tpu.memory_space<vmem>>) dst(%dma_wait3A_121 : memref<10240x64xf32, #tpu.memory_space<vmem_shared>>)
        %add3A_122 = arith.constant 1 : i32
        %add3A_123 = arith.addi %add3A_103, %add3A_122 : i32
        %dma_start3A_124 = arith.constant 0 : i32
        %dma_start3A_125 = tpu.memref_slice %arg7[%add3A_123, %dma_start3A_124] : memref<110x128xi32, #tpu.memory_space<vmem>> -> memref<1x128xi32, #tpu.memory_space<vmem>>
        %dma_start3A_126 = tpu.memref_squeeze %dma_start3A_125 : memref<1x128xi32, #tpu.memory_space<vmem>> -> memref<128xi32, #tpu.memory_space<vmem>>
        %dma_start3A_127 = arith.constant 0 : i32
        %dma_start3A_128 = arith.constant 0 : i32
        %dma_start3A_129 = tpu.memref_slice %arg2[%dma_start3A_127, %dma_start3A_128] : memref<10240x64xf32, #tpu.memory_space<hbm>> -> memref<10240x64xf32, #tpu.memory_space<hbm>>
        tpu.enqueue_indirect_dma source(%dma_start3A_129 : memref<10240x64xf32, #tpu.memory_space<hbm>>) target(%arg10 : memref<128x64xf32, #tpu.memory_space<vmem>>) offsets(%dma_start3A_126 : memref<128xi32, #tpu.memory_space<vmem>>) semaphore(%arg13 : memref<!tpu.dma_semaphore, #tpu.memory_space<semaphore_mem>>)
      }
      %scan3A_41 = arith.constant 54 : i32
      %dma_wait3A_42 = arith.constant 109 : i32
      %dma_wait3A_43 = arith.constant 0 : i32
      %dma_wait3A_44 = tpu.memref_slice %arg7[%dma_wait3A_42, %dma_wait3A_43] : memref<110x128xi32, #tpu.memory_space<vmem>> -> memref<1x128xi32, #tpu.memory_space<vmem>>
      %dma_wait3A_45 = tpu.memref_squeeze %dma_wait3A_44 : memref<1x128xi32, #tpu.memory_space<vmem>> -> memref<128xi32, #tpu.memory_space<vmem>>
      %dma_wait3A_46 = arith.constant 0 : i32
      %dma_wait3A_47 = arith.constant 0 : i32
      %dma_wait3A_48 = tpu.memref_slice %arg2[%dma_wait3A_46, %dma_wait3A_47] : memref<10240x64xf32, #tpu.memory_space<hbm>> -> memref<10240x64xf32, #tpu.memory_space<hbm>>
      tpu.wait_indirect_dma semaphore(%arg13 : memref<!tpu.dma_semaphore, #tpu.memory_space<semaphore_mem>>) src(%dma_wait3A_48 : memref<10240x64xf32, #tpu.memory_space<hbm>>) dst(%arg10 : memref<128x64xf32, #tpu.memory_space<vmem>>)
      %dma_start3A_49 = arith.constant 109 : i32
      %dma_start3A_50 = arith.constant 0 : i32
      %dma_start3A_51 = tpu.memref_slice %arg8[%dma_start3A_49, %dma_start3A_50] : memref<110x128xi32, #tpu.memory_space<vmem>> -> memref<1x128xi32, #tpu.memory_space<vmem>>
      %dma_start3A_52 = tpu.memref_squeeze %dma_start3A_51 : memref<1x128xi32, #tpu.memory_space<vmem>> -> memref<128xi32, #tpu.memory_space<vmem>>
      %dma_start3A_53 = arith.constant 0 : i32
      %dma_start3A_54 = arith.constant 0 : i32
      %dma_start3A_55 = tpu.memref_slice %arg11[%dma_start3A_53, %dma_start3A_54] : memref<10240x64xf32, #tpu.memory_space<vmem_shared>> -> memref<10240x64xf32, #tpu.memory_space<vmem_shared>>
      tpu.enqueue_indirect_dma source(%arg10 : memref<128x64xf32, #tpu.memory_space<vmem>>) target(%dma_start3A_55 : memref<10240x64xf32, #tpu.memory_space<vmem_shared>>) offsets(%dma_start3A_52 : memref<128xi32, #tpu.memory_space<vmem>>) semaphore(%arg15 : memref<!tpu.dma_semaphore, #tpu.memory_space<semaphore_mem>>) {add = true}
      %dma_wait3A_56 = arith.constant 0 : i32
      %dma_wait3A_57 = arith.constant 0 : i32
      %dma_wait3A_58 = tpu.memref_slice %arg8[%dma_wait3A_56, %dma_wait3A_57] : memref<110x128xi32, #tpu.memory_space<vmem>> -> memref<1x128xi32, #tpu.memory_space<vmem>>
      %dma_wait3A_59 = tpu.memref_squeeze %dma_wait3A_58 : memref<1x128xi32, #tpu.memory_space<vmem>> -> memref<128xi32, #tpu.memory_space<vmem>>
      %dma_wait3A_60 = arith.constant 0 : i32
      %dma_wait3A_61 = arith.constant 0 : i32
      %dma_wait3A_62 = tpu.memref_slice %arg11[%dma_wait3A_60, %dma_wait3A_61] : memref<10240x64xf32, #tpu.memory_space<vmem_shared>> -> memref<10240x64xf32, #tpu.memory_space<vmem_shared>>
      tpu.wait_indirect_dma semaphore(%arg14 : memref<!tpu.dma_semaphore, #tpu.memory_space<semaphore_mem>>) src(%arg9 : memref<128x64xf32, #tpu.memory_space<vmem>>) dst(%dma_wait3A_62 : memref<10240x64xf32, #tpu.memory_space<vmem_shared>>)
      %dma_wait3A_63 = arith.constant 0 : i32
      %dma_wait3A_64 = arith.constant 0 : i32
      %dma_wait3A_65 = tpu.memref_slice %arg8[%dma_wait3A_63, %dma_wait3A_64] : memref<110x128xi32, #tpu.memory_space<vmem>> -> memref<1x128xi32, #tpu.memory_space<vmem>>
      %dma_wait3A_66 = tpu.memref_squeeze %dma_wait3A_65 : memref<1x128xi32, #tpu.memory_space<vmem>> -> memref<128xi32, #tpu.memory_space<vmem>>
      %dma_wait3A_67 = arith.constant 0 : i32
      %dma_wait3A_68 = arith.constant 0 : i32
      %dma_wait3A_69 = tpu.memref_slice %arg11[%dma_wait3A_67, %dma_wait3A_68] : memref<10240x64xf32, #tpu.memory_space<vmem_shared>> -> memref<10240x64xf32, #tpu.memory_space<vmem_shared>>
      tpu.wait_indirect_dma semaphore(%arg15 : memref<!tpu.dma_semaphore, #tpu.memory_space<semaphore_mem>>) src(%arg10 : memref<128x64xf32, #tpu.memory_space<vmem>>) dst(%dma_wait3A_69 : memref<10240x64xf32, #tpu.memory_space<vmem_shared>>)
    } else {
    }
    %eq3A_3 = arith.constant 1 : i32
    %eq3A_4 = arith.cmpi eq, %arg0, %eq3A_3 : i32
    %convert_element_type3A_5 = arith.extui %eq3A_4 : i1 to i32
    %cond3A_6 = arith.constant 0 : i32
    %cond3A_7 = arith.cmpi ne, %convert_element_type3A_5, %cond3A_6 : i32
    scf.if %cond3A_7 {
      %mul3A_9 = arith.constant 50 : i32
      %mul3A_10 = arith.muli %arg1, %mul3A_9 : i32
      %add3A = arith.constant 1760 : i32
      %add3A_11 = arith.addi %add3A, %mul3A_10 : i32
      "tpu.region"() ({
        %run_scoped3A = tpu.sem_alloc : memref<!tpu.dma_semaphore, #tpu.memory_space<semaphore_mem>>
        %dma_start3A_71 = arith.constant 0 : i32
        %dma_start3A_72 = arith.constant 0 : i32
        %dma_start3A_73 = tpu.memref_slice %arg7[%dma_start3A_71, %dma_start3A_72] : memref<110x128xi32, #tpu.memory_space<vmem>> -> memref<50x128xi32, #tpu.memory_space<vmem>>
        %dma_start3A_74 = arith.constant 0 : i32
        %dma_start3A_75 = tpu.memref_slice %arg3[%add3A_11, %dma_start3A_74] : memref<2560x128xi32, #tpu.memory_space<hbm>> -> memref<50x128xi32, #tpu.memory_space<hbm>>
        %dma_start3A_76 = arith.constant 0 : i32
        %dma_start3A_77 = arith.constant 0 : i32
        %dma_start3A_78 = tpu.memref_slice %arg7[%dma_start3A_76, %dma_start3A_77] : memref<110x128xi32, #tpu.memory_space<vmem>> -> memref<50x128xi32, #tpu.memory_space<vmem>>
        %dma_start3A_79 = arith.constant 0 : i32
        %dma_start3A_80 = tpu.memref_slice %arg3[%add3A_11, %dma_start3A_79] : memref<2560x128xi32, #tpu.memory_space<hbm>> -> memref<50x128xi32, #tpu.memory_space<hbm>>
        tpu.enqueue_dma source(%dma_start3A_80 : memref<50x128xi32, #tpu.memory_space<hbm>>) target(%dma_start3A_78 : memref<50x128xi32, #tpu.memory_space<vmem>>) target_semaphore(%run_scoped3A : memref<!tpu.dma_semaphore, #tpu.memory_space<semaphore_mem>>)
        %dma_wait3A_81 = arith.constant 0 : i32
        %dma_wait3A_82 = arith.constant 0 : i32
        %dma_wait3A_83 = tpu.memref_slice %arg7[%dma_wait3A_81, %dma_wait3A_82] : memref<110x128xi32, #tpu.memory_space<vmem>> -> memref<50x128xi32, #tpu.memory_space<vmem>>
        %dma_wait3A_84 = arith.constant 0 : i32
        %dma_wait3A_85 = tpu.memref_slice %arg3[%add3A_11, %dma_wait3A_84] : memref<2560x128xi32, #tpu.memory_space<hbm>> -> memref<50x128xi32, #tpu.memory_space<hbm>>
        %dma_wait3A_86 = arith.constant 0 : i32
        %dma_wait3A_87 = arith.constant 0 : i32
        %dma_wait3A_88 = tpu.memref_slice %arg7[%dma_wait3A_86, %dma_wait3A_87] : memref<110x128xi32, #tpu.memory_space<vmem>> -> memref<50x128xi32, #tpu.memory_space<vmem>>
        %dma_wait3A_89 = arith.constant 0 : i32
        %dma_wait3A_90 = tpu.memref_slice %arg3[%add3A_11, %dma_wait3A_89] : memref<2560x128xi32, #tpu.memory_space<hbm>> -> memref<50x128xi32, #tpu.memory_space<hbm>>
        tpu.wait_dma2 semaphore(%run_scoped3A : memref<!tpu.dma_semaphore, #tpu.memory_space<semaphore_mem>>) src(%dma_wait3A_90 : memref<50x128xi32, #tpu.memory_space<hbm>>) dst(%dma_wait3A_88 : memref<50x128xi32, #tpu.memory_space<vmem>>)
        tpu.yield
      }) : () -> ()
      "tpu.region"() ({
        %run_scoped3A = tpu.sem_alloc : memref<!tpu.dma_semaphore, #tpu.memory_space<semaphore_mem>>
        %dma_start3A_71 = arith.constant 0 : i32
        %dma_start3A_72 = arith.constant 0 : i32
        %dma_start3A_73 = tpu.memref_slice %arg8[%dma_start3A_71, %dma_start3A_72] : memref<110x128xi32, #tpu.memory_space<vmem>> -> memref<50x128xi32, #tpu.memory_space<vmem>>
        %dma_start3A_74 = arith.constant 0 : i32
        %dma_start3A_75 = tpu.memref_slice %arg4[%add3A_11, %dma_start3A_74] : memref<2560x128xi32, #tpu.memory_space<hbm>> -> memref<50x128xi32, #tpu.memory_space<hbm>>
        %dma_start3A_76 = arith.constant 0 : i32
        %dma_start3A_77 = arith.constant 0 : i32
        %dma_start3A_78 = tpu.memref_slice %arg8[%dma_start3A_76, %dma_start3A_77] : memref<110x128xi32, #tpu.memory_space<vmem>> -> memref<50x128xi32, #tpu.memory_space<vmem>>
        %dma_start3A_79 = arith.constant 0 : i32
        %dma_start3A_80 = tpu.memref_slice %arg4[%add3A_11, %dma_start3A_79] : memref<2560x128xi32, #tpu.memory_space<hbm>> -> memref<50x128xi32, #tpu.memory_space<hbm>>
        tpu.enqueue_dma source(%dma_start3A_80 : memref<50x128xi32, #tpu.memory_space<hbm>>) target(%dma_start3A_78 : memref<50x128xi32, #tpu.memory_space<vmem>>) target_semaphore(%run_scoped3A : memref<!tpu.dma_semaphore, #tpu.memory_space<semaphore_mem>>)
        %dma_wait3A_81 = arith.constant 0 : i32
        %dma_wait3A_82 = arith.constant 0 : i32
        %dma_wait3A_83 = tpu.memref_slice %arg8[%dma_wait3A_81, %dma_wait3A_82] : memref<110x128xi32, #tpu.memory_space<vmem>> -> memref<50x128xi32, #tpu.memory_space<vmem>>
        %dma_wait3A_84 = arith.constant 0 : i32
        %dma_wait3A_85 = tpu.memref_slice %arg4[%add3A_11, %dma_wait3A_84] : memref<2560x128xi32, #tpu.memory_space<hbm>> -> memref<50x128xi32, #tpu.memory_space<hbm>>
        %dma_wait3A_86 = arith.constant 0 : i32
        %dma_wait3A_87 = arith.constant 0 : i32
        %dma_wait3A_88 = tpu.memref_slice %arg8[%dma_wait3A_86, %dma_wait3A_87] : memref<110x128xi32, #tpu.memory_space<vmem>> -> memref<50x128xi32, #tpu.memory_space<vmem>>
        %dma_wait3A_89 = arith.constant 0 : i32
        %dma_wait3A_90 = tpu.memref_slice %arg4[%add3A_11, %dma_wait3A_89] : memref<2560x128xi32, #tpu.memory_space<hbm>> -> memref<50x128xi32, #tpu.memory_space<hbm>>
        tpu.wait_dma2 semaphore(%run_scoped3A : memref<!tpu.dma_semaphore, #tpu.memory_space<semaphore_mem>>) src(%dma_wait3A_90 : memref<50x128xi32, #tpu.memory_space<hbm>>) dst(%dma_wait3A_88 : memref<50x128xi32, #tpu.memory_space<vmem>>)
        tpu.yield
      }) : () -> ()
      %dma_start3A = arith.constant 0 : i32
      %dma_start3A_12 = arith.constant 0 : i32
      %dma_start3A_13 = tpu.memref_slice %arg7[%dma_start3A, %dma_start3A_12] : memref<110x128xi32, #tpu.memory_space<vmem>> -> memref<1x128xi32, #tpu.memory_space<vmem>>
      %dma_start3A_14 = tpu.memref_squeeze %dma_start3A_13 : memref<1x128xi32, #tpu.memory_space<vmem>> -> memref<128xi32, #tpu.memory_space<vmem>>
      %dma_start3A_15 = arith.constant 0 : i32
      %dma_start3A_16 = arith.constant 0 : i32
      %dma_start3A_17 = tpu.memref_slice %arg2[%dma_start3A_15, %dma_start3A_16] : memref<10240x64xf32, #tpu.memory_space<hbm>> -> memref<10240x64xf32, #tpu.memory_space<hbm>>
      tpu.enqueue_indirect_dma source(%dma_start3A_17 : memref<10240x64xf32, #tpu.memory_space<hbm>>) target(%arg9 : memref<128x64xf32, #tpu.memory_space<vmem>>) offsets(%dma_start3A_14 : memref<128xi32, #tpu.memory_space<vmem>>) semaphore(%arg12 : memref<!tpu.dma_semaphore, #tpu.memory_space<semaphore_mem>>)
      %dma_wait3A = arith.constant 0 : i32
      %dma_wait3A_18 = arith.constant 0 : i32
      %dma_wait3A_19 = tpu.memref_slice %arg7[%dma_wait3A, %dma_wait3A_18] : memref<110x128xi32, #tpu.memory_space<vmem>> -> memref<1x128xi32, #tpu.memory_space<vmem>>
      %dma_wait3A_20 = tpu.memref_squeeze %dma_wait3A_19 : memref<1x128xi32, #tpu.memory_space<vmem>> -> memref<128xi32, #tpu.memory_space<vmem>>
      %dma_wait3A_21 = arith.constant 0 : i32
      %dma_wait3A_22 = arith.constant 0 : i32
      %dma_wait3A_23 = tpu.memref_slice %arg2[%dma_wait3A_21, %dma_wait3A_22] : memref<10240x64xf32, #tpu.memory_space<hbm>> -> memref<10240x64xf32, #tpu.memory_space<hbm>>
      tpu.wait_indirect_dma semaphore(%arg12 : memref<!tpu.dma_semaphore, #tpu.memory_space<semaphore_mem>>) src(%dma_wait3A_23 : memref<10240x64xf32, #tpu.memory_space<hbm>>) dst(%arg9 : memref<128x64xf32, #tpu.memory_space<vmem>>)
      %dma_start3A_24 = arith.constant 0 : i32
      %dma_start3A_25 = arith.constant 0 : i32
      %dma_start3A_26 = tpu.memref_slice %arg8[%dma_start3A_24, %dma_start3A_25] : memref<110x128xi32, #tpu.memory_space<vmem>> -> memref<1x128xi32, #tpu.memory_space<vmem>>
      %dma_start3A_27 = tpu.memref_squeeze %dma_start3A_26 : memref<1x128xi32, #tpu.memory_space<vmem>> -> memref<128xi32, #tpu.memory_space<vmem>>
      %dma_start3A_28 = arith.constant 0 : i32
      %dma_start3A_29 = arith.constant 0 : i32
      %dma_start3A_30 = tpu.memref_slice %arg11[%dma_start3A_28, %dma_start3A_29] : memref<10240x64xf32, #tpu.memory_space<vmem_shared>> -> memref<10240x64xf32, #tpu.memory_space<vmem_shared>>
      tpu.enqueue_indirect_dma source(%arg9 : memref<128x64xf32, #tpu.memory_space<vmem>>) target(%dma_start3A_30 : memref<10240x64xf32, #tpu.memory_space<vmem_shared>>) offsets(%dma_start3A_27 : memref<128xi32, #tpu.memory_space<vmem>>) semaphore(%arg14 : memref<!tpu.dma_semaphore, #tpu.memory_space<semaphore_mem>>) {add = true}
      %dma_start3A_31 = arith.constant 1 : i32
      %dma_start3A_32 = arith.constant 0 : i32
      %dma_start3A_33 = tpu.memref_slice %arg7[%dma_start3A_31, %dma_start3A_32] : memref<110x128xi32, #tpu.memory_space<vmem>> -> memref<1x128xi32, #tpu.memory_space<vmem>>
      %dma_start3A_34 = tpu.memref_squeeze %dma_start3A_33 : memref<1x128xi32, #tpu.memory_space<vmem>> -> memref<128xi32, #tpu.memory_space<vmem>>
      %dma_start3A_35 = arith.constant 0 : i32
      %dma_start3A_36 = arith.constant 0 : i32
      %dma_start3A_37 = tpu.memref_slice %arg2[%dma_start3A_35, %dma_start3A_36] : memref<10240x64xf32, #tpu.memory_space<hbm>> -> memref<10240x64xf32, #tpu.memory_space<hbm>>
      tpu.enqueue_indirect_dma source(%dma_start3A_37 : memref<10240x64xf32, #tpu.memory_space<hbm>>) target(%arg10 : memref<128x64xf32, #tpu.memory_space<vmem>>) offsets(%dma_start3A_34 : memref<128xi32, #tpu.memory_space<vmem>>) semaphore(%arg13 : memref<!tpu.dma_semaphore, #tpu.memory_space<semaphore_mem>>)
      %scan3A = arith.constant 0 : i32
      %scan3A_38 = arith.constant 0 : i32
      %scan3A_39 = arith.constant 24 : i32
      %scan3A_40 = arith.addi %scan3A_38, %scan3A_39 : i32
      %scan3A_41 = arith.constant 1 : i32
      scf.for %scan3A_71 = %scan3A_38 to %scan3A_40 step %scan3A_41  : i32 {
        %mul3A_72 = arith.constant 2 : i32
        %mul3A_73 = arith.muli %mul3A_72, %scan3A_71 : i32
        %add3A_74 = arith.constant 1 : i32
        %add3A_75 = arith.addi %mul3A_73, %add3A_74 : i32
        %dma_wait3A_76 = arith.constant 0 : i32
        %dma_wait3A_77 = tpu.memref_slice %arg7[%add3A_75, %dma_wait3A_76] : memref<110x128xi32, #tpu.memory_space<vmem>> -> memref<1x128xi32, #tpu.memory_space<vmem>>
        %dma_wait3A_78 = tpu.memref_squeeze %dma_wait3A_77 : memref<1x128xi32, #tpu.memory_space<vmem>> -> memref<128xi32, #tpu.memory_space<vmem>>
        %dma_wait3A_79 = arith.constant 0 : i32
        %dma_wait3A_80 = arith.constant 0 : i32
        %dma_wait3A_81 = tpu.memref_slice %arg2[%dma_wait3A_79, %dma_wait3A_80] : memref<10240x64xf32, #tpu.memory_space<hbm>> -> memref<10240x64xf32, #tpu.memory_space<hbm>>
        tpu.wait_indirect_dma semaphore(%arg13 : memref<!tpu.dma_semaphore, #tpu.memory_space<semaphore_mem>>) src(%dma_wait3A_81 : memref<10240x64xf32, #tpu.memory_space<hbm>>) dst(%arg10 : memref<128x64xf32, #tpu.memory_space<vmem>>)
        %dma_start3A_82 = arith.constant 0 : i32
        %dma_start3A_83 = tpu.memref_slice %arg8[%add3A_75, %dma_start3A_82] : memref<110x128xi32, #tpu.memory_space<vmem>> -> memref<1x128xi32, #tpu.memory_space<vmem>>
        %dma_start3A_84 = tpu.memref_squeeze %dma_start3A_83 : memref<1x128xi32, #tpu.memory_space<vmem>> -> memref<128xi32, #tpu.memory_space<vmem>>
        %dma_start3A_85 = arith.constant 0 : i32
        %dma_start3A_86 = arith.constant 0 : i32
        %dma_start3A_87 = tpu.memref_slice %arg11[%dma_start3A_85, %dma_start3A_86] : memref<10240x64xf32, #tpu.memory_space<vmem_shared>> -> memref<10240x64xf32, #tpu.memory_space<vmem_shared>>
        tpu.enqueue_indirect_dma source(%arg10 : memref<128x64xf32, #tpu.memory_space<vmem>>) target(%dma_start3A_87 : memref<10240x64xf32, #tpu.memory_space<vmem_shared>>) offsets(%dma_start3A_84 : memref<128xi32, #tpu.memory_space<vmem>>) semaphore(%arg15 : memref<!tpu.dma_semaphore, #tpu.memory_space<semaphore_mem>>) {add = true}
        %dma_wait3A_88 = arith.constant 0 : i32
        %dma_wait3A_89 = tpu.memref_slice %arg8[%add3A_75, %dma_wait3A_88] : memref<110x128xi32, #tpu.memory_space<vmem>> -> memref<1x128xi32, #tpu.memory_space<vmem>>
        %dma_wait3A_90 = tpu.memref_squeeze %dma_wait3A_89 : memref<1x128xi32, #tpu.memory_space<vmem>> -> memref<128xi32, #tpu.memory_space<vmem>>
        %dma_wait3A_91 = arith.constant 0 : i32
        %dma_wait3A_92 = arith.constant 0 : i32
        %dma_wait3A_93 = tpu.memref_slice %arg11[%dma_wait3A_91, %dma_wait3A_92] : memref<10240x64xf32, #tpu.memory_space<vmem_shared>> -> memref<10240x64xf32, #tpu.memory_space<vmem_shared>>
        tpu.wait_indirect_dma semaphore(%arg14 : memref<!tpu.dma_semaphore, #tpu.memory_space<semaphore_mem>>) src(%arg9 : memref<128x64xf32, #tpu.memory_space<vmem>>) dst(%dma_wait3A_93 : memref<10240x64xf32, #tpu.memory_space<vmem_shared>>)
        %add3A_94 = arith.constant 1 : i32
        %add3A_95 = arith.addi %add3A_75, %add3A_94 : i32
        %dma_start3A_96 = arith.constant 0 : i32
        %dma_start3A_97 = tpu.memref_slice %arg7[%add3A_95, %dma_start3A_96] : memref<110x128xi32, #tpu.memory_space<vmem>> -> memref<1x128xi32, #tpu.memory_space<vmem>>
        %dma_start3A_98 = tpu.memref_squeeze %dma_start3A_97 : memref<1x128xi32, #tpu.memory_space<vmem>> -> memref<128xi32, #tpu.memory_space<vmem>>
        %dma_start3A_99 = arith.constant 0 : i32
        %dma_start3A_100 = arith.constant 0 : i32
        %dma_start3A_101 = tpu.memref_slice %arg2[%dma_start3A_99, %dma_start3A_100] : memref<10240x64xf32, #tpu.memory_space<hbm>> -> memref<10240x64xf32, #tpu.memory_space<hbm>>
        tpu.enqueue_indirect_dma source(%dma_start3A_101 : memref<10240x64xf32, #tpu.memory_space<hbm>>) target(%arg9 : memref<128x64xf32, #tpu.memory_space<vmem>>) offsets(%dma_start3A_98 : memref<128xi32, #tpu.memory_space<vmem>>) semaphore(%arg12 : memref<!tpu.dma_semaphore, #tpu.memory_space<semaphore_mem>>)
        %mul3A_102 = arith.constant 2 : i32
        %mul3A_103 = arith.muli %mul3A_102, %scan3A_71 : i32
        %add3A_104 = arith.constant 2 : i32
        %add3A_105 = arith.addi %mul3A_103, %add3A_104 : i32
        %dma_wait3A_106 = arith.constant 0 : i32
        %dma_wait3A_107 = tpu.memref_slice %arg7[%add3A_105, %dma_wait3A_106] : memref<110x128xi32, #tpu.memory_space<vmem>> -> memref<1x128xi32, #tpu.memory_space<vmem>>
        %dma_wait3A_108 = tpu.memref_squeeze %dma_wait3A_107 : memref<1x128xi32, #tpu.memory_space<vmem>> -> memref<128xi32, #tpu.memory_space<vmem>>
        %dma_wait3A_109 = arith.constant 0 : i32
        %dma_wait3A_110 = arith.constant 0 : i32
        %dma_wait3A_111 = tpu.memref_slice %arg2[%dma_wait3A_109, %dma_wait3A_110] : memref<10240x64xf32, #tpu.memory_space<hbm>> -> memref<10240x64xf32, #tpu.memory_space<hbm>>
        tpu.wait_indirect_dma semaphore(%arg12 : memref<!tpu.dma_semaphore, #tpu.memory_space<semaphore_mem>>) src(%dma_wait3A_111 : memref<10240x64xf32, #tpu.memory_space<hbm>>) dst(%arg9 : memref<128x64xf32, #tpu.memory_space<vmem>>)
        %dma_start3A_112 = arith.constant 0 : i32
        %dma_start3A_113 = tpu.memref_slice %arg8[%add3A_105, %dma_start3A_112] : memref<110x128xi32, #tpu.memory_space<vmem>> -> memref<1x128xi32, #tpu.memory_space<vmem>>
        %dma_start3A_114 = tpu.memref_squeeze %dma_start3A_113 : memref<1x128xi32, #tpu.memory_space<vmem>> -> memref<128xi32, #tpu.memory_space<vmem>>
        %dma_start3A_115 = arith.constant 0 : i32
        %dma_start3A_116 = arith.constant 0 : i32
        %dma_start3A_117 = tpu.memref_slice %arg11[%dma_start3A_115, %dma_start3A_116] : memref<10240x64xf32, #tpu.memory_space<vmem_shared>> -> memref<10240x64xf32, #tpu.memory_space<vmem_shared>>
        tpu.enqueue_indirect_dma source(%arg9 : memref<128x64xf32, #tpu.memory_space<vmem>>) target(%dma_start3A_117 : memref<10240x64xf32, #tpu.memory_space<vmem_shared>>) offsets(%dma_start3A_114 : memref<128xi32, #tpu.memory_space<vmem>>) semaphore(%arg14 : memref<!tpu.dma_semaphore, #tpu.memory_space<semaphore_mem>>) {add = true}
        %dma_wait3A_118 = arith.constant 0 : i32
        %dma_wait3A_119 = tpu.memref_slice %arg8[%add3A_105, %dma_wait3A_118] : memref<110x128xi32, #tpu.memory_space<vmem>> -> memref<1x128xi32, #tpu.memory_space<vmem>>
        %dma_wait3A_120 = tpu.memref_squeeze %dma_wait3A_119 : memref<1x128xi32, #tpu.memory_space<vmem>> -> memref<128xi32, #tpu.memory_space<vmem>>
        %dma_wait3A_121 = arith.constant 0 : i32
        %dma_wait3A_122 = arith.constant 0 : i32
        %dma_wait3A_123 = tpu.memref_slice %arg11[%dma_wait3A_121, %dma_wait3A_122] : memref<10240x64xf32, #tpu.memory_space<vmem_shared>> -> memref<10240x64xf32, #tpu.memory_space<vmem_shared>>
        tpu.wait_indirect_dma semaphore(%arg15 : memref<!tpu.dma_semaphore, #tpu.memory_space<semaphore_mem>>) src(%arg10 : memref<128x64xf32, #tpu.memory_space<vmem>>) dst(%dma_wait3A_123 : memref<10240x64xf32, #tpu.memory_space<vmem_shared>>)
        %add3A_124 = arith.constant 1 : i32
        %add3A_125 = arith.addi %add3A_105, %add3A_124 : i32
        %dma_start3A_126 = arith.constant 0 : i32
        %dma_start3A_127 = tpu.memref_slice %arg7[%add3A_125, %dma_start3A_126] : memref<110x128xi32, #tpu.memory_space<vmem>> -> memref<1x128xi32, #tpu.memory_space<vmem>>
        %dma_start3A_128 = tpu.memref_squeeze %dma_start3A_127 : memref<1x128xi32, #tpu.memory_space<vmem>> -> memref<128xi32, #tpu.memory_space<vmem>>
        %dma_start3A_129 = arith.constant 0 : i32
        %dma_start3A_130 = arith.constant 0 : i32
        %dma_start3A_131 = tpu.memref_slice %arg2[%dma_start3A_129, %dma_start3A_130] : memref<10240x64xf32, #tpu.memory_space<hbm>> -> memref<10240x64xf32, #tpu.memory_space<hbm>>
        tpu.enqueue_indirect_dma source(%dma_start3A_131 : memref<10240x64xf32, #tpu.memory_space<hbm>>) target(%arg10 : memref<128x64xf32, #tpu.memory_space<vmem>>) offsets(%dma_start3A_128 : memref<128xi32, #tpu.memory_space<vmem>>) semaphore(%arg13 : memref<!tpu.dma_semaphore, #tpu.memory_space<semaphore_mem>>)
      }
      %scan3A_42 = arith.constant 24 : i32
      %dma_wait3A_43 = arith.constant 49 : i32
      %dma_wait3A_44 = arith.constant 0 : i32
      %dma_wait3A_45 = tpu.memref_slice %arg7[%dma_wait3A_43, %dma_wait3A_44] : memref<110x128xi32, #tpu.memory_space<vmem>> -> memref<1x128xi32, #tpu.memory_space<vmem>>
      %dma_wait3A_46 = tpu.memref_squeeze %dma_wait3A_45 : memref<1x128xi32, #tpu.memory_space<vmem>> -> memref<128xi32, #tpu.memory_space<vmem>>
      %dma_wait3A_47 = arith.constant 0 : i32
      %dma_wait3A_48 = arith.constant 0 : i32
      %dma_wait3A_49 = tpu.memref_slice %arg2[%dma_wait3A_47, %dma_wait3A_48] : memref<10240x64xf32, #tpu.memory_space<hbm>> -> memref<10240x64xf32, #tpu.memory_space<hbm>>
      tpu.wait_indirect_dma semaphore(%arg13 : memref<!tpu.dma_semaphore, #tpu.memory_space<semaphore_mem>>) src(%dma_wait3A_49 : memref<10240x64xf32, #tpu.memory_space<hbm>>) dst(%arg10 : memref<128x64xf32, #tpu.memory_space<vmem>>)
      %dma_start3A_50 = arith.constant 49 : i32
      %dma_start3A_51 = arith.constant 0 : i32
      %dma_start3A_52 = tpu.memref_slice %arg8[%dma_start3A_50, %dma_start3A_51] : memref<110x128xi32, #tpu.memory_space<vmem>> -> memref<1x128xi32, #tpu.memory_space<vmem>>
      %dma_start3A_53 = tpu.memref_squeeze %dma_start3A_52 : memref<1x128xi32, #tpu.memory_space<vmem>> -> memref<128xi32, #tpu.memory_space<vmem>>
      %dma_start3A_54 = arith.constant 0 : i32
      %dma_start3A_55 = arith.constant 0 : i32
      %dma_start3A_56 = tpu.memref_slice %arg11[%dma_start3A_54, %dma_start3A_55] : memref<10240x64xf32, #tpu.memory_space<vmem_shared>> -> memref<10240x64xf32, #tpu.memory_space<vmem_shared>>
      tpu.enqueue_indirect_dma source(%arg10 : memref<128x64xf32, #tpu.memory_space<vmem>>) target(%dma_start3A_56 : memref<10240x64xf32, #tpu.memory_space<vmem_shared>>) offsets(%dma_start3A_53 : memref<128xi32, #tpu.memory_space<vmem>>) semaphore(%arg15 : memref<!tpu.dma_semaphore, #tpu.memory_space<semaphore_mem>>) {add = true}
      %dma_wait3A_57 = arith.constant 0 : i32
      %dma_wait3A_58 = arith.constant 0 : i32
      %dma_wait3A_59 = tpu.memref_slice %arg8[%dma_wait3A_57, %dma_wait3A_58] : memref<110x128xi32, #tpu.memory_space<vmem>> -> memref<1x128xi32, #tpu.memory_space<vmem>>
      %dma_wait3A_60 = tpu.memref_squeeze %dma_wait3A_59 : memref<1x128xi32, #tpu.memory_space<vmem>> -> memref<128xi32, #tpu.memory_space<vmem>>
      %dma_wait3A_61 = arith.constant 0 : i32
      %dma_wait3A_62 = arith.constant 0 : i32
      %dma_wait3A_63 = tpu.memref_slice %arg11[%dma_wait3A_61, %dma_wait3A_62] : memref<10240x64xf32, #tpu.memory_space<vmem_shared>> -> memref<10240x64xf32, #tpu.memory_space<vmem_shared>>
      tpu.wait_indirect_dma semaphore(%arg14 : memref<!tpu.dma_semaphore, #tpu.memory_space<semaphore_mem>>) src(%arg9 : memref<128x64xf32, #tpu.memory_space<vmem>>) dst(%dma_wait3A_63 : memref<10240x64xf32, #tpu.memory_space<vmem_shared>>)
      %dma_wait3A_64 = arith.constant 0 : i32
      %dma_wait3A_65 = arith.constant 0 : i32
      %dma_wait3A_66 = tpu.memref_slice %arg8[%dma_wait3A_64, %dma_wait3A_65] : memref<110x128xi32, #tpu.memory_space<vmem>> -> memref<1x128xi32, #tpu.memory_space<vmem>>
      %dma_wait3A_67 = tpu.memref_squeeze %dma_wait3A_66 : memref<1x128xi32, #tpu.memory_space<vmem>> -> memref<128xi32, #tpu.memory_space<vmem>>
      %dma_wait3A_68 = arith.constant 0 : i32
      %dma_wait3A_69 = arith.constant 0 : i32
      %dma_wait3A_70 = tpu.memref_slice %arg11[%dma_wait3A_68, %dma_wait3A_69] : memref<10240x64xf32, #tpu.memory_space<vmem_shared>> -> memref<10240x64xf32, #tpu.memory_space<vmem_shared>>
      tpu.wait_indirect_dma semaphore(%arg15 : memref<!tpu.dma_semaphore, #tpu.memory_space<semaphore_mem>>) src(%arg10 : memref<128x64xf32, #tpu.memory_space<vmem>>) dst(%dma_wait3A_70 : memref<10240x64xf32, #tpu.memory_space<vmem_shared>>)
    } else {
    }
    %barrier3A_8 = arith.constant 0 : index
    tpu.barrier barrier_id(%barrier3A_8)
    "tpu.region"() ({
      %run_scoped3A = tpu.sem_alloc : memref<!tpu.dma_semaphore, #tpu.memory_space<semaphore_mem>>
      %dma_start3A = arith.constant 0 : i32
      %dma_start3A_9 = tpu.memref_slice %arg6[%arg0, %mul3A_0, %dma_start3A] : memref<2x10240x64xf32, #tpu.memory_space<hbm>> -> memref<1x640x64xf32, #tpu.memory_space<hbm>>
      %dma_start3A_10 = tpu.memref_squeeze %dma_start3A_9 : memref<1x640x64xf32, #tpu.memory_space<hbm>> -> memref<640x64xf32, #tpu.memory_space<hbm>>
      %dma_start3A_11 = arith.constant 0 : i32
      %dma_start3A_12 = tpu.memref_slice %arg11[%mul3A_0, %dma_start3A_11] : memref<10240x64xf32, #tpu.memory_space<vmem_shared>> -> memref<640x64xf32, #tpu.memory_space<vmem_shared>>
      tpu.enqueue_dma source(%dma_start3A_12 : memref<640x64xf32, #tpu.memory_space<vmem_shared>>) target(%dma_start3A_10 : memref<640x64xf32, #tpu.memory_space<hbm>>) target_semaphore(%run_scoped3A : memref<!tpu.dma_semaphore, #tpu.memory_space<semaphore_mem>>)
      %dma_wait3A = arith.constant 0 : i32
      %dma_wait3A_13 = tpu.memref_slice %arg6[%arg0, %mul3A_0, %dma_wait3A] : memref<2x10240x64xf32, #tpu.memory_space<hbm>> -> memref<1x640x64xf32, #tpu.memory_space<hbm>>
      %dma_wait3A_14 = tpu.memref_squeeze %dma_wait3A_13 : memref<1x640x64xf32, #tpu.memory_space<hbm>> -> memref<640x64xf32, #tpu.memory_space<hbm>>
      %dma_wait3A_15 = arith.constant 0 : i32
      %dma_wait3A_16 = tpu.memref_slice %arg11[%mul3A_0, %dma_wait3A_15] : memref<10240x64xf32, #tpu.memory_space<vmem_shared>> -> memref<640x64xf32, #tpu.memory_space<vmem_shared>>
      tpu.wait_dma2 semaphore(%run_scoped3A : memref<!tpu.dma_semaphore, #tpu.memory_space<semaphore_mem>>) src(%dma_wait3A_16 : memref<640x64xf32, #tpu.memory_space<vmem_shared>>) dst(%dma_wait3A_14 : memref<640x64xf32, #tpu.memory_space<hbm>>)
      tpu.yield
    }) : () -> ()
    return
  }
}

#map = affine_map<(d0, d1) -> (0, 0)>
#map1 = affine_map<(d0, d1) -> (0, 0, 0)>
module attributes {stable_mosaic.version = 14 : i64} {
  func.func @_deg(%arg0: i32, %arg1: i32, %arg2: memref<2560x128xi32, #tpu.memory_space<hbm>>, %arg3: memref<10240x16xf32, #tpu.memory_space<hbm>>, %arg4: memref<128x16xf32, #tpu.memory_space<hbm>>, %arg5: memref<2x10240x16xf32, #tpu.memory_space<hbm>>, %arg6: memref<80x128xi32, #tpu.memory_space<vmem>>, %arg7: memref<128x16xf32, #tpu.memory_space<vmem>>, %arg8: memref<10240x16xf32, #tpu.memory_space<vmem_shared>>) attributes {dimension_semantics = [#tpu.dimension_semantics<core_parallel>, #tpu.dimension_semantics<subcore_parallel>], iteration_bounds = array<i64: 2, 16>, scalar_prefetch = 0 : i64, scratch_operands = 3 : i64, tpu.core_type = #tpu.core_type<sc_vector_subcore>, window_params = [{transform_indices = #map}, {transform_indices = #map}, {transform_indices = #map}, {transform_indices = #map1}]} {
    %mul3A = arith.constant 16 : i32
    %mul3A_0 = arith.muli %arg0, %mul3A : i32
    %add3A = arith.addi %mul3A_0, %arg1 : i32
    %mul3A_1 = arith.constant 640 : i32
    %mul3A_2 = arith.muli %arg1, %mul3A_1 : i32
    %mul3A_3 = arith.constant 80 : i32
    %mul3A_4 = arith.muli %add3A, %mul3A_3 : i32
    "tpu.region"() ({
      %run_scoped3A = tpu.sem_alloc : memref<!tpu.dma_semaphore, #tpu.memory_space<semaphore_mem>>
      %dma_start3A = arith.constant 0 : i32
      %dma_start3A_11 = tpu.memref_slice %arg2[%mul3A_4, %dma_start3A] : memref<2560x128xi32, #tpu.memory_space<hbm>> -> memref<80x128xi32, #tpu.memory_space<hbm>>
      %dma_start3A_12 = arith.constant 0 : i32
      %dma_start3A_13 = tpu.memref_slice %arg2[%mul3A_4, %dma_start3A_12] : memref<2560x128xi32, #tpu.memory_space<hbm>> -> memref<80x128xi32, #tpu.memory_space<hbm>>
      tpu.enqueue_dma source(%dma_start3A_13 : memref<80x128xi32, #tpu.memory_space<hbm>>) target(%arg6 : memref<80x128xi32, #tpu.memory_space<vmem>>) target_semaphore(%run_scoped3A : memref<!tpu.dma_semaphore, #tpu.memory_space<semaphore_mem>>)
      %dma_wait3A = arith.constant 0 : i32
      %dma_wait3A_14 = tpu.memref_slice %arg2[%mul3A_4, %dma_wait3A] : memref<2560x128xi32, #tpu.memory_space<hbm>> -> memref<80x128xi32, #tpu.memory_space<hbm>>
      %dma_wait3A_15 = arith.constant 0 : i32
      %dma_wait3A_16 = tpu.memref_slice %arg2[%mul3A_4, %dma_wait3A_15] : memref<2560x128xi32, #tpu.memory_space<hbm>> -> memref<80x128xi32, #tpu.memory_space<hbm>>
      tpu.wait_dma2 semaphore(%run_scoped3A : memref<!tpu.dma_semaphore, #tpu.memory_space<semaphore_mem>>) src(%dma_wait3A_16 : memref<80x128xi32, #tpu.memory_space<hbm>>) dst(%arg6 : memref<80x128xi32, #tpu.memory_space<vmem>>)
      tpu.yield
    }) : () -> ()
    "tpu.region"() ({
      %run_scoped3A = tpu.sem_alloc : memref<!tpu.dma_semaphore, #tpu.memory_space<semaphore_mem>>
      tpu.enqueue_dma source(%arg4 : memref<128x16xf32, #tpu.memory_space<hbm>>) target(%arg7 : memref<128x16xf32, #tpu.memory_space<vmem>>) target_semaphore(%run_scoped3A : memref<!tpu.dma_semaphore, #tpu.memory_space<semaphore_mem>>)
      tpu.wait_dma2 semaphore(%run_scoped3A : memref<!tpu.dma_semaphore, #tpu.memory_space<semaphore_mem>>) src(%arg4 : memref<128x16xf32, #tpu.memory_space<hbm>>) dst(%arg7 : memref<128x16xf32, #tpu.memory_space<vmem>>)
      tpu.yield
    }) : () -> ()
    "tpu.region"() ({
      %run_scoped3A = tpu.sem_alloc : memref<!tpu.dma_semaphore, #tpu.memory_space<semaphore_mem>>
      %dma_start3A = arith.constant 0 : i32
      %dma_start3A_11 = tpu.memref_slice %arg8[%mul3A_2, %dma_start3A] : memref<10240x16xf32, #tpu.memory_space<vmem_shared>> -> memref<640x16xf32, #tpu.memory_space<vmem_shared>>
      %dma_start3A_12 = arith.constant 0 : i32
      %dma_start3A_13 = tpu.memref_slice %arg3[%mul3A_2, %dma_start3A_12] : memref<10240x16xf32, #tpu.memory_space<hbm>> -> memref<640x16xf32, #tpu.memory_space<hbm>>
      tpu.enqueue_dma source(%dma_start3A_13 : memref<640x16xf32, #tpu.memory_space<hbm>>) target(%dma_start3A_11 : memref<640x16xf32, #tpu.memory_space<vmem_shared>>) target_semaphore(%run_scoped3A : memref<!tpu.dma_semaphore, #tpu.memory_space<semaphore_mem>>)
      %dma_wait3A = arith.constant 0 : i32
      %dma_wait3A_14 = tpu.memref_slice %arg8[%mul3A_2, %dma_wait3A] : memref<10240x16xf32, #tpu.memory_space<vmem_shared>> -> memref<640x16xf32, #tpu.memory_space<vmem_shared>>
      %dma_wait3A_15 = arith.constant 0 : i32
      %dma_wait3A_16 = tpu.memref_slice %arg3[%mul3A_2, %dma_wait3A_15] : memref<10240x16xf32, #tpu.memory_space<hbm>> -> memref<640x16xf32, #tpu.memory_space<hbm>>
      tpu.wait_dma2 semaphore(%run_scoped3A : memref<!tpu.dma_semaphore, #tpu.memory_space<semaphore_mem>>) src(%dma_wait3A_16 : memref<640x16xf32, #tpu.memory_space<hbm>>) dst(%dma_wait3A_14 : memref<640x16xf32, #tpu.memory_space<vmem_shared>>)
      tpu.yield
    }) : () -> ()
    %barrier3A = arith.constant 0 : index
    tpu.barrier barrier_id(%barrier3A)
    %scan3A = arith.constant 0 : i32
    %scan3A_5 = arith.constant 0 : i32
    %scan3A_6 = arith.constant 80 : i32
    %scan3A_7 = arith.addi %scan3A_5, %scan3A_6 : i32
    %scan3A_8 = arith.constant 1 : i32
    scf.for %scan3A_11 = %scan3A_5 to %scan3A_7 step %scan3A_8  : i32 {
      "tpu.region"() ({
        %run_scoped3A = tpu.sem_alloc : memref<!tpu.dma_semaphore, #tpu.memory_space<semaphore_mem>>
        %dma_start3A = arith.constant 0 : i32
        %dma_start3A_12 = tpu.memref_slice %arg6[%scan3A_11, %dma_start3A] : memref<80x128xi32, #tpu.memory_space<vmem>> -> memref<1x128xi32, #tpu.memory_space<vmem>>
        %dma_start3A_13 = tpu.memref_squeeze %dma_start3A_12 : memref<1x128xi32, #tpu.memory_space<vmem>> -> memref<128xi32, #tpu.memory_space<vmem>>
        %dma_start3A_14 = arith.constant 0 : i32
        %dma_start3A_15 = arith.constant 0 : i32
        %dma_start3A_16 = tpu.memref_slice %arg8[%dma_start3A_14, %dma_start3A_15] : memref<10240x16xf32, #tpu.memory_space<vmem_shared>> -> memref<10240x16xf32, #tpu.memory_space<vmem_shared>>
        tpu.enqueue_indirect_dma source(%arg7 : memref<128x16xf32, #tpu.memory_space<vmem>>) target(%dma_start3A_16 : memref<10240x16xf32, #tpu.memory_space<vmem_shared>>) offsets(%dma_start3A_13 : memref<128xi32, #tpu.memory_space<vmem>>) semaphore(%run_scoped3A : memref<!tpu.dma_semaphore, #tpu.memory_space<semaphore_mem>>) {add = true}
        %dma_wait3A = arith.constant 0 : i32
        %dma_wait3A_17 = tpu.memref_slice %arg6[%scan3A_11, %dma_wait3A] : memref<80x128xi32, #tpu.memory_space<vmem>> -> memref<1x128xi32, #tpu.memory_space<vmem>>
        %dma_wait3A_18 = tpu.memref_squeeze %dma_wait3A_17 : memref<1x128xi32, #tpu.memory_space<vmem>> -> memref<128xi32, #tpu.memory_space<vmem>>
        %dma_wait3A_19 = arith.constant 0 : i32
        %dma_wait3A_20 = arith.constant 0 : i32
        %dma_wait3A_21 = tpu.memref_slice %arg8[%dma_wait3A_19, %dma_wait3A_20] : memref<10240x16xf32, #tpu.memory_space<vmem_shared>> -> memref<10240x16xf32, #tpu.memory_space<vmem_shared>>
        tpu.wait_indirect_dma semaphore(%run_scoped3A : memref<!tpu.dma_semaphore, #tpu.memory_space<semaphore_mem>>) src(%arg7 : memref<128x16xf32, #tpu.memory_space<vmem>>) dst(%dma_wait3A_21 : memref<10240x16xf32, #tpu.memory_space<vmem_shared>>)
        tpu.yield
      }) : () -> ()
    }
    %scan3A_9 = arith.constant 80 : i32
    %barrier3A_10 = arith.constant 0 : index
    tpu.barrier barrier_id(%barrier3A_10)
    "tpu.region"() ({
      %run_scoped3A = tpu.sem_alloc : memref<!tpu.dma_semaphore, #tpu.memory_space<semaphore_mem>>
      %dma_start3A = arith.constant 0 : i32
      %dma_start3A_11 = tpu.memref_slice %arg5[%arg0, %mul3A_2, %dma_start3A] : memref<2x10240x16xf32, #tpu.memory_space<hbm>> -> memref<1x640x16xf32, #tpu.memory_space<hbm>>
      %dma_start3A_12 = tpu.memref_squeeze %dma_start3A_11 : memref<1x640x16xf32, #tpu.memory_space<hbm>> -> memref<640x16xf32, #tpu.memory_space<hbm>>
      %dma_start3A_13 = arith.constant 0 : i32
      %dma_start3A_14 = tpu.memref_slice %arg8[%mul3A_2, %dma_start3A_13] : memref<10240x16xf32, #tpu.memory_space<vmem_shared>> -> memref<640x16xf32, #tpu.memory_space<vmem_shared>>
      tpu.enqueue_dma source(%dma_start3A_14 : memref<640x16xf32, #tpu.memory_space<vmem_shared>>) target(%dma_start3A_12 : memref<640x16xf32, #tpu.memory_space<hbm>>) target_semaphore(%run_scoped3A : memref<!tpu.dma_semaphore, #tpu.memory_space<semaphore_mem>>)
      %dma_wait3A = arith.constant 0 : i32
      %dma_wait3A_15 = tpu.memref_slice %arg5[%arg0, %mul3A_2, %dma_wait3A] : memref<2x10240x16xf32, #tpu.memory_space<hbm>> -> memref<1x640x16xf32, #tpu.memory_space<hbm>>
      %dma_wait3A_16 = tpu.memref_squeeze %dma_wait3A_15 : memref<1x640x16xf32, #tpu.memory_space<hbm>> -> memref<640x16xf32, #tpu.memory_space<hbm>>
      %dma_wait3A_17 = arith.constant 0 : i32
      %dma_wait3A_18 = tpu.memref_slice %arg8[%mul3A_2, %dma_wait3A_17] : memref<10240x16xf32, #tpu.memory_space<vmem_shared>> -> memref<640x16xf32, #tpu.memory_space<vmem_shared>>
      tpu.wait_dma2 semaphore(%run_scoped3A : memref<!tpu.dma_semaphore, #tpu.memory_space<semaphore_mem>>) src(%dma_wait3A_18 : memref<640x16xf32, #tpu.memory_space<vmem_shared>>) dst(%dma_wait3A_16 : memref<640x16xf32, #tpu.memory_space<hbm>>)
      tpu.yield
    }) : () -> ()
    return
  }
}

#map = affine_map<(d0, d1) -> (0, 0)>
#map1 = affine_map<(d0, d1) -> (0, 0, 0)>
module attributes {stable_mosaic.version = 14 : i64} {
  func.func @_agg(%arg0: i32, %arg1: i32, %arg2: memref<10240x64xf32, #tpu.memory_space<hbm>>, %arg3: memref<2560x128xi32, #tpu.memory_space<hbm>>, %arg4: memref<2560x128xi32, #tpu.memory_space<hbm>>, %arg5: memref<10240x64xf32, #tpu.memory_space<hbm>>, %arg6: memref<2x10240x64xf32, #tpu.memory_space<hbm>>, %arg7: memref<110x128xi32, #tpu.memory_space<vmem>>, %arg8: memref<110x128xi32, #tpu.memory_space<vmem>>, %arg9: memref<128x64xf32, #tpu.memory_space<vmem>>, %arg10: memref<128x64xf32, #tpu.memory_space<vmem>>, %arg11: memref<10240x64xf32, #tpu.memory_space<vmem_shared>>, %arg12: memref<!tpu.dma_semaphore, #tpu.memory_space<semaphore_mem>>, %arg13: memref<!tpu.dma_semaphore, #tpu.memory_space<semaphore_mem>>, %arg14: memref<!tpu.dma_semaphore, #tpu.memory_space<semaphore_mem>>, %arg15: memref<!tpu.dma_semaphore, #tpu.memory_space<semaphore_mem>>) attributes {dimension_semantics = [#tpu.dimension_semantics<core_parallel>, #tpu.dimension_semantics<subcore_parallel>], iteration_bounds = array<i64: 2, 16>, scalar_prefetch = 0 : i64, scratch_operands = 9 : i64, tpu.core_type = #tpu.core_type<sc_vector_subcore>, window_params = [{transform_indices = #map}, {transform_indices = #map}, {transform_indices = #map}, {transform_indices = #map}, {transform_indices = #map1}]} {
    %mul3A = arith.constant 640 : i32
    %mul3A_0 = arith.muli %arg1, %mul3A : i32
    "tpu.region"() ({
      %run_scoped3A = tpu.sem_alloc : memref<!tpu.dma_semaphore, #tpu.memory_space<semaphore_mem>>
      %dma_start3A = arith.constant 0 : i32
      %dma_start3A_9 = tpu.memref_slice %arg11[%mul3A_0, %dma_start3A] : memref<10240x64xf32, #tpu.memory_space<vmem_shared>> -> memref<640x64xf32, #tpu.memory_space<vmem_shared>>
      %dma_start3A_10 = arith.constant 0 : i32
      %dma_start3A_11 = tpu.memref_slice %arg5[%mul3A_0, %dma_start3A_10] : memref<10240x64xf32, #tpu.memory_space<hbm>> -> memref<640x64xf32, #tpu.memory_space<hbm>>
      tpu.enqueue_dma source(%dma_start3A_11 : memref<640x64xf32, #tpu.memory_space<hbm>>) target(%dma_start3A_9 : memref<640x64xf32, #tpu.memory_space<vmem_shared>>) target_semaphore(%run_scoped3A : memref<!tpu.dma_semaphore, #tpu.memory_space<semaphore_mem>>)
      %dma_wait3A = arith.constant 0 : i32
      %dma_wait3A_12 = tpu.memref_slice %arg11[%mul3A_0, %dma_wait3A] : memref<10240x64xf32, #tpu.memory_space<vmem_shared>> -> memref<640x64xf32, #tpu.memory_space<vmem_shared>>
      %dma_wait3A_13 = arith.constant 0 : i32
      %dma_wait3A_14 = tpu.memref_slice %arg5[%mul3A_0, %dma_wait3A_13] : memref<10240x64xf32, #tpu.memory_space<hbm>> -> memref<640x64xf32, #tpu.memory_space<hbm>>
      tpu.wait_dma2 semaphore(%run_scoped3A : memref<!tpu.dma_semaphore, #tpu.memory_space<semaphore_mem>>) src(%dma_wait3A_14 : memref<640x64xf32, #tpu.memory_space<hbm>>) dst(%dma_wait3A_12 : memref<640x64xf32, #tpu.memory_space<vmem_shared>>)
      tpu.yield
    }) : () -> ()
    %barrier3A = arith.constant 0 : index
    tpu.barrier barrier_id(%barrier3A)
    %eq3A = arith.constant 0 : i32
    %eq3A_1 = arith.cmpi eq, %arg0, %eq3A : i32
    %convert_element_type3A = arith.extui %eq3A_1 : i1 to i32
    %cond3A = arith.constant 0 : i32
    %cond3A_2 = arith.cmpi ne, %convert_element_type3A, %cond3A : i32
    scf.if %cond3A_2 {
      %mul3A_9 = arith.constant 110 : i32
      %mul3A_10 = arith.muli %arg1, %mul3A_9 : i32
      "tpu.region"() ({
        %run_scoped3A = tpu.sem_alloc : memref<!tpu.dma_semaphore, #tpu.memory_space<semaphore_mem>>
        %dma_start3A_70 = arith.constant 0 : i32
        %dma_start3A_71 = arith.constant 0 : i32
        %dma_start3A_72 = tpu.memref_slice %arg7[%dma_start3A_70, %dma_start3A_71] : memref<110x128xi32, #tpu.memory_space<vmem>> -> memref<110x128xi32, #tpu.memory_space<vmem>>
        %dma_start3A_73 = arith.constant 0 : i32
        %dma_start3A_74 = tpu.memref_slice %arg3[%mul3A_10, %dma_start3A_73] : memref<2560x128xi32, #tpu.memory_space<hbm>> -> memref<110x128xi32, #tpu.memory_space<hbm>>
        %dma_start3A_75 = arith.constant 0 : i32
        %dma_start3A_76 = arith.constant 0 : i32
        %dma_start3A_77 = tpu.memref_slice %arg7[%dma_start3A_75, %dma_start3A_76] : memref<110x128xi32, #tpu.memory_space<vmem>> -> memref<110x128xi32, #tpu.memory_space<vmem>>
        %dma_start3A_78 = arith.constant 0 : i32
        %dma_start3A_79 = tpu.memref_slice %arg3[%mul3A_10, %dma_start3A_78] : memref<2560x128xi32, #tpu.memory_space<hbm>> -> memref<110x128xi32, #tpu.memory_space<hbm>>
        tpu.enqueue_dma source(%dma_start3A_79 : memref<110x128xi32, #tpu.memory_space<hbm>>) target(%dma_start3A_77 : memref<110x128xi32, #tpu.memory_space<vmem>>) target_semaphore(%run_scoped3A : memref<!tpu.dma_semaphore, #tpu.memory_space<semaphore_mem>>)
        %dma_wait3A_80 = arith.constant 0 : i32
        %dma_wait3A_81 = arith.constant 0 : i32
        %dma_wait3A_82 = tpu.memref_slice %arg7[%dma_wait3A_80, %dma_wait3A_81] : memref<110x128xi32, #tpu.memory_space<vmem>> -> memref<110x128xi32, #tpu.memory_space<vmem>>
        %dma_wait3A_83 = arith.constant 0 : i32
        %dma_wait3A_84 = tpu.memref_slice %arg3[%mul3A_10, %dma_wait3A_83] : memref<2560x128xi32, #tpu.memory_space<hbm>> -> memref<110x128xi32, #tpu.memory_space<hbm>>
        %dma_wait3A_85 = arith.constant 0 : i32
        %dma_wait3A_86 = arith.constant 0 : i32
        %dma_wait3A_87 = tpu.memref_slice %arg7[%dma_wait3A_85, %dma_wait3A_86] : memref<110x128xi32, #tpu.memory_space<vmem>> -> memref<110x128xi32, #tpu.memory_space<vmem>>
        %dma_wait3A_88 = arith.constant 0 : i32
        %dma_wait3A_89 = tpu.memref_slice %arg3[%mul3A_10, %dma_wait3A_88] : memref<2560x128xi32, #tpu.memory_space<hbm>> -> memref<110x128xi32, #tpu.memory_space<hbm>>
        tpu.wait_dma2 semaphore(%run_scoped3A : memref<!tpu.dma_semaphore, #tpu.memory_space<semaphore_mem>>) src(%dma_wait3A_89 : memref<110x128xi32, #tpu.memory_space<hbm>>) dst(%dma_wait3A_87 : memref<110x128xi32, #tpu.memory_space<vmem>>)
        tpu.yield
      }) : () -> ()
      "tpu.region"() ({
        %run_scoped3A = tpu.sem_alloc : memref<!tpu.dma_semaphore, #tpu.memory_space<semaphore_mem>>
        %dma_start3A_70 = arith.constant 0 : i32
        %dma_start3A_71 = arith.constant 0 : i32
        %dma_start3A_72 = tpu.memref_slice %arg8[%dma_start3A_70, %dma_start3A_71] : memref<110x128xi32, #tpu.memory_space<vmem>> -> memref<110x128xi32, #tpu.memory_space<vmem>>
        %dma_start3A_73 = arith.constant 0 : i32
        %dma_start3A_74 = tpu.memref_slice %arg4[%mul3A_10, %dma_start3A_73] : memref<2560x128xi32, #tpu.memory_space<hbm>> -> memref<110x128xi32, #tpu.memory_space<hbm>>
        %dma_start3A_75 = arith.constant 0 : i32
        %dma_start3A_76 = arith.constant 0 : i32
        %dma_start3A_77 = tpu.memref_slice %arg8[%dma_start3A_75, %dma_start3A_76] : memref<110x128xi32, #tpu.memory_space<vmem>> -> memref<110x128xi32, #tpu.memory_space<vmem>>
        %dma_start3A_78 = arith.constant 0 : i32
        %dma_start3A_79 = tpu.memref_slice %arg4[%mul3A_10, %dma_start3A_78] : memref<2560x128xi32, #tpu.memory_space<hbm>> -> memref<110x128xi32, #tpu.memory_space<hbm>>
        tpu.enqueue_dma source(%dma_start3A_79 : memref<110x128xi32, #tpu.memory_space<hbm>>) target(%dma_start3A_77 : memref<110x128xi32, #tpu.memory_space<vmem>>) target_semaphore(%run_scoped3A : memref<!tpu.dma_semaphore, #tpu.memory_space<semaphore_mem>>)
        %dma_wait3A_80 = arith.constant 0 : i32
        %dma_wait3A_81 = arith.constant 0 : i32
        %dma_wait3A_82 = tpu.memref_slice %arg8[%dma_wait3A_80, %dma_wait3A_81] : memref<110x128xi32, #tpu.memory_space<vmem>> -> memref<110x128xi32, #tpu.memory_space<vmem>>
        %dma_wait3A_83 = arith.constant 0 : i32
        %dma_wait3A_84 = tpu.memref_slice %arg4[%mul3A_10, %dma_wait3A_83] : memref<2560x128xi32, #tpu.memory_space<hbm>> -> memref<110x128xi32, #tpu.memory_space<hbm>>
        %dma_wait3A_85 = arith.constant 0 : i32
        %dma_wait3A_86 = arith.constant 0 : i32
        %dma_wait3A_87 = tpu.memref_slice %arg8[%dma_wait3A_85, %dma_wait3A_86] : memref<110x128xi32, #tpu.memory_space<vmem>> -> memref<110x128xi32, #tpu.memory_space<vmem>>
        %dma_wait3A_88 = arith.constant 0 : i32
        %dma_wait3A_89 = tpu.memref_slice %arg4[%mul3A_10, %dma_wait3A_88] : memref<2560x128xi32, #tpu.memory_space<hbm>> -> memref<110x128xi32, #tpu.memory_space<hbm>>
        tpu.wait_dma2 semaphore(%run_scoped3A : memref<!tpu.dma_semaphore, #tpu.memory_space<semaphore_mem>>) src(%dma_wait3A_89 : memref<110x128xi32, #tpu.memory_space<hbm>>) dst(%dma_wait3A_87 : memref<110x128xi32, #tpu.memory_space<vmem>>)
        tpu.yield
      }) : () -> ()
      %dma_start3A = arith.constant 0 : i32
      %dma_start3A_11 = arith.constant 0 : i32
      %dma_start3A_12 = tpu.memref_slice %arg7[%dma_start3A, %dma_start3A_11] : memref<110x128xi32, #tpu.memory_space<vmem>> -> memref<1x128xi32, #tpu.memory_space<vmem>>
      %dma_start3A_13 = tpu.memref_squeeze %dma_start3A_12 : memref<1x128xi32, #tpu.memory_space<vmem>> -> memref<128xi32, #tpu.memory_space<vmem>>
      %dma_start3A_14 = arith.constant 0 : i32
      %dma_start3A_15 = arith.constant 0 : i32
      %dma_start3A_16 = tpu.memref_slice %arg2[%dma_start3A_14, %dma_start3A_15] : memref<10240x64xf32, #tpu.memory_space<hbm>> -> memref<10240x64xf32, #tpu.memory_space<hbm>>
      tpu.enqueue_indirect_dma source(%dma_start3A_16 : memref<10240x64xf32, #tpu.memory_space<hbm>>) target(%arg9 : memref<128x64xf32, #tpu.memory_space<vmem>>) offsets(%dma_start3A_13 : memref<128xi32, #tpu.memory_space<vmem>>) semaphore(%arg12 : memref<!tpu.dma_semaphore, #tpu.memory_space<semaphore_mem>>)
      %dma_wait3A = arith.constant 0 : i32
      %dma_wait3A_17 = arith.constant 0 : i32
      %dma_wait3A_18 = tpu.memref_slice %arg7[%dma_wait3A, %dma_wait3A_17] : memref<110x128xi32, #tpu.memory_space<vmem>> -> memref<1x128xi32, #tpu.memory_space<vmem>>
      %dma_wait3A_19 = tpu.memref_squeeze %dma_wait3A_18 : memref<1x128xi32, #tpu.memory_space<vmem>> -> memref<128xi32, #tpu.memory_space<vmem>>
      %dma_wait3A_20 = arith.constant 0 : i32
      %dma_wait3A_21 = arith.constant 0 : i32
      %dma_wait3A_22 = tpu.memref_slice %arg2[%dma_wait3A_20, %dma_wait3A_21] : memref<10240x64xf32, #tpu.memory_space<hbm>> -> memref<10240x64xf32, #tpu.memory_space<hbm>>
      tpu.wait_indirect_dma semaphore(%arg12 : memref<!tpu.dma_semaphore, #tpu.memory_space<semaphore_mem>>) src(%dma_wait3A_22 : memref<10240x64xf32, #tpu.memory_space<hbm>>) dst(%arg9 : memref<128x64xf32, #tpu.memory_space<vmem>>)
      %dma_start3A_23 = arith.constant 0 : i32
      %dma_start3A_24 = arith.constant 0 : i32
      %dma_start3A_25 = tpu.memref_slice %arg8[%dma_start3A_23, %dma_start3A_24] : memref<110x128xi32, #tpu.memory_space<vmem>> -> memref<1x128xi32, #tpu.memory_space<vmem>>
      %dma_start3A_26 = tpu.memref_squeeze %dma_start3A_25 : memref<1x128xi32, #tpu.memory_space<vmem>> -> memref<128xi32, #tpu.memory_space<vmem>>
      %dma_start3A_27 = arith.constant 0 : i32
      %dma_start3A_28 = arith.constant 0 : i32
      %dma_start3A_29 = tpu.memref_slice %arg11[%dma_start3A_27, %dma_start3A_28] : memref<10240x64xf32, #tpu.memory_space<vmem_shared>> -> memref<10240x64xf32, #tpu.memory_space<vmem_shared>>
      tpu.enqueue_indirect_dma source(%arg9 : memref<128x64xf32, #tpu.memory_space<vmem>>) target(%dma_start3A_29 : memref<10240x64xf32, #tpu.memory_space<vmem_shared>>) offsets(%dma_start3A_26 : memref<128xi32, #tpu.memory_space<vmem>>) semaphore(%arg14 : memref<!tpu.dma_semaphore, #tpu.memory_space<semaphore_mem>>) {add = true}
      %dma_start3A_30 = arith.constant 1 : i32
      %dma_start3A_31 = arith.constant 0 : i32
      %dma_start3A_32 = tpu.memref_slice %arg7[%dma_start3A_30, %dma_start3A_31] : memref<110x128xi32, #tpu.memory_space<vmem>> -> memref<1x128xi32, #tpu.memory_space<vmem>>
      %dma_start3A_33 = tpu.memref_squeeze %dma_start3A_32 : memref<1x128xi32, #tpu.memory_space<vmem>> -> memref<128xi32, #tpu.memory_space<vmem>>
      %dma_start3A_34 = arith.constant 0 : i32
      %dma_start3A_35 = arith.constant 0 : i32
      %dma_start3A_36 = tpu.memref_slice %arg2[%dma_start3A_34, %dma_start3A_35] : memref<10240x64xf32, #tpu.memory_space<hbm>> -> memref<10240x64xf32, #tpu.memory_space<hbm>>
      tpu.enqueue_indirect_dma source(%dma_start3A_36 : memref<10240x64xf32, #tpu.memory_space<hbm>>) target(%arg10 : memref<128x64xf32, #tpu.memory_space<vmem>>) offsets(%dma_start3A_33 : memref<128xi32, #tpu.memory_space<vmem>>) semaphore(%arg13 : memref<!tpu.dma_semaphore, #tpu.memory_space<semaphore_mem>>)
      %scan3A = arith.constant 0 : i32
      %scan3A_37 = arith.constant 0 : i32
      %scan3A_38 = arith.constant 54 : i32
      %scan3A_39 = arith.addi %scan3A_37, %scan3A_38 : i32
      %scan3A_40 = arith.constant 1 : i32
      scf.for %scan3A_70 = %scan3A_37 to %scan3A_39 step %scan3A_40  : i32 {
        %mul3A_71 = arith.constant 2 : i32
        %mul3A_72 = arith.muli %mul3A_71, %scan3A_70 : i32
        %add3A = arith.constant 1 : i32
        %add3A_73 = arith.addi %mul3A_72, %add3A : i32
        %dma_wait3A_74 = arith.constant 0 : i32
        %dma_wait3A_75 = tpu.memref_slice %arg7[%add3A_73, %dma_wait3A_74] : memref<110x128xi32, #tpu.memory_space<vmem>> -> memref<1x128xi32, #tpu.memory_space<vmem>>
        %dma_wait3A_76 = tpu.memref_squeeze %dma_wait3A_75 : memref<1x128xi32, #tpu.memory_space<vmem>> -> memref<128xi32, #tpu.memory_space<vmem>>
        %dma_wait3A_77 = arith.constant 0 : i32
        %dma_wait3A_78 = arith.constant 0 : i32
        %dma_wait3A_79 = tpu.memref_slice %arg2[%dma_wait3A_77, %dma_wait3A_78] : memref<10240x64xf32, #tpu.memory_space<hbm>> -> memref<10240x64xf32, #tpu.memory_space<hbm>>
        tpu.wait_indirect_dma semaphore(%arg13 : memref<!tpu.dma_semaphore, #tpu.memory_space<semaphore_mem>>) src(%dma_wait3A_79 : memref<10240x64xf32, #tpu.memory_space<hbm>>) dst(%arg10 : memref<128x64xf32, #tpu.memory_space<vmem>>)
        %dma_start3A_80 = arith.constant 0 : i32
        %dma_start3A_81 = tpu.memref_slice %arg8[%add3A_73, %dma_start3A_80] : memref<110x128xi32, #tpu.memory_space<vmem>> -> memref<1x128xi32, #tpu.memory_space<vmem>>
        %dma_start3A_82 = tpu.memref_squeeze %dma_start3A_81 : memref<1x128xi32, #tpu.memory_space<vmem>> -> memref<128xi32, #tpu.memory_space<vmem>>
        %dma_start3A_83 = arith.constant 0 : i32
        %dma_start3A_84 = arith.constant 0 : i32
        %dma_start3A_85 = tpu.memref_slice %arg11[%dma_start3A_83, %dma_start3A_84] : memref<10240x64xf32, #tpu.memory_space<vmem_shared>> -> memref<10240x64xf32, #tpu.memory_space<vmem_shared>>
        tpu.enqueue_indirect_dma source(%arg10 : memref<128x64xf32, #tpu.memory_space<vmem>>) target(%dma_start3A_85 : memref<10240x64xf32, #tpu.memory_space<vmem_shared>>) offsets(%dma_start3A_82 : memref<128xi32, #tpu.memory_space<vmem>>) semaphore(%arg15 : memref<!tpu.dma_semaphore, #tpu.memory_space<semaphore_mem>>) {add = true}
        %dma_wait3A_86 = arith.constant 0 : i32
        %dma_wait3A_87 = tpu.memref_slice %arg8[%add3A_73, %dma_wait3A_86] : memref<110x128xi32, #tpu.memory_space<vmem>> -> memref<1x128xi32, #tpu.memory_space<vmem>>
        %dma_wait3A_88 = tpu.memref_squeeze %dma_wait3A_87 : memref<1x128xi32, #tpu.memory_space<vmem>> -> memref<128xi32, #tpu.memory_space<vmem>>
        %dma_wait3A_89 = arith.constant 0 : i32
        %dma_wait3A_90 = arith.constant 0 : i32
        %dma_wait3A_91 = tpu.memref_slice %arg11[%dma_wait3A_89, %dma_wait3A_90] : memref<10240x64xf32, #tpu.memory_space<vmem_shared>> -> memref<10240x64xf32, #tpu.memory_space<vmem_shared>>
        tpu.wait_indirect_dma semaphore(%arg14 : memref<!tpu.dma_semaphore, #tpu.memory_space<semaphore_mem>>) src(%arg9 : memref<128x64xf32, #tpu.memory_space<vmem>>) dst(%dma_wait3A_91 : memref<10240x64xf32, #tpu.memory_space<vmem_shared>>)
        %add3A_92 = arith.constant 1 : i32
        %add3A_93 = arith.addi %add3A_73, %add3A_92 : i32
        %dma_start3A_94 = arith.constant 0 : i32
        %dma_start3A_95 = tpu.memref_slice %arg7[%add3A_93, %dma_start3A_94] : memref<110x128xi32, #tpu.memory_space<vmem>> -> memref<1x128xi32, #tpu.memory_space<vmem>>
        %dma_start3A_96 = tpu.memref_squeeze %dma_start3A_95 : memref<1x128xi32, #tpu.memory_space<vmem>> -> memref<128xi32, #tpu.memory_space<vmem>>
        %dma_start3A_97 = arith.constant 0 : i32
        %dma_start3A_98 = arith.constant 0 : i32
        %dma_start3A_99 = tpu.memref_slice %arg2[%dma_start3A_97, %dma_start3A_98] : memref<10240x64xf32, #tpu.memory_space<hbm>> -> memref<10240x64xf32, #tpu.memory_space<hbm>>
        tpu.enqueue_indirect_dma source(%dma_start3A_99 : memref<10240x64xf32, #tpu.memory_space<hbm>>) target(%arg9 : memref<128x64xf32, #tpu.memory_space<vmem>>) offsets(%dma_start3A_96 : memref<128xi32, #tpu.memory_space<vmem>>) semaphore(%arg12 : memref<!tpu.dma_semaphore, #tpu.memory_space<semaphore_mem>>)
        %mul3A_100 = arith.constant 2 : i32
        %mul3A_101 = arith.muli %mul3A_100, %scan3A_70 : i32
        %add3A_102 = arith.constant 2 : i32
        %add3A_103 = arith.addi %mul3A_101, %add3A_102 : i32
        %dma_wait3A_104 = arith.constant 0 : i32
        %dma_wait3A_105 = tpu.memref_slice %arg7[%add3A_103, %dma_wait3A_104] : memref<110x128xi32, #tpu.memory_space<vmem>> -> memref<1x128xi32, #tpu.memory_space<vmem>>
        %dma_wait3A_106 = tpu.memref_squeeze %dma_wait3A_105 : memref<1x128xi32, #tpu.memory_space<vmem>> -> memref<128xi32, #tpu.memory_space<vmem>>
        %dma_wait3A_107 = arith.constant 0 : i32
        %dma_wait3A_108 = arith.constant 0 : i32
        %dma_wait3A_109 = tpu.memref_slice %arg2[%dma_wait3A_107, %dma_wait3A_108] : memref<10240x64xf32, #tpu.memory_space<hbm>> -> memref<10240x64xf32, #tpu.memory_space<hbm>>
        tpu.wait_indirect_dma semaphore(%arg12 : memref<!tpu.dma_semaphore, #tpu.memory_space<semaphore_mem>>) src(%dma_wait3A_109 : memref<10240x64xf32, #tpu.memory_space<hbm>>) dst(%arg9 : memref<128x64xf32, #tpu.memory_space<vmem>>)
        %dma_start3A_110 = arith.constant 0 : i32
        %dma_start3A_111 = tpu.memref_slice %arg8[%add3A_103, %dma_start3A_110] : memref<110x128xi32, #tpu.memory_space<vmem>> -> memref<1x128xi32, #tpu.memory_space<vmem>>
        %dma_start3A_112 = tpu.memref_squeeze %dma_start3A_111 : memref<1x128xi32, #tpu.memory_space<vmem>> -> memref<128xi32, #tpu.memory_space<vmem>>
        %dma_start3A_113 = arith.constant 0 : i32
        %dma_start3A_114 = arith.constant 0 : i32
        %dma_start3A_115 = tpu.memref_slice %arg11[%dma_start3A_113, %dma_start3A_114] : memref<10240x64xf32, #tpu.memory_space<vmem_shared>> -> memref<10240x64xf32, #tpu.memory_space<vmem_shared>>
        tpu.enqueue_indirect_dma source(%arg9 : memref<128x64xf32, #tpu.memory_space<vmem>>) target(%dma_start3A_115 : memref<10240x64xf32, #tpu.memory_space<vmem_shared>>) offsets(%dma_start3A_112 : memref<128xi32, #tpu.memory_space<vmem>>) semaphore(%arg14 : memref<!tpu.dma_semaphore, #tpu.memory_space<semaphore_mem>>) {add = true}
        %dma_wait3A_116 = arith.constant 0 : i32
        %dma_wait3A_117 = tpu.memref_slice %arg8[%add3A_103, %dma_wait3A_116] : memref<110x128xi32, #tpu.memory_space<vmem>> -> memref<1x128xi32, #tpu.memory_space<vmem>>
        %dma_wait3A_118 = tpu.memref_squeeze %dma_wait3A_117 : memref<1x128xi32, #tpu.memory_space<vmem>> -> memref<128xi32, #tpu.memory_space<vmem>>
        %dma_wait3A_119 = arith.constant 0 : i32
        %dma_wait3A_120 = arith.constant 0 : i32
        %dma_wait3A_121 = tpu.memref_slice %arg11[%dma_wait3A_119, %dma_wait3A_120] : memref<10240x64xf32, #tpu.memory_space<vmem_shared>> -> memref<10240x64xf32, #tpu.memory_space<vmem_shared>>
        tpu.wait_indirect_dma semaphore(%arg15 : memref<!tpu.dma_semaphore, #tpu.memory_space<semaphore_mem>>) src(%arg10 : memref<128x64xf32, #tpu.memory_space<vmem>>) dst(%dma_wait3A_121 : memref<10240x64xf32, #tpu.memory_space<vmem_shared>>)
        %add3A_122 = arith.constant 1 : i32
        %add3A_123 = arith.addi %add3A_103, %add3A_122 : i32
        %dma_start3A_124 = arith.constant 0 : i32
        %dma_start3A_125 = tpu.memref_slice %arg7[%add3A_123, %dma_start3A_124] : memref<110x128xi32, #tpu.memory_space<vmem>> -> memref<1x128xi32, #tpu.memory_space<vmem>>
        %dma_start3A_126 = tpu.memref_squeeze %dma_start3A_125 : memref<1x128xi32, #tpu.memory_space<vmem>> -> memref<128xi32, #tpu.memory_space<vmem>>
        %dma_start3A_127 = arith.constant 0 : i32
        %dma_start3A_128 = arith.constant 0 : i32
        %dma_start3A_129 = tpu.memref_slice %arg2[%dma_start3A_127, %dma_start3A_128] : memref<10240x64xf32, #tpu.memory_space<hbm>> -> memref<10240x64xf32, #tpu.memory_space<hbm>>
        tpu.enqueue_indirect_dma source(%dma_start3A_129 : memref<10240x64xf32, #tpu.memory_space<hbm>>) target(%arg10 : memref<128x64xf32, #tpu.memory_space<vmem>>) offsets(%dma_start3A_126 : memref<128xi32, #tpu.memory_space<vmem>>) semaphore(%arg13 : memref<!tpu.dma_semaphore, #tpu.memory_space<semaphore_mem>>)
      }
      %scan3A_41 = arith.constant 54 : i32
      %dma_wait3A_42 = arith.constant 109 : i32
      %dma_wait3A_43 = arith.constant 0 : i32
      %dma_wait3A_44 = tpu.memref_slice %arg7[%dma_wait3A_42, %dma_wait3A_43] : memref<110x128xi32, #tpu.memory_space<vmem>> -> memref<1x128xi32, #tpu.memory_space<vmem>>
      %dma_wait3A_45 = tpu.memref_squeeze %dma_wait3A_44 : memref<1x128xi32, #tpu.memory_space<vmem>> -> memref<128xi32, #tpu.memory_space<vmem>>
      %dma_wait3A_46 = arith.constant 0 : i32
      %dma_wait3A_47 = arith.constant 0 : i32
      %dma_wait3A_48 = tpu.memref_slice %arg2[%dma_wait3A_46, %dma_wait3A_47] : memref<10240x64xf32, #tpu.memory_space<hbm>> -> memref<10240x64xf32, #tpu.memory_space<hbm>>
      tpu.wait_indirect_dma semaphore(%arg13 : memref<!tpu.dma_semaphore, #tpu.memory_space<semaphore_mem>>) src(%dma_wait3A_48 : memref<10240x64xf32, #tpu.memory_space<hbm>>) dst(%arg10 : memref<128x64xf32, #tpu.memory_space<vmem>>)
      %dma_start3A_49 = arith.constant 109 : i32
      %dma_start3A_50 = arith.constant 0 : i32
      %dma_start3A_51 = tpu.memref_slice %arg8[%dma_start3A_49, %dma_start3A_50] : memref<110x128xi32, #tpu.memory_space<vmem>> -> memref<1x128xi32, #tpu.memory_space<vmem>>
      %dma_start3A_52 = tpu.memref_squeeze %dma_start3A_51 : memref<1x128xi32, #tpu.memory_space<vmem>> -> memref<128xi32, #tpu.memory_space<vmem>>
      %dma_start3A_53 = arith.constant 0 : i32
      %dma_start3A_54 = arith.constant 0 : i32
      %dma_start3A_55 = tpu.memref_slice %arg11[%dma_start3A_53, %dma_start3A_54] : memref<10240x64xf32, #tpu.memory_space<vmem_shared>> -> memref<10240x64xf32, #tpu.memory_space<vmem_shared>>
      tpu.enqueue_indirect_dma source(%arg10 : memref<128x64xf32, #tpu.memory_space<vmem>>) target(%dma_start3A_55 : memref<10240x64xf32, #tpu.memory_space<vmem_shared>>) offsets(%dma_start3A_52 : memref<128xi32, #tpu.memory_space<vmem>>) semaphore(%arg15 : memref<!tpu.dma_semaphore, #tpu.memory_space<semaphore_mem>>) {add = true}
      %dma_wait3A_56 = arith.constant 0 : i32
      %dma_wait3A_57 = arith.constant 0 : i32
      %dma_wait3A_58 = tpu.memref_slice %arg8[%dma_wait3A_56, %dma_wait3A_57] : memref<110x128xi32, #tpu.memory_space<vmem>> -> memref<1x128xi32, #tpu.memory_space<vmem>>
      %dma_wait3A_59 = tpu.memref_squeeze %dma_wait3A_58 : memref<1x128xi32, #tpu.memory_space<vmem>> -> memref<128xi32, #tpu.memory_space<vmem>>
      %dma_wait3A_60 = arith.constant 0 : i32
      %dma_wait3A_61 = arith.constant 0 : i32
      %dma_wait3A_62 = tpu.memref_slice %arg11[%dma_wait3A_60, %dma_wait3A_61] : memref<10240x64xf32, #tpu.memory_space<vmem_shared>> -> memref<10240x64xf32, #tpu.memory_space<vmem_shared>>
      tpu.wait_indirect_dma semaphore(%arg14 : memref<!tpu.dma_semaphore, #tpu.memory_space<semaphore_mem>>) src(%arg9 : memref<128x64xf32, #tpu.memory_space<vmem>>) dst(%dma_wait3A_62 : memref<10240x64xf32, #tpu.memory_space<vmem_shared>>)
      %dma_wait3A_63 = arith.constant 0 : i32
      %dma_wait3A_64 = arith.constant 0 : i32
      %dma_wait3A_65 = tpu.memref_slice %arg8[%dma_wait3A_63, %dma_wait3A_64] : memref<110x128xi32, #tpu.memory_space<vmem>> -> memref<1x128xi32, #tpu.memory_space<vmem>>
      %dma_wait3A_66 = tpu.memref_squeeze %dma_wait3A_65 : memref<1x128xi32, #tpu.memory_space<vmem>> -> memref<128xi32, #tpu.memory_space<vmem>>
      %dma_wait3A_67 = arith.constant 0 : i32
      %dma_wait3A_68 = arith.constant 0 : i32
      %dma_wait3A_69 = tpu.memref_slice %arg11[%dma_wait3A_67, %dma_wait3A_68] : memref<10240x64xf32, #tpu.memory_space<vmem_shared>> -> memref<10240x64xf32, #tpu.memory_space<vmem_shared>>
      tpu.wait_indirect_dma semaphore(%arg15 : memref<!tpu.dma_semaphore, #tpu.memory_space<semaphore_mem>>) src(%arg10 : memref<128x64xf32, #tpu.memory_space<vmem>>) dst(%dma_wait3A_69 : memref<10240x64xf32, #tpu.memory_space<vmem_shared>>)
    } else {
    }
    %eq3A_3 = arith.constant 1 : i32
    %eq3A_4 = arith.cmpi eq, %arg0, %eq3A_3 : i32
    %convert_element_type3A_5 = arith.extui %eq3A_4 : i1 to i32
    %cond3A_6 = arith.constant 0 : i32
    %cond3A_7 = arith.cmpi ne, %convert_element_type3A_5, %cond3A_6 : i32
    scf.if %cond3A_7 {
      %mul3A_9 = arith.constant 50 : i32
      %mul3A_10 = arith.muli %arg1, %mul3A_9 : i32
      %add3A = arith.constant 1760 : i32
      %add3A_11 = arith.addi %add3A, %mul3A_10 : i32
      "tpu.region"() ({
        %run_scoped3A = tpu.sem_alloc : memref<!tpu.dma_semaphore, #tpu.memory_space<semaphore_mem>>
        %dma_start3A_71 = arith.constant 0 : i32
        %dma_start3A_72 = arith.constant 0 : i32
        %dma_start3A_73 = tpu.memref_slice %arg7[%dma_start3A_71, %dma_start3A_72] : memref<110x128xi32, #tpu.memory_space<vmem>> -> memref<50x128xi32, #tpu.memory_space<vmem>>
        %dma_start3A_74 = arith.constant 0 : i32
        %dma_start3A_75 = tpu.memref_slice %arg3[%add3A_11, %dma_start3A_74] : memref<2560x128xi32, #tpu.memory_space<hbm>> -> memref<50x128xi32, #tpu.memory_space<hbm>>
        %dma_start3A_76 = arith.constant 0 : i32
        %dma_start3A_77 = arith.constant 0 : i32
        %dma_start3A_78 = tpu.memref_slice %arg7[%dma_start3A_76, %dma_start3A_77] : memref<110x128xi32, #tpu.memory_space<vmem>> -> memref<50x128xi32, #tpu.memory_space<vmem>>
        %dma_start3A_79 = arith.constant 0 : i32
        %dma_start3A_80 = tpu.memref_slice %arg3[%add3A_11, %dma_start3A_79] : memref<2560x128xi32, #tpu.memory_space<hbm>> -> memref<50x128xi32, #tpu.memory_space<hbm>>
        tpu.enqueue_dma source(%dma_start3A_80 : memref<50x128xi32, #tpu.memory_space<hbm>>) target(%dma_start3A_78 : memref<50x128xi32, #tpu.memory_space<vmem>>) target_semaphore(%run_scoped3A : memref<!tpu.dma_semaphore, #tpu.memory_space<semaphore_mem>>)
        %dma_wait3A_81 = arith.constant 0 : i32
        %dma_wait3A_82 = arith.constant 0 : i32
        %dma_wait3A_83 = tpu.memref_slice %arg7[%dma_wait3A_81, %dma_wait3A_82] : memref<110x128xi32, #tpu.memory_space<vmem>> -> memref<50x128xi32, #tpu.memory_space<vmem>>
        %dma_wait3A_84 = arith.constant 0 : i32
        %dma_wait3A_85 = tpu.memref_slice %arg3[%add3A_11, %dma_wait3A_84] : memref<2560x128xi32, #tpu.memory_space<hbm>> -> memref<50x128xi32, #tpu.memory_space<hbm>>
        %dma_wait3A_86 = arith.constant 0 : i32
        %dma_wait3A_87 = arith.constant 0 : i32
        %dma_wait3A_88 = tpu.memref_slice %arg7[%dma_wait3A_86, %dma_wait3A_87] : memref<110x128xi32, #tpu.memory_space<vmem>> -> memref<50x128xi32, #tpu.memory_space<vmem>>
        %dma_wait3A_89 = arith.constant 0 : i32
        %dma_wait3A_90 = tpu.memref_slice %arg3[%add3A_11, %dma_wait3A_89] : memref<2560x128xi32, #tpu.memory_space<hbm>> -> memref<50x128xi32, #tpu.memory_space<hbm>>
        tpu.wait_dma2 semaphore(%run_scoped3A : memref<!tpu.dma_semaphore, #tpu.memory_space<semaphore_mem>>) src(%dma_wait3A_90 : memref<50x128xi32, #tpu.memory_space<hbm>>) dst(%dma_wait3A_88 : memref<50x128xi32, #tpu.memory_space<vmem>>)
        tpu.yield
      }) : () -> ()
      "tpu.region"() ({
        %run_scoped3A = tpu.sem_alloc : memref<!tpu.dma_semaphore, #tpu.memory_space<semaphore_mem>>
        %dma_start3A_71 = arith.constant 0 : i32
        %dma_start3A_72 = arith.constant 0 : i32
        %dma_start3A_73 = tpu.memref_slice %arg8[%dma_start3A_71, %dma_start3A_72] : memref<110x128xi32, #tpu.memory_space<vmem>> -> memref<50x128xi32, #tpu.memory_space<vmem>>
        %dma_start3A_74 = arith.constant 0 : i32
        %dma_start3A_75 = tpu.memref_slice %arg4[%add3A_11, %dma_start3A_74] : memref<2560x128xi32, #tpu.memory_space<hbm>> -> memref<50x128xi32, #tpu.memory_space<hbm>>
        %dma_start3A_76 = arith.constant 0 : i32
        %dma_start3A_77 = arith.constant 0 : i32
        %dma_start3A_78 = tpu.memref_slice %arg8[%dma_start3A_76, %dma_start3A_77] : memref<110x128xi32, #tpu.memory_space<vmem>> -> memref<50x128xi32, #tpu.memory_space<vmem>>
        %dma_start3A_79 = arith.constant 0 : i32
        %dma_start3A_80 = tpu.memref_slice %arg4[%add3A_11, %dma_start3A_79] : memref<2560x128xi32, #tpu.memory_space<hbm>> -> memref<50x128xi32, #tpu.memory_space<hbm>>
        tpu.enqueue_dma source(%dma_start3A_80 : memref<50x128xi32, #tpu.memory_space<hbm>>) target(%dma_start3A_78 : memref<50x128xi32, #tpu.memory_space<vmem>>) target_semaphore(%run_scoped3A : memref<!tpu.dma_semaphore, #tpu.memory_space<semaphore_mem>>)
        %dma_wait3A_81 = arith.constant 0 : i32
        %dma_wait3A_82 = arith.constant 0 : i32
        %dma_wait3A_83 = tpu.memref_slice %arg8[%dma_wait3A_81, %dma_wait3A_82] : memref<110x128xi32, #tpu.memory_space<vmem>> -> memref<50x128xi32, #tpu.memory_space<vmem>>
        %dma_wait3A_84 = arith.constant 0 : i32
        %dma_wait3A_85 = tpu.memref_slice %arg4[%add3A_11, %dma_wait3A_84] : memref<2560x128xi32, #tpu.memory_space<hbm>> -> memref<50x128xi32, #tpu.memory_space<hbm>>
        %dma_wait3A_86 = arith.constant 0 : i32
        %dma_wait3A_87 = arith.constant 0 : i32
        %dma_wait3A_88 = tpu.memref_slice %arg8[%dma_wait3A_86, %dma_wait3A_87] : memref<110x128xi32, #tpu.memory_space<vmem>> -> memref<50x128xi32, #tpu.memory_space<vmem>>
        %dma_wait3A_89 = arith.constant 0 : i32
        %dma_wait3A_90 = tpu.memref_slice %arg4[%add3A_11, %dma_wait3A_89] : memref<2560x128xi32, #tpu.memory_space<hbm>> -> memref<50x128xi32, #tpu.memory_space<hbm>>
        tpu.wait_dma2 semaphore(%run_scoped3A : memref<!tpu.dma_semaphore, #tpu.memory_space<semaphore_mem>>) src(%dma_wait3A_90 : memref<50x128xi32, #tpu.memory_space<hbm>>) dst(%dma_wait3A_88 : memref<50x128xi32, #tpu.memory_space<vmem>>)
        tpu.yield
      }) : () -> ()
      %dma_start3A = arith.constant 0 : i32
      %dma_start3A_12 = arith.constant 0 : i32
      %dma_start3A_13 = tpu.memref_slice %arg7[%dma_start3A, %dma_start3A_12] : memref<110x128xi32, #tpu.memory_space<vmem>> -> memref<1x128xi32, #tpu.memory_space<vmem>>
      %dma_start3A_14 = tpu.memref_squeeze %dma_start3A_13 : memref<1x128xi32, #tpu.memory_space<vmem>> -> memref<128xi32, #tpu.memory_space<vmem>>
      %dma_start3A_15 = arith.constant 0 : i32
      %dma_start3A_16 = arith.constant 0 : i32
      %dma_start3A_17 = tpu.memref_slice %arg2[%dma_start3A_15, %dma_start3A_16] : memref<10240x64xf32, #tpu.memory_space<hbm>> -> memref<10240x64xf32, #tpu.memory_space<hbm>>
      tpu.enqueue_indirect_dma source(%dma_start3A_17 : memref<10240x64xf32, #tpu.memory_space<hbm>>) target(%arg9 : memref<128x64xf32, #tpu.memory_space<vmem>>) offsets(%dma_start3A_14 : memref<128xi32, #tpu.memory_space<vmem>>) semaphore(%arg12 : memref<!tpu.dma_semaphore, #tpu.memory_space<semaphore_mem>>)
      %dma_wait3A = arith.constant 0 : i32
      %dma_wait3A_18 = arith.constant 0 : i32
      %dma_wait3A_19 = tpu.memref_slice %arg7[%dma_wait3A, %dma_wait3A_18] : memref<110x128xi32, #tpu.memory_space<vmem>> -> memref<1x128xi32, #tpu.memory_space<vmem>>
      %dma_wait3A_20 = tpu.memref_squeeze %dma_wait3A_19 : memref<1x128xi32, #tpu.memory_space<vmem>> -> memref<128xi32, #tpu.memory_space<vmem>>
      %dma_wait3A_21 = arith.constant 0 : i32
      %dma_wait3A_22 = arith.constant 0 : i32
      %dma_wait3A_23 = tpu.memref_slice %arg2[%dma_wait3A_21, %dma_wait3A_22] : memref<10240x64xf32, #tpu.memory_space<hbm>> -> memref<10240x64xf32, #tpu.memory_space<hbm>>
      tpu.wait_indirect_dma semaphore(%arg12 : memref<!tpu.dma_semaphore, #tpu.memory_space<semaphore_mem>>) src(%dma_wait3A_23 : memref<10240x64xf32, #tpu.memory_space<hbm>>) dst(%arg9 : memref<128x64xf32, #tpu.memory_space<vmem>>)
      %dma_start3A_24 = arith.constant 0 : i32
      %dma_start3A_25 = arith.constant 0 : i32
      %dma_start3A_26 = tpu.memref_slice %arg8[%dma_start3A_24, %dma_start3A_25] : memref<110x128xi32, #tpu.memory_space<vmem>> -> memref<1x128xi32, #tpu.memory_space<vmem>>
      %dma_start3A_27 = tpu.memref_squeeze %dma_start3A_26 : memref<1x128xi32, #tpu.memory_space<vmem>> -> memref<128xi32, #tpu.memory_space<vmem>>
      %dma_start3A_28 = arith.constant 0 : i32
      %dma_start3A_29 = arith.constant 0 : i32
      %dma_start3A_30 = tpu.memref_slice %arg11[%dma_start3A_28, %dma_start3A_29] : memref<10240x64xf32, #tpu.memory_space<vmem_shared>> -> memref<10240x64xf32, #tpu.memory_space<vmem_shared>>
      tpu.enqueue_indirect_dma source(%arg9 : memref<128x64xf32, #tpu.memory_space<vmem>>) target(%dma_start3A_30 : memref<10240x64xf32, #tpu.memory_space<vmem_shared>>) offsets(%dma_start3A_27 : memref<128xi32, #tpu.memory_space<vmem>>) semaphore(%arg14 : memref<!tpu.dma_semaphore, #tpu.memory_space<semaphore_mem>>) {add = true}
      %dma_start3A_31 = arith.constant 1 : i32
      %dma_start3A_32 = arith.constant 0 : i32
      %dma_start3A_33 = tpu.memref_slice %arg7[%dma_start3A_31, %dma_start3A_32] : memref<110x128xi32, #tpu.memory_space<vmem>> -> memref<1x128xi32, #tpu.memory_space<vmem>>
      %dma_start3A_34 = tpu.memref_squeeze %dma_start3A_33 : memref<1x128xi32, #tpu.memory_space<vmem>> -> memref<128xi32, #tpu.memory_space<vmem>>
      %dma_start3A_35 = arith.constant 0 : i32
      %dma_start3A_36 = arith.constant 0 : i32
      %dma_start3A_37 = tpu.memref_slice %arg2[%dma_start3A_35, %dma_start3A_36] : memref<10240x64xf32, #tpu.memory_space<hbm>> -> memref<10240x64xf32, #tpu.memory_space<hbm>>
      tpu.enqueue_indirect_dma source(%dma_start3A_37 : memref<10240x64xf32, #tpu.memory_space<hbm>>) target(%arg10 : memref<128x64xf32, #tpu.memory_space<vmem>>) offsets(%dma_start3A_34 : memref<128xi32, #tpu.memory_space<vmem>>) semaphore(%arg13 : memref<!tpu.dma_semaphore, #tpu.memory_space<semaphore_mem>>)
      %scan3A = arith.constant 0 : i32
      %scan3A_38 = arith.constant 0 : i32
      %scan3A_39 = arith.constant 24 : i32
      %scan3A_40 = arith.addi %scan3A_38, %scan3A_39 : i32
      %scan3A_41 = arith.constant 1 : i32
      scf.for %scan3A_71 = %scan3A_38 to %scan3A_40 step %scan3A_41  : i32 {
        %mul3A_72 = arith.constant 2 : i32
        %mul3A_73 = arith.muli %mul3A_72, %scan3A_71 : i32
        %add3A_74 = arith.constant 1 : i32
        %add3A_75 = arith.addi %mul3A_73, %add3A_74 : i32
        %dma_wait3A_76 = arith.constant 0 : i32
        %dma_wait3A_77 = tpu.memref_slice %arg7[%add3A_75, %dma_wait3A_76] : memref<110x128xi32, #tpu.memory_space<vmem>> -> memref<1x128xi32, #tpu.memory_space<vmem>>
        %dma_wait3A_78 = tpu.memref_squeeze %dma_wait3A_77 : memref<1x128xi32, #tpu.memory_space<vmem>> -> memref<128xi32, #tpu.memory_space<vmem>>
        %dma_wait3A_79 = arith.constant 0 : i32
        %dma_wait3A_80 = arith.constant 0 : i32
        %dma_wait3A_81 = tpu.memref_slice %arg2[%dma_wait3A_79, %dma_wait3A_80] : memref<10240x64xf32, #tpu.memory_space<hbm>> -> memref<10240x64xf32, #tpu.memory_space<hbm>>
        tpu.wait_indirect_dma semaphore(%arg13 : memref<!tpu.dma_semaphore, #tpu.memory_space<semaphore_mem>>) src(%dma_wait3A_81 : memref<10240x64xf32, #tpu.memory_space<hbm>>) dst(%arg10 : memref<128x64xf32, #tpu.memory_space<vmem>>)
        %dma_start3A_82 = arith.constant 0 : i32
        %dma_start3A_83 = tpu.memref_slice %arg8[%add3A_75, %dma_start3A_82] : memref<110x128xi32, #tpu.memory_space<vmem>> -> memref<1x128xi32, #tpu.memory_space<vmem>>
        %dma_start3A_84 = tpu.memref_squeeze %dma_start3A_83 : memref<1x128xi32, #tpu.memory_space<vmem>> -> memref<128xi32, #tpu.memory_space<vmem>>
        %dma_start3A_85 = arith.constant 0 : i32
        %dma_start3A_86 = arith.constant 0 : i32
        %dma_start3A_87 = tpu.memref_slice %arg11[%dma_start3A_85, %dma_start3A_86] : memref<10240x64xf32, #tpu.memory_space<vmem_shared>> -> memref<10240x64xf32, #tpu.memory_space<vmem_shared>>
        tpu.enqueue_indirect_dma source(%arg10 : memref<128x64xf32, #tpu.memory_space<vmem>>) target(%dma_start3A_87 : memref<10240x64xf32, #tpu.memory_space<vmem_shared>>) offsets(%dma_start3A_84 : memref<128xi32, #tpu.memory_space<vmem>>) semaphore(%arg15 : memref<!tpu.dma_semaphore, #tpu.memory_space<semaphore_mem>>) {add = true}
        %dma_wait3A_88 = arith.constant 0 : i32
        %dma_wait3A_89 = tpu.memref_slice %arg8[%add3A_75, %dma_wait3A_88] : memref<110x128xi32, #tpu.memory_space<vmem>> -> memref<1x128xi32, #tpu.memory_space<vmem>>
        %dma_wait3A_90 = tpu.memref_squeeze %dma_wait3A_89 : memref<1x128xi32, #tpu.memory_space<vmem>> -> memref<128xi32, #tpu.memory_space<vmem>>
        %dma_wait3A_91 = arith.constant 0 : i32
        %dma_wait3A_92 = arith.constant 0 : i32
        %dma_wait3A_93 = tpu.memref_slice %arg11[%dma_wait3A_91, %dma_wait3A_92] : memref<10240x64xf32, #tpu.memory_space<vmem_shared>> -> memref<10240x64xf32, #tpu.memory_space<vmem_shared>>
        tpu.wait_indirect_dma semaphore(%arg14 : memref<!tpu.dma_semaphore, #tpu.memory_space<semaphore_mem>>) src(%arg9 : memref<128x64xf32, #tpu.memory_space<vmem>>) dst(%dma_wait3A_93 : memref<10240x64xf32, #tpu.memory_space<vmem_shared>>)
        %add3A_94 = arith.constant 1 : i32
        %add3A_95 = arith.addi %add3A_75, %add3A_94 : i32
        %dma_start3A_96 = arith.constant 0 : i32
        %dma_start3A_97 = tpu.memref_slice %arg7[%add3A_95, %dma_start3A_96] : memref<110x128xi32, #tpu.memory_space<vmem>> -> memref<1x128xi32, #tpu.memory_space<vmem>>
        %dma_start3A_98 = tpu.memref_squeeze %dma_start3A_97 : memref<1x128xi32, #tpu.memory_space<vmem>> -> memref<128xi32, #tpu.memory_space<vmem>>
        %dma_start3A_99 = arith.constant 0 : i32
        %dma_start3A_100 = arith.constant 0 : i32
        %dma_start3A_101 = tpu.memref_slice %arg2[%dma_start3A_99, %dma_start3A_100] : memref<10240x64xf32, #tpu.memory_space<hbm>> -> memref<10240x64xf32, #tpu.memory_space<hbm>>
        tpu.enqueue_indirect_dma source(%dma_start3A_101 : memref<10240x64xf32, #tpu.memory_space<hbm>>) target(%arg9 : memref<128x64xf32, #tpu.memory_space<vmem>>) offsets(%dma_start3A_98 : memref<128xi32, #tpu.memory_space<vmem>>) semaphore(%arg12 : memref<!tpu.dma_semaphore, #tpu.memory_space<semaphore_mem>>)
        %mul3A_102 = arith.constant 2 : i32
        %mul3A_103 = arith.muli %mul3A_102, %scan3A_71 : i32
        %add3A_104 = arith.constant 2 : i32
        %add3A_105 = arith.addi %mul3A_103, %add3A_104 : i32
        %dma_wait3A_106 = arith.constant 0 : i32
        %dma_wait3A_107 = tpu.memref_slice %arg7[%add3A_105, %dma_wait3A_106] : memref<110x128xi32, #tpu.memory_space<vmem>> -> memref<1x128xi32, #tpu.memory_space<vmem>>
        %dma_wait3A_108 = tpu.memref_squeeze %dma_wait3A_107 : memref<1x128xi32, #tpu.memory_space<vmem>> -> memref<128xi32, #tpu.memory_space<vmem>>
        %dma_wait3A_109 = arith.constant 0 : i32
        %dma_wait3A_110 = arith.constant 0 : i32
        %dma_wait3A_111 = tpu.memref_slice %arg2[%dma_wait3A_109, %dma_wait3A_110] : memref<10240x64xf32, #tpu.memory_space<hbm>> -> memref<10240x64xf32, #tpu.memory_space<hbm>>
        tpu.wait_indirect_dma semaphore(%arg12 : memref<!tpu.dma_semaphore, #tpu.memory_space<semaphore_mem>>) src(%dma_wait3A_111 : memref<10240x64xf32, #tpu.memory_space<hbm>>) dst(%arg9 : memref<128x64xf32, #tpu.memory_space<vmem>>)
        %dma_start3A_112 = arith.constant 0 : i32
        %dma_start3A_113 = tpu.memref_slice %arg8[%add3A_105, %dma_start3A_112] : memref<110x128xi32, #tpu.memory_space<vmem>> -> memref<1x128xi32, #tpu.memory_space<vmem>>
        %dma_start3A_114 = tpu.memref_squeeze %dma_start3A_113 : memref<1x128xi32, #tpu.memory_space<vmem>> -> memref<128xi32, #tpu.memory_space<vmem>>
        %dma_start3A_115 = arith.constant 0 : i32
        %dma_start3A_116 = arith.constant 0 : i32
        %dma_start3A_117 = tpu.memref_slice %arg11[%dma_start3A_115, %dma_start3A_116] : memref<10240x64xf32, #tpu.memory_space<vmem_shared>> -> memref<10240x64xf32, #tpu.memory_space<vmem_shared>>
        tpu.enqueue_indirect_dma source(%arg9 : memref<128x64xf32, #tpu.memory_space<vmem>>) target(%dma_start3A_117 : memref<10240x64xf32, #tpu.memory_space<vmem_shared>>) offsets(%dma_start3A_114 : memref<128xi32, #tpu.memory_space<vmem>>) semaphore(%arg14 : memref<!tpu.dma_semaphore, #tpu.memory_space<semaphore_mem>>) {add = true}
        %dma_wait3A_118 = arith.constant 0 : i32
        %dma_wait3A_119 = tpu.memref_slice %arg8[%add3A_105, %dma_wait3A_118] : memref<110x128xi32, #tpu.memory_space<vmem>> -> memref<1x128xi32, #tpu.memory_space<vmem>>
        %dma_wait3A_120 = tpu.memref_squeeze %dma_wait3A_119 : memref<1x128xi32, #tpu.memory_space<vmem>> -> memref<128xi32, #tpu.memory_space<vmem>>
        %dma_wait3A_121 = arith.constant 0 : i32
        %dma_wait3A_122 = arith.constant 0 : i32
        %dma_wait3A_123 = tpu.memref_slice %arg11[%dma_wait3A_121, %dma_wait3A_122] : memref<10240x64xf32, #tpu.memory_space<vmem_shared>> -> memref<10240x64xf32, #tpu.memory_space<vmem_shared>>
        tpu.wait_indirect_dma semaphore(%arg15 : memref<!tpu.dma_semaphore, #tpu.memory_space<semaphore_mem>>) src(%arg10 : memref<128x64xf32, #tpu.memory_space<vmem>>) dst(%dma_wait3A_123 : memref<10240x64xf32, #tpu.memory_space<vmem_shared>>)
        %add3A_124 = arith.constant 1 : i32
        %add3A_125 = arith.addi %add3A_105, %add3A_124 : i32
        %dma_start3A_126 = arith.constant 0 : i32
        %dma_start3A_127 = tpu.memref_slice %arg7[%add3A_125, %dma_start3A_126] : memref<110x128xi32, #tpu.memory_space<vmem>> -> memref<1x128xi32, #tpu.memory_space<vmem>>
        %dma_start3A_128 = tpu.memref_squeeze %dma_start3A_127 : memref<1x128xi32, #tpu.memory_space<vmem>> -> memref<128xi32, #tpu.memory_space<vmem>>
        %dma_start3A_129 = arith.constant 0 : i32
        %dma_start3A_130 = arith.constant 0 : i32
        %dma_start3A_131 = tpu.memref_slice %arg2[%dma_start3A_129, %dma_start3A_130] : memref<10240x64xf32, #tpu.memory_space<hbm>> -> memref<10240x64xf32, #tpu.memory_space<hbm>>
        tpu.enqueue_indirect_dma source(%dma_start3A_131 : memref<10240x64xf32, #tpu.memory_space<hbm>>) target(%arg10 : memref<128x64xf32, #tpu.memory_space<vmem>>) offsets(%dma_start3A_128 : memref<128xi32, #tpu.memory_space<vmem>>) semaphore(%arg13 : memref<!tpu.dma_semaphore, #tpu.memory_space<semaphore_mem>>)
      }
      %scan3A_42 = arith.constant 24 : i32
      %dma_wait3A_43 = arith.constant 49 : i32
      %dma_wait3A_44 = arith.constant 0 : i32
      %dma_wait3A_45 = tpu.memref_slice %arg7[%dma_wait3A_43, %dma_wait3A_44] : memref<110x128xi32, #tpu.memory_space<vmem>> -> memref<1x128xi32, #tpu.memory_space<vmem>>
      %dma_wait3A_46 = tpu.memref_squeeze %dma_wait3A_45 : memref<1x128xi32, #tpu.memory_space<vmem>> -> memref<128xi32, #tpu.memory_space<vmem>>
      %dma_wait3A_47 = arith.constant 0 : i32
      %dma_wait3A_48 = arith.constant 0 : i32
      %dma_wait3A_49 = tpu.memref_slice %arg2[%dma_wait3A_47, %dma_wait3A_48] : memref<10240x64xf32, #tpu.memory_space<hbm>> -> memref<10240x64xf32, #tpu.memory_space<hbm>>
      tpu.wait_indirect_dma semaphore(%arg13 : memref<!tpu.dma_semaphore, #tpu.memory_space<semaphore_mem>>) src(%dma_wait3A_49 : memref<10240x64xf32, #tpu.memory_space<hbm>>) dst(%arg10 : memref<128x64xf32, #tpu.memory_space<vmem>>)
      %dma_start3A_50 = arith.constant 49 : i32
      %dma_start3A_51 = arith.constant 0 : i32
      %dma_start3A_52 = tpu.memref_slice %arg8[%dma_start3A_50, %dma_start3A_51] : memref<110x128xi32, #tpu.memory_space<vmem>> -> memref<1x128xi32, #tpu.memory_space<vmem>>
      %dma_start3A_53 = tpu.memref_squeeze %dma_start3A_52 : memref<1x128xi32, #tpu.memory_space<vmem>> -> memref<128xi32, #tpu.memory_space<vmem>>
      %dma_start3A_54 = arith.constant 0 : i32
      %dma_start3A_55 = arith.constant 0 : i32
      %dma_start3A_56 = tpu.memref_slice %arg11[%dma_start3A_54, %dma_start3A_55] : memref<10240x64xf32, #tpu.memory_space<vmem_shared>> -> memref<10240x64xf32, #tpu.memory_space<vmem_shared>>
      tpu.enqueue_indirect_dma source(%arg10 : memref<128x64xf32, #tpu.memory_space<vmem>>) target(%dma_start3A_56 : memref<10240x64xf32, #tpu.memory_space<vmem_shared>>) offsets(%dma_start3A_53 : memref<128xi32, #tpu.memory_space<vmem>>) semaphore(%arg15 : memref<!tpu.dma_semaphore, #tpu.memory_space<semaphore_mem>>) {add = true}
      %dma_wait3A_57 = arith.constant 0 : i32
      %dma_wait3A_58 = arith.constant 0 : i32
      %dma_wait3A_59 = tpu.memref_slice %arg8[%dma_wait3A_57, %dma_wait3A_58] : memref<110x128xi32, #tpu.memory_space<vmem>> -> memref<1x128xi32, #tpu.memory_space<vmem>>
      %dma_wait3A_60 = tpu.memref_squeeze %dma_wait3A_59 : memref<1x128xi32, #tpu.memory_space<vmem>> -> memref<128xi32, #tpu.memory_space<vmem>>
      %dma_wait3A_61 = arith.constant 0 : i32
      %dma_wait3A_62 = arith.constant 0 : i32
      %dma_wait3A_63 = tpu.memref_slice %arg11[%dma_wait3A_61, %dma_wait3A_62] : memref<10240x64xf32, #tpu.memory_space<vmem_shared>> -> memref<10240x64xf32, #tpu.memory_space<vmem_shared>>
      tpu.wait_indirect_dma semaphore(%arg14 : memref<!tpu.dma_semaphore, #tpu.memory_space<semaphore_mem>>) src(%arg9 : memref<128x64xf32, #tpu.memory_space<vmem>>) dst(%dma_wait3A_63 : memref<10240x64xf32, #tpu.memory_space<vmem_shared>>)
      %dma_wait3A_64 = arith.constant 0 : i32
      %dma_wait3A_65 = arith.constant 0 : i32
      %dma_wait3A_66 = tpu.memref_slice %arg8[%dma_wait3A_64, %dma_wait3A_65] : memref<110x128xi32, #tpu.memory_space<vmem>> -> memref<1x128xi32, #tpu.memory_space<vmem>>
      %dma_wait3A_67 = tpu.memref_squeeze %dma_wait3A_66 : memref<1x128xi32, #tpu.memory_space<vmem>> -> memref<128xi32, #tpu.memory_space<vmem>>
      %dma_wait3A_68 = arith.constant 0 : i32
      %dma_wait3A_69 = arith.constant 0 : i32
      %dma_wait3A_70 = tpu.memref_slice %arg11[%dma_wait3A_68, %dma_wait3A_69] : memref<10240x64xf32, #tpu.memory_space<vmem_shared>> -> memref<10240x64xf32, #tpu.memory_space<vmem_shared>>
      tpu.wait_indirect_dma semaphore(%arg15 : memref<!tpu.dma_semaphore, #tpu.memory_space<semaphore_mem>>) src(%arg10 : memref<128x64xf32, #tpu.memory_space<vmem>>) dst(%dma_wait3A_70 : memref<10240x64xf32, #tpu.memory_space<vmem_shared>>)
    } else {
    }
    %barrier3A_8 = arith.constant 0 : index
    tpu.barrier barrier_id(%barrier3A_8)
    "tpu.region"() ({
      %run_scoped3A = tpu.sem_alloc : memref<!tpu.dma_semaphore, #tpu.memory_space<semaphore_mem>>
      %dma_start3A = arith.constant 0 : i32
      %dma_start3A_9 = tpu.memref_slice %arg6[%arg0, %mul3A_0, %dma_start3A] : memref<2x10240x64xf32, #tpu.memory_space<hbm>> -> memref<1x640x64xf32, #tpu.memory_space<hbm>>
      %dma_start3A_10 = tpu.memref_squeeze %dma_start3A_9 : memref<1x640x64xf32, #tpu.memory_space<hbm>> -> memref<640x64xf32, #tpu.memory_space<hbm>>
      %dma_start3A_11 = arith.constant 0 : i32
      %dma_start3A_12 = tpu.memref_slice %arg11[%mul3A_0, %dma_start3A_11] : memref<10240x64xf32, #tpu.memory_space<vmem_shared>> -> memref<640x64xf32, #tpu.memory_space<vmem_shared>>
      tpu.enqueue_dma source(%dma_start3A_12 : memref<640x64xf32, #tpu.memory_space<vmem_shared>>) target(%dma_start3A_10 : memref<640x64xf32, #tpu.memory_space<hbm>>) target_semaphore(%run_scoped3A : memref<!tpu.dma_semaphore, #tpu.memory_space<semaphore_mem>>)
      %dma_wait3A = arith.constant 0 : i32
      %dma_wait3A_13 = tpu.memref_slice %arg6[%arg0, %mul3A_0, %dma_wait3A] : memref<2x10240x64xf32, #tpu.memory_space<hbm>> -> memref<1x640x64xf32, #tpu.memory_space<hbm>>
      %dma_wait3A_14 = tpu.memref_squeeze %dma_wait3A_13 : memref<1x640x64xf32, #tpu.memory_space<hbm>> -> memref<640x64xf32, #tpu.memory_space<hbm>>
      %dma_wait3A_15 = arith.constant 0 : i32
      %dma_wait3A_16 = tpu.memref_slice %arg11[%mul3A_0, %dma_wait3A_15] : memref<10240x64xf32, #tpu.memory_space<vmem_shared>> -> memref<640x64xf32, #tpu.memory_space<vmem_shared>>
      tpu.wait_dma2 semaphore(%run_scoped3A : memref<!tpu.dma_semaphore, #tpu.memory_space<semaphore_mem>>) src(%dma_wait3A_16 : memref<640x64xf32, #tpu.memory_space<vmem_shared>>) dst(%dma_wait3A_14 : memref<640x64xf32, #tpu.memory_space<hbm>>)
      tpu.yield
    }) : () -> ()
    return
  }
}

#map = affine_map<(d0, d1) -> (0, 0)>
#map1 = affine_map<(d0, d1) -> (0, 0, 0)>
module attributes {stable_mosaic.version = 14 : i64} {
  func.func @_agg(%arg0: i32, %arg1: i32, %arg2: memref<10240x64xf32, #tpu.memory_space<hbm>>, %arg3: memref<2560x128xi32, #tpu.memory_space<hbm>>, %arg4: memref<2560x128xi32, #tpu.memory_space<hbm>>, %arg5: memref<10240x64xf32, #tpu.memory_space<hbm>>, %arg6: memref<2x10240x64xf32, #tpu.memory_space<hbm>>, %arg7: memref<110x128xi32, #tpu.memory_space<vmem>>, %arg8: memref<110x128xi32, #tpu.memory_space<vmem>>, %arg9: memref<128x64xf32, #tpu.memory_space<vmem>>, %arg10: memref<128x64xf32, #tpu.memory_space<vmem>>, %arg11: memref<10240x64xf32, #tpu.memory_space<vmem_shared>>, %arg12: memref<!tpu.dma_semaphore, #tpu.memory_space<semaphore_mem>>, %arg13: memref<!tpu.dma_semaphore, #tpu.memory_space<semaphore_mem>>, %arg14: memref<!tpu.dma_semaphore, #tpu.memory_space<semaphore_mem>>, %arg15: memref<!tpu.dma_semaphore, #tpu.memory_space<semaphore_mem>>) attributes {dimension_semantics = [#tpu.dimension_semantics<core_parallel>, #tpu.dimension_semantics<subcore_parallel>], iteration_bounds = array<i64: 2, 16>, scalar_prefetch = 0 : i64, scratch_operands = 9 : i64, tpu.core_type = #tpu.core_type<sc_vector_subcore>, window_params = [{transform_indices = #map}, {transform_indices = #map}, {transform_indices = #map}, {transform_indices = #map}, {transform_indices = #map1}]} {
    %mul3A = arith.constant 640 : i32
    %mul3A_0 = arith.muli %arg1, %mul3A : i32
    "tpu.region"() ({
      %run_scoped3A = tpu.sem_alloc : memref<!tpu.dma_semaphore, #tpu.memory_space<semaphore_mem>>
      %dma_start3A = arith.constant 0 : i32
      %dma_start3A_9 = tpu.memref_slice %arg11[%mul3A_0, %dma_start3A] : memref<10240x64xf32, #tpu.memory_space<vmem_shared>> -> memref<640x64xf32, #tpu.memory_space<vmem_shared>>
      %dma_start3A_10 = arith.constant 0 : i32
      %dma_start3A_11 = tpu.memref_slice %arg5[%mul3A_0, %dma_start3A_10] : memref<10240x64xf32, #tpu.memory_space<hbm>> -> memref<640x64xf32, #tpu.memory_space<hbm>>
      tpu.enqueue_dma source(%dma_start3A_11 : memref<640x64xf32, #tpu.memory_space<hbm>>) target(%dma_start3A_9 : memref<640x64xf32, #tpu.memory_space<vmem_shared>>) target_semaphore(%run_scoped3A : memref<!tpu.dma_semaphore, #tpu.memory_space<semaphore_mem>>)
      %dma_wait3A = arith.constant 0 : i32
      %dma_wait3A_12 = tpu.memref_slice %arg11[%mul3A_0, %dma_wait3A] : memref<10240x64xf32, #tpu.memory_space<vmem_shared>> -> memref<640x64xf32, #tpu.memory_space<vmem_shared>>
      %dma_wait3A_13 = arith.constant 0 : i32
      %dma_wait3A_14 = tpu.memref_slice %arg5[%mul3A_0, %dma_wait3A_13] : memref<10240x64xf32, #tpu.memory_space<hbm>> -> memref<640x64xf32, #tpu.memory_space<hbm>>
      tpu.wait_dma2 semaphore(%run_scoped3A : memref<!tpu.dma_semaphore, #tpu.memory_space<semaphore_mem>>) src(%dma_wait3A_14 : memref<640x64xf32, #tpu.memory_space<hbm>>) dst(%dma_wait3A_12 : memref<640x64xf32, #tpu.memory_space<vmem_shared>>)
      tpu.yield
    }) : () -> ()
    %barrier3A = arith.constant 0 : index
    tpu.barrier barrier_id(%barrier3A)
    %eq3A = arith.constant 0 : i32
    %eq3A_1 = arith.cmpi eq, %arg0, %eq3A : i32
    %convert_element_type3A = arith.extui %eq3A_1 : i1 to i32
    %cond3A = arith.constant 0 : i32
    %cond3A_2 = arith.cmpi ne, %convert_element_type3A, %cond3A : i32
    scf.if %cond3A_2 {
      %mul3A_9 = arith.constant 110 : i32
      %mul3A_10 = arith.muli %arg1, %mul3A_9 : i32
      "tpu.region"() ({
        %run_scoped3A = tpu.sem_alloc : memref<!tpu.dma_semaphore, #tpu.memory_space<semaphore_mem>>
        %dma_start3A_70 = arith.constant 0 : i32
        %dma_start3A_71 = arith.constant 0 : i32
        %dma_start3A_72 = tpu.memref_slice %arg7[%dma_start3A_70, %dma_start3A_71] : memref<110x128xi32, #tpu.memory_space<vmem>> -> memref<110x128xi32, #tpu.memory_space<vmem>>
        %dma_start3A_73 = arith.constant 0 : i32
        %dma_start3A_74 = tpu.memref_slice %arg3[%mul3A_10, %dma_start3A_73] : memref<2560x128xi32, #tpu.memory_space<hbm>> -> memref<110x128xi32, #tpu.memory_space<hbm>>
        %dma_start3A_75 = arith.constant 0 : i32
        %dma_start3A_76 = arith.constant 0 : i32
        %dma_start3A_77 = tpu.memref_slice %arg7[%dma_start3A_75, %dma_start3A_76] : memref<110x128xi32, #tpu.memory_space<vmem>> -> memref<110x128xi32, #tpu.memory_space<vmem>>
        %dma_start3A_78 = arith.constant 0 : i32
        %dma_start3A_79 = tpu.memref_slice %arg3[%mul3A_10, %dma_start3A_78] : memref<2560x128xi32, #tpu.memory_space<hbm>> -> memref<110x128xi32, #tpu.memory_space<hbm>>
        tpu.enqueue_dma source(%dma_start3A_79 : memref<110x128xi32, #tpu.memory_space<hbm>>) target(%dma_start3A_77 : memref<110x128xi32, #tpu.memory_space<vmem>>) target_semaphore(%run_scoped3A : memref<!tpu.dma_semaphore, #tpu.memory_space<semaphore_mem>>)
        %dma_wait3A_80 = arith.constant 0 : i32
        %dma_wait3A_81 = arith.constant 0 : i32
        %dma_wait3A_82 = tpu.memref_slice %arg7[%dma_wait3A_80, %dma_wait3A_81] : memref<110x128xi32, #tpu.memory_space<vmem>> -> memref<110x128xi32, #tpu.memory_space<vmem>>
        %dma_wait3A_83 = arith.constant 0 : i32
        %dma_wait3A_84 = tpu.memref_slice %arg3[%mul3A_10, %dma_wait3A_83] : memref<2560x128xi32, #tpu.memory_space<hbm>> -> memref<110x128xi32, #tpu.memory_space<hbm>>
        %dma_wait3A_85 = arith.constant 0 : i32
        %dma_wait3A_86 = arith.constant 0 : i32
        %dma_wait3A_87 = tpu.memref_slice %arg7[%dma_wait3A_85, %dma_wait3A_86] : memref<110x128xi32, #tpu.memory_space<vmem>> -> memref<110x128xi32, #tpu.memory_space<vmem>>
        %dma_wait3A_88 = arith.constant 0 : i32
        %dma_wait3A_89 = tpu.memref_slice %arg3[%mul3A_10, %dma_wait3A_88] : memref<2560x128xi32, #tpu.memory_space<hbm>> -> memref<110x128xi32, #tpu.memory_space<hbm>>
        tpu.wait_dma2 semaphore(%run_scoped3A : memref<!tpu.dma_semaphore, #tpu.memory_space<semaphore_mem>>) src(%dma_wait3A_89 : memref<110x128xi32, #tpu.memory_space<hbm>>) dst(%dma_wait3A_87 : memref<110x128xi32, #tpu.memory_space<vmem>>)
        tpu.yield
      }) : () -> ()
      "tpu.region"() ({
        %run_scoped3A = tpu.sem_alloc : memref<!tpu.dma_semaphore, #tpu.memory_space<semaphore_mem>>
        %dma_start3A_70 = arith.constant 0 : i32
        %dma_start3A_71 = arith.constant 0 : i32
        %dma_start3A_72 = tpu.memref_slice %arg8[%dma_start3A_70, %dma_start3A_71] : memref<110x128xi32, #tpu.memory_space<vmem>> -> memref<110x128xi32, #tpu.memory_space<vmem>>
        %dma_start3A_73 = arith.constant 0 : i32
        %dma_start3A_74 = tpu.memref_slice %arg4[%mul3A_10, %dma_start3A_73] : memref<2560x128xi32, #tpu.memory_space<hbm>> -> memref<110x128xi32, #tpu.memory_space<hbm>>
        %dma_start3A_75 = arith.constant 0 : i32
        %dma_start3A_76 = arith.constant 0 : i32
        %dma_start3A_77 = tpu.memref_slice %arg8[%dma_start3A_75, %dma_start3A_76] : memref<110x128xi32, #tpu.memory_space<vmem>> -> memref<110x128xi32, #tpu.memory_space<vmem>>
        %dma_start3A_78 = arith.constant 0 : i32
        %dma_start3A_79 = tpu.memref_slice %arg4[%mul3A_10, %dma_start3A_78] : memref<2560x128xi32, #tpu.memory_space<hbm>> -> memref<110x128xi32, #tpu.memory_space<hbm>>
        tpu.enqueue_dma source(%dma_start3A_79 : memref<110x128xi32, #tpu.memory_space<hbm>>) target(%dma_start3A_77 : memref<110x128xi32, #tpu.memory_space<vmem>>) target_semaphore(%run_scoped3A : memref<!tpu.dma_semaphore, #tpu.memory_space<semaphore_mem>>)
        %dma_wait3A_80 = arith.constant 0 : i32
        %dma_wait3A_81 = arith.constant 0 : i32
        %dma_wait3A_82 = tpu.memref_slice %arg8[%dma_wait3A_80, %dma_wait3A_81] : memref<110x128xi32, #tpu.memory_space<vmem>> -> memref<110x128xi32, #tpu.memory_space<vmem>>
        %dma_wait3A_83 = arith.constant 0 : i32
        %dma_wait3A_84 = tpu.memref_slice %arg4[%mul3A_10, %dma_wait3A_83] : memref<2560x128xi32, #tpu.memory_space<hbm>> -> memref<110x128xi32, #tpu.memory_space<hbm>>
        %dma_wait3A_85 = arith.constant 0 : i32
        %dma_wait3A_86 = arith.constant 0 : i32
        %dma_wait3A_87 = tpu.memref_slice %arg8[%dma_wait3A_85, %dma_wait3A_86] : memref<110x128xi32, #tpu.memory_space<vmem>> -> memref<110x128xi32, #tpu.memory_space<vmem>>
        %dma_wait3A_88 = arith.constant 0 : i32
        %dma_wait3A_89 = tpu.memref_slice %arg4[%mul3A_10, %dma_wait3A_88] : memref<2560x128xi32, #tpu.memory_space<hbm>> -> memref<110x128xi32, #tpu.memory_space<hbm>>
        tpu.wait_dma2 semaphore(%run_scoped3A : memref<!tpu.dma_semaphore, #tpu.memory_space<semaphore_mem>>) src(%dma_wait3A_89 : memref<110x128xi32, #tpu.memory_space<hbm>>) dst(%dma_wait3A_87 : memref<110x128xi32, #tpu.memory_space<vmem>>)
        tpu.yield
      }) : () -> ()
      %dma_start3A = arith.constant 0 : i32
      %dma_start3A_11 = arith.constant 0 : i32
      %dma_start3A_12 = tpu.memref_slice %arg7[%dma_start3A, %dma_start3A_11] : memref<110x128xi32, #tpu.memory_space<vmem>> -> memref<1x128xi32, #tpu.memory_space<vmem>>
      %dma_start3A_13 = tpu.memref_squeeze %dma_start3A_12 : memref<1x128xi32, #tpu.memory_space<vmem>> -> memref<128xi32, #tpu.memory_space<vmem>>
      %dma_start3A_14 = arith.constant 0 : i32
      %dma_start3A_15 = arith.constant 0 : i32
      %dma_start3A_16 = tpu.memref_slice %arg2[%dma_start3A_14, %dma_start3A_15] : memref<10240x64xf32, #tpu.memory_space<hbm>> -> memref<10240x64xf32, #tpu.memory_space<hbm>>
      tpu.enqueue_indirect_dma source(%dma_start3A_16 : memref<10240x64xf32, #tpu.memory_space<hbm>>) target(%arg9 : memref<128x64xf32, #tpu.memory_space<vmem>>) offsets(%dma_start3A_13 : memref<128xi32, #tpu.memory_space<vmem>>) semaphore(%arg12 : memref<!tpu.dma_semaphore, #tpu.memory_space<semaphore_mem>>)
      %dma_wait3A = arith.constant 0 : i32
      %dma_wait3A_17 = arith.constant 0 : i32
      %dma_wait3A_18 = tpu.memref_slice %arg7[%dma_wait3A, %dma_wait3A_17] : memref<110x128xi32, #tpu.memory_space<vmem>> -> memref<1x128xi32, #tpu.memory_space<vmem>>
      %dma_wait3A_19 = tpu.memref_squeeze %dma_wait3A_18 : memref<1x128xi32, #tpu.memory_space<vmem>> -> memref<128xi32, #tpu.memory_space<vmem>>
      %dma_wait3A_20 = arith.constant 0 : i32
      %dma_wait3A_21 = arith.constant 0 : i32
      %dma_wait3A_22 = tpu.memref_slice %arg2[%dma_wait3A_20, %dma_wait3A_21] : memref<10240x64xf32, #tpu.memory_space<hbm>> -> memref<10240x64xf32, #tpu.memory_space<hbm>>
      tpu.wait_indirect_dma semaphore(%arg12 : memref<!tpu.dma_semaphore, #tpu.memory_space<semaphore_mem>>) src(%dma_wait3A_22 : memref<10240x64xf32, #tpu.memory_space<hbm>>) dst(%arg9 : memref<128x64xf32, #tpu.memory_space<vmem>>)
      %dma_start3A_23 = arith.constant 0 : i32
      %dma_start3A_24 = arith.constant 0 : i32
      %dma_start3A_25 = tpu.memref_slice %arg8[%dma_start3A_23, %dma_start3A_24] : memref<110x128xi32, #tpu.memory_space<vmem>> -> memref<1x128xi32, #tpu.memory_space<vmem>>
      %dma_start3A_26 = tpu.memref_squeeze %dma_start3A_25 : memref<1x128xi32, #tpu.memory_space<vmem>> -> memref<128xi32, #tpu.memory_space<vmem>>
      %dma_start3A_27 = arith.constant 0 : i32
      %dma_start3A_28 = arith.constant 0 : i32
      %dma_start3A_29 = tpu.memref_slice %arg11[%dma_start3A_27, %dma_start3A_28] : memref<10240x64xf32, #tpu.memory_space<vmem_shared>> -> memref<10240x64xf32, #tpu.memory_space<vmem_shared>>
      tpu.enqueue_indirect_dma source(%arg9 : memref<128x64xf32, #tpu.memory_space<vmem>>) target(%dma_start3A_29 : memref<10240x64xf32, #tpu.memory_space<vmem_shared>>) offsets(%dma_start3A_26 : memref<128xi32, #tpu.memory_space<vmem>>) semaphore(%arg14 : memref<!tpu.dma_semaphore, #tpu.memory_space<semaphore_mem>>) {add = true}
      %dma_start3A_30 = arith.constant 1 : i32
      %dma_start3A_31 = arith.constant 0 : i32
      %dma_start3A_32 = tpu.memref_slice %arg7[%dma_start3A_30, %dma_start3A_31] : memref<110x128xi32, #tpu.memory_space<vmem>> -> memref<1x128xi32, #tpu.memory_space<vmem>>
      %dma_start3A_33 = tpu.memref_squeeze %dma_start3A_32 : memref<1x128xi32, #tpu.memory_space<vmem>> -> memref<128xi32, #tpu.memory_space<vmem>>
      %dma_start3A_34 = arith.constant 0 : i32
      %dma_start3A_35 = arith.constant 0 : i32
      %dma_start3A_36 = tpu.memref_slice %arg2[%dma_start3A_34, %dma_start3A_35] : memref<10240x64xf32, #tpu.memory_space<hbm>> -> memref<10240x64xf32, #tpu.memory_space<hbm>>
      tpu.enqueue_indirect_dma source(%dma_start3A_36 : memref<10240x64xf32, #tpu.memory_space<hbm>>) target(%arg10 : memref<128x64xf32, #tpu.memory_space<vmem>>) offsets(%dma_start3A_33 : memref<128xi32, #tpu.memory_space<vmem>>) semaphore(%arg13 : memref<!tpu.dma_semaphore, #tpu.memory_space<semaphore_mem>>)
      %scan3A = arith.constant 0 : i32
      %scan3A_37 = arith.constant 0 : i32
      %scan3A_38 = arith.constant 54 : i32
      %scan3A_39 = arith.addi %scan3A_37, %scan3A_38 : i32
      %scan3A_40 = arith.constant 1 : i32
      scf.for %scan3A_70 = %scan3A_37 to %scan3A_39 step %scan3A_40  : i32 {
        %mul3A_71 = arith.constant 2 : i32
        %mul3A_72 = arith.muli %mul3A_71, %scan3A_70 : i32
        %add3A = arith.constant 1 : i32
        %add3A_73 = arith.addi %mul3A_72, %add3A : i32
        %dma_wait3A_74 = arith.constant 0 : i32
        %dma_wait3A_75 = tpu.memref_slice %arg7[%add3A_73, %dma_wait3A_74] : memref<110x128xi32, #tpu.memory_space<vmem>> -> memref<1x128xi32, #tpu.memory_space<vmem>>
        %dma_wait3A_76 = tpu.memref_squeeze %dma_wait3A_75 : memref<1x128xi32, #tpu.memory_space<vmem>> -> memref<128xi32, #tpu.memory_space<vmem>>
        %dma_wait3A_77 = arith.constant 0 : i32
        %dma_wait3A_78 = arith.constant 0 : i32
        %dma_wait3A_79 = tpu.memref_slice %arg2[%dma_wait3A_77, %dma_wait3A_78] : memref<10240x64xf32, #tpu.memory_space<hbm>> -> memref<10240x64xf32, #tpu.memory_space<hbm>>
        tpu.wait_indirect_dma semaphore(%arg13 : memref<!tpu.dma_semaphore, #tpu.memory_space<semaphore_mem>>) src(%dma_wait3A_79 : memref<10240x64xf32, #tpu.memory_space<hbm>>) dst(%arg10 : memref<128x64xf32, #tpu.memory_space<vmem>>)
        %dma_start3A_80 = arith.constant 0 : i32
        %dma_start3A_81 = tpu.memref_slice %arg8[%add3A_73, %dma_start3A_80] : memref<110x128xi32, #tpu.memory_space<vmem>> -> memref<1x128xi32, #tpu.memory_space<vmem>>
        %dma_start3A_82 = tpu.memref_squeeze %dma_start3A_81 : memref<1x128xi32, #tpu.memory_space<vmem>> -> memref<128xi32, #tpu.memory_space<vmem>>
        %dma_start3A_83 = arith.constant 0 : i32
        %dma_start3A_84 = arith.constant 0 : i32
        %dma_start3A_85 = tpu.memref_slice %arg11[%dma_start3A_83, %dma_start3A_84] : memref<10240x64xf32, #tpu.memory_space<vmem_shared>> -> memref<10240x64xf32, #tpu.memory_space<vmem_shared>>
        tpu.enqueue_indirect_dma source(%arg10 : memref<128x64xf32, #tpu.memory_space<vmem>>) target(%dma_start3A_85 : memref<10240x64xf32, #tpu.memory_space<vmem_shared>>) offsets(%dma_start3A_82 : memref<128xi32, #tpu.memory_space<vmem>>) semaphore(%arg15 : memref<!tpu.dma_semaphore, #tpu.memory_space<semaphore_mem>>) {add = true}
        %dma_wait3A_86 = arith.constant 0 : i32
        %dma_wait3A_87 = tpu.memref_slice %arg8[%add3A_73, %dma_wait3A_86] : memref<110x128xi32, #tpu.memory_space<vmem>> -> memref<1x128xi32, #tpu.memory_space<vmem>>
        %dma_wait3A_88 = tpu.memref_squeeze %dma_wait3A_87 : memref<1x128xi32, #tpu.memory_space<vmem>> -> memref<128xi32, #tpu.memory_space<vmem>>
        %dma_wait3A_89 = arith.constant 0 : i32
        %dma_wait3A_90 = arith.constant 0 : i32
        %dma_wait3A_91 = tpu.memref_slice %arg11[%dma_wait3A_89, %dma_wait3A_90] : memref<10240x64xf32, #tpu.memory_space<vmem_shared>> -> memref<10240x64xf32, #tpu.memory_space<vmem_shared>>
        tpu.wait_indirect_dma semaphore(%arg14 : memref<!tpu.dma_semaphore, #tpu.memory_space<semaphore_mem>>) src(%arg9 : memref<128x64xf32, #tpu.memory_space<vmem>>) dst(%dma_wait3A_91 : memref<10240x64xf32, #tpu.memory_space<vmem_shared>>)
        %add3A_92 = arith.constant 1 : i32
        %add3A_93 = arith.addi %add3A_73, %add3A_92 : i32
        %dma_start3A_94 = arith.constant 0 : i32
        %dma_start3A_95 = tpu.memref_slice %arg7[%add3A_93, %dma_start3A_94] : memref<110x128xi32, #tpu.memory_space<vmem>> -> memref<1x128xi32, #tpu.memory_space<vmem>>
        %dma_start3A_96 = tpu.memref_squeeze %dma_start3A_95 : memref<1x128xi32, #tpu.memory_space<vmem>> -> memref<128xi32, #tpu.memory_space<vmem>>
        %dma_start3A_97 = arith.constant 0 : i32
        %dma_start3A_98 = arith.constant 0 : i32
        %dma_start3A_99 = tpu.memref_slice %arg2[%dma_start3A_97, %dma_start3A_98] : memref<10240x64xf32, #tpu.memory_space<hbm>> -> memref<10240x64xf32, #tpu.memory_space<hbm>>
        tpu.enqueue_indirect_dma source(%dma_start3A_99 : memref<10240x64xf32, #tpu.memory_space<hbm>>) target(%arg9 : memref<128x64xf32, #tpu.memory_space<vmem>>) offsets(%dma_start3A_96 : memref<128xi32, #tpu.memory_space<vmem>>) semaphore(%arg12 : memref<!tpu.dma_semaphore, #tpu.memory_space<semaphore_mem>>)
        %mul3A_100 = arith.constant 2 : i32
        %mul3A_101 = arith.muli %mul3A_100, %scan3A_70 : i32
        %add3A_102 = arith.constant 2 : i32
        %add3A_103 = arith.addi %mul3A_101, %add3A_102 : i32
        %dma_wait3A_104 = arith.constant 0 : i32
        %dma_wait3A_105 = tpu.memref_slice %arg7[%add3A_103, %dma_wait3A_104] : memref<110x128xi32, #tpu.memory_space<vmem>> -> memref<1x128xi32, #tpu.memory_space<vmem>>
        %dma_wait3A_106 = tpu.memref_squeeze %dma_wait3A_105 : memref<1x128xi32, #tpu.memory_space<vmem>> -> memref<128xi32, #tpu.memory_space<vmem>>
        %dma_wait3A_107 = arith.constant 0 : i32
        %dma_wait3A_108 = arith.constant 0 : i32
        %dma_wait3A_109 = tpu.memref_slice %arg2[%dma_wait3A_107, %dma_wait3A_108] : memref<10240x64xf32, #tpu.memory_space<hbm>> -> memref<10240x64xf32, #tpu.memory_space<hbm>>
        tpu.wait_indirect_dma semaphore(%arg12 : memref<!tpu.dma_semaphore, #tpu.memory_space<semaphore_mem>>) src(%dma_wait3A_109 : memref<10240x64xf32, #tpu.memory_space<hbm>>) dst(%arg9 : memref<128x64xf32, #tpu.memory_space<vmem>>)
        %dma_start3A_110 = arith.constant 0 : i32
        %dma_start3A_111 = tpu.memref_slice %arg8[%add3A_103, %dma_start3A_110] : memref<110x128xi32, #tpu.memory_space<vmem>> -> memref<1x128xi32, #tpu.memory_space<vmem>>
        %dma_start3A_112 = tpu.memref_squeeze %dma_start3A_111 : memref<1x128xi32, #tpu.memory_space<vmem>> -> memref<128xi32, #tpu.memory_space<vmem>>
        %dma_start3A_113 = arith.constant 0 : i32
        %dma_start3A_114 = arith.constant 0 : i32
        %dma_start3A_115 = tpu.memref_slice %arg11[%dma_start3A_113, %dma_start3A_114] : memref<10240x64xf32, #tpu.memory_space<vmem_shared>> -> memref<10240x64xf32, #tpu.memory_space<vmem_shared>>
        tpu.enqueue_indirect_dma source(%arg9 : memref<128x64xf32, #tpu.memory_space<vmem>>) target(%dma_start3A_115 : memref<10240x64xf32, #tpu.memory_space<vmem_shared>>) offsets(%dma_start3A_112 : memref<128xi32, #tpu.memory_space<vmem>>) semaphore(%arg14 : memref<!tpu.dma_semaphore, #tpu.memory_space<semaphore_mem>>) {add = true}
        %dma_wait3A_116 = arith.constant 0 : i32
        %dma_wait3A_117 = tpu.memref_slice %arg8[%add3A_103, %dma_wait3A_116] : memref<110x128xi32, #tpu.memory_space<vmem>> -> memref<1x128xi32, #tpu.memory_space<vmem>>
        %dma_wait3A_118 = tpu.memref_squeeze %dma_wait3A_117 : memref<1x128xi32, #tpu.memory_space<vmem>> -> memref<128xi32, #tpu.memory_space<vmem>>
        %dma_wait3A_119 = arith.constant 0 : i32
        %dma_wait3A_120 = arith.constant 0 : i32
        %dma_wait3A_121 = tpu.memref_slice %arg11[%dma_wait3A_119, %dma_wait3A_120] : memref<10240x64xf32, #tpu.memory_space<vmem_shared>> -> memref<10240x64xf32, #tpu.memory_space<vmem_shared>>
        tpu.wait_indirect_dma semaphore(%arg15 : memref<!tpu.dma_semaphore, #tpu.memory_space<semaphore_mem>>) src(%arg10 : memref<128x64xf32, #tpu.memory_space<vmem>>) dst(%dma_wait3A_121 : memref<10240x64xf32, #tpu.memory_space<vmem_shared>>)
        %add3A_122 = arith.constant 1 : i32
        %add3A_123 = arith.addi %add3A_103, %add3A_122 : i32
        %dma_start3A_124 = arith.constant 0 : i32
        %dma_start3A_125 = tpu.memref_slice %arg7[%add3A_123, %dma_start3A_124] : memref<110x128xi32, #tpu.memory_space<vmem>> -> memref<1x128xi32, #tpu.memory_space<vmem>>
        %dma_start3A_126 = tpu.memref_squeeze %dma_start3A_125 : memref<1x128xi32, #tpu.memory_space<vmem>> -> memref<128xi32, #tpu.memory_space<vmem>>
        %dma_start3A_127 = arith.constant 0 : i32
        %dma_start3A_128 = arith.constant 0 : i32
        %dma_start3A_129 = tpu.memref_slice %arg2[%dma_start3A_127, %dma_start3A_128] : memref<10240x64xf32, #tpu.memory_space<hbm>> -> memref<10240x64xf32, #tpu.memory_space<hbm>>
        tpu.enqueue_indirect_dma source(%dma_start3A_129 : memref<10240x64xf32, #tpu.memory_space<hbm>>) target(%arg10 : memref<128x64xf32, #tpu.memory_space<vmem>>) offsets(%dma_start3A_126 : memref<128xi32, #tpu.memory_space<vmem>>) semaphore(%arg13 : memref<!tpu.dma_semaphore, #tpu.memory_space<semaphore_mem>>)
      }
      %scan3A_41 = arith.constant 54 : i32
      %dma_wait3A_42 = arith.constant 109 : i32
      %dma_wait3A_43 = arith.constant 0 : i32
      %dma_wait3A_44 = tpu.memref_slice %arg7[%dma_wait3A_42, %dma_wait3A_43] : memref<110x128xi32, #tpu.memory_space<vmem>> -> memref<1x128xi32, #tpu.memory_space<vmem>>
      %dma_wait3A_45 = tpu.memref_squeeze %dma_wait3A_44 : memref<1x128xi32, #tpu.memory_space<vmem>> -> memref<128xi32, #tpu.memory_space<vmem>>
      %dma_wait3A_46 = arith.constant 0 : i32
      %dma_wait3A_47 = arith.constant 0 : i32
      %dma_wait3A_48 = tpu.memref_slice %arg2[%dma_wait3A_46, %dma_wait3A_47] : memref<10240x64xf32, #tpu.memory_space<hbm>> -> memref<10240x64xf32, #tpu.memory_space<hbm>>
      tpu.wait_indirect_dma semaphore(%arg13 : memref<!tpu.dma_semaphore, #tpu.memory_space<semaphore_mem>>) src(%dma_wait3A_48 : memref<10240x64xf32, #tpu.memory_space<hbm>>) dst(%arg10 : memref<128x64xf32, #tpu.memory_space<vmem>>)
      %dma_start3A_49 = arith.constant 109 : i32
      %dma_start3A_50 = arith.constant 0 : i32
      %dma_start3A_51 = tpu.memref_slice %arg8[%dma_start3A_49, %dma_start3A_50] : memref<110x128xi32, #tpu.memory_space<vmem>> -> memref<1x128xi32, #tpu.memory_space<vmem>>
      %dma_start3A_52 = tpu.memref_squeeze %dma_start3A_51 : memref<1x128xi32, #tpu.memory_space<vmem>> -> memref<128xi32, #tpu.memory_space<vmem>>
      %dma_start3A_53 = arith.constant 0 : i32
      %dma_start3A_54 = arith.constant 0 : i32
      %dma_start3A_55 = tpu.memref_slice %arg11[%dma_start3A_53, %dma_start3A_54] : memref<10240x64xf32, #tpu.memory_space<vmem_shared>> -> memref<10240x64xf32, #tpu.memory_space<vmem_shared>>
      tpu.enqueue_indirect_dma source(%arg10 : memref<128x64xf32, #tpu.memory_space<vmem>>) target(%dma_start3A_55 : memref<10240x64xf32, #tpu.memory_space<vmem_shared>>) offsets(%dma_start3A_52 : memref<128xi32, #tpu.memory_space<vmem>>) semaphore(%arg15 : memref<!tpu.dma_semaphore, #tpu.memory_space<semaphore_mem>>) {add = true}
      %dma_wait3A_56 = arith.constant 0 : i32
      %dma_wait3A_57 = arith.constant 0 : i32
      %dma_wait3A_58 = tpu.memref_slice %arg8[%dma_wait3A_56, %dma_wait3A_57] : memref<110x128xi32, #tpu.memory_space<vmem>> -> memref<1x128xi32, #tpu.memory_space<vmem>>
      %dma_wait3A_59 = tpu.memref_squeeze %dma_wait3A_58 : memref<1x128xi32, #tpu.memory_space<vmem>> -> memref<128xi32, #tpu.memory_space<vmem>>
      %dma_wait3A_60 = arith.constant 0 : i32
      %dma_wait3A_61 = arith.constant 0 : i32
      %dma_wait3A_62 = tpu.memref_slice %arg11[%dma_wait3A_60, %dma_wait3A_61] : memref<10240x64xf32, #tpu.memory_space<vmem_shared>> -> memref<10240x64xf32, #tpu.memory_space<vmem_shared>>
      tpu.wait_indirect_dma semaphore(%arg14 : memref<!tpu.dma_semaphore, #tpu.memory_space<semaphore_mem>>) src(%arg9 : memref<128x64xf32, #tpu.memory_space<vmem>>) dst(%dma_wait3A_62 : memref<10240x64xf32, #tpu.memory_space<vmem_shared>>)
      %dma_wait3A_63 = arith.constant 0 : i32
      %dma_wait3A_64 = arith.constant 0 : i32
      %dma_wait3A_65 = tpu.memref_slice %arg8[%dma_wait3A_63, %dma_wait3A_64] : memref<110x128xi32, #tpu.memory_space<vmem>> -> memref<1x128xi32, #tpu.memory_space<vmem>>
      %dma_wait3A_66 = tpu.memref_squeeze %dma_wait3A_65 : memref<1x128xi32, #tpu.memory_space<vmem>> -> memref<128xi32, #tpu.memory_space<vmem>>
      %dma_wait3A_67 = arith.constant 0 : i32
      %dma_wait3A_68 = arith.constant 0 : i32
      %dma_wait3A_69 = tpu.memref_slice %arg11[%dma_wait3A_67, %dma_wait3A_68] : memref<10240x64xf32, #tpu.memory_space<vmem_shared>> -> memref<10240x64xf32, #tpu.memory_space<vmem_shared>>
      tpu.wait_indirect_dma semaphore(%arg15 : memref<!tpu.dma_semaphore, #tpu.memory_space<semaphore_mem>>) src(%arg10 : memref<128x64xf32, #tpu.memory_space<vmem>>) dst(%dma_wait3A_69 : memref<10240x64xf32, #tpu.memory_space<vmem_shared>>)
    } else {
    }
    %eq3A_3 = arith.constant 1 : i32
    %eq3A_4 = arith.cmpi eq, %arg0, %eq3A_3 : i32
    %convert_element_type3A_5 = arith.extui %eq3A_4 : i1 to i32
    %cond3A_6 = arith.constant 0 : i32
    %cond3A_7 = arith.cmpi ne, %convert_element_type3A_5, %cond3A_6 : i32
    scf.if %cond3A_7 {
      %mul3A_9 = arith.constant 50 : i32
      %mul3A_10 = arith.muli %arg1, %mul3A_9 : i32
      %add3A = arith.constant 1760 : i32
      %add3A_11 = arith.addi %add3A, %mul3A_10 : i32
      "tpu.region"() ({
        %run_scoped3A = tpu.sem_alloc : memref<!tpu.dma_semaphore, #tpu.memory_space<semaphore_mem>>
        %dma_start3A_71 = arith.constant 0 : i32
        %dma_start3A_72 = arith.constant 0 : i32
        %dma_start3A_73 = tpu.memref_slice %arg7[%dma_start3A_71, %dma_start3A_72] : memref<110x128xi32, #tpu.memory_space<vmem>> -> memref<50x128xi32, #tpu.memory_space<vmem>>
        %dma_start3A_74 = arith.constant 0 : i32
        %dma_start3A_75 = tpu.memref_slice %arg3[%add3A_11, %dma_start3A_74] : memref<2560x128xi32, #tpu.memory_space<hbm>> -> memref<50x128xi32, #tpu.memory_space<hbm>>
        %dma_start3A_76 = arith.constant 0 : i32
        %dma_start3A_77 = arith.constant 0 : i32
        %dma_start3A_78 = tpu.memref_slice %arg7[%dma_start3A_76, %dma_start3A_77] : memref<110x128xi32, #tpu.memory_space<vmem>> -> memref<50x128xi32, #tpu.memory_space<vmem>>
        %dma_start3A_79 = arith.constant 0 : i32
        %dma_start3A_80 = tpu.memref_slice %arg3[%add3A_11, %dma_start3A_79] : memref<2560x128xi32, #tpu.memory_space<hbm>> -> memref<50x128xi32, #tpu.memory_space<hbm>>
        tpu.enqueue_dma source(%dma_start3A_80 : memref<50x128xi32, #tpu.memory_space<hbm>>) target(%dma_start3A_78 : memref<50x128xi32, #tpu.memory_space<vmem>>) target_semaphore(%run_scoped3A : memref<!tpu.dma_semaphore, #tpu.memory_space<semaphore_mem>>)
        %dma_wait3A_81 = arith.constant 0 : i32
        %dma_wait3A_82 = arith.constant 0 : i32
        %dma_wait3A_83 = tpu.memref_slice %arg7[%dma_wait3A_81, %dma_wait3A_82] : memref<110x128xi32, #tpu.memory_space<vmem>> -> memref<50x128xi32, #tpu.memory_space<vmem>>
        %dma_wait3A_84 = arith.constant 0 : i32
        %dma_wait3A_85 = tpu.memref_slice %arg3[%add3A_11, %dma_wait3A_84] : memref<2560x128xi32, #tpu.memory_space<hbm>> -> memref<50x128xi32, #tpu.memory_space<hbm>>
        %dma_wait3A_86 = arith.constant 0 : i32
        %dma_wait3A_87 = arith.constant 0 : i32
        %dma_wait3A_88 = tpu.memref_slice %arg7[%dma_wait3A_86, %dma_wait3A_87] : memref<110x128xi32, #tpu.memory_space<vmem>> -> memref<50x128xi32, #tpu.memory_space<vmem>>
        %dma_wait3A_89 = arith.constant 0 : i32
        %dma_wait3A_90 = tpu.memref_slice %arg3[%add3A_11, %dma_wait3A_89] : memref<2560x128xi32, #tpu.memory_space<hbm>> -> memref<50x128xi32, #tpu.memory_space<hbm>>
        tpu.wait_dma2 semaphore(%run_scoped3A : memref<!tpu.dma_semaphore, #tpu.memory_space<semaphore_mem>>) src(%dma_wait3A_90 : memref<50x128xi32, #tpu.memory_space<hbm>>) dst(%dma_wait3A_88 : memref<50x128xi32, #tpu.memory_space<vmem>>)
        tpu.yield
      }) : () -> ()
      "tpu.region"() ({
        %run_scoped3A = tpu.sem_alloc : memref<!tpu.dma_semaphore, #tpu.memory_space<semaphore_mem>>
        %dma_start3A_71 = arith.constant 0 : i32
        %dma_start3A_72 = arith.constant 0 : i32
        %dma_start3A_73 = tpu.memref_slice %arg8[%dma_start3A_71, %dma_start3A_72] : memref<110x128xi32, #tpu.memory_space<vmem>> -> memref<50x128xi32, #tpu.memory_space<vmem>>
        %dma_start3A_74 = arith.constant 0 : i32
        %dma_start3A_75 = tpu.memref_slice %arg4[%add3A_11, %dma_start3A_74] : memref<2560x128xi32, #tpu.memory_space<hbm>> -> memref<50x128xi32, #tpu.memory_space<hbm>>
        %dma_start3A_76 = arith.constant 0 : i32
        %dma_start3A_77 = arith.constant 0 : i32
        %dma_start3A_78 = tpu.memref_slice %arg8[%dma_start3A_76, %dma_start3A_77] : memref<110x128xi32, #tpu.memory_space<vmem>> -> memref<50x128xi32, #tpu.memory_space<vmem>>
        %dma_start3A_79 = arith.constant 0 : i32
        %dma_start3A_80 = tpu.memref_slice %arg4[%add3A_11, %dma_start3A_79] : memref<2560x128xi32, #tpu.memory_space<hbm>> -> memref<50x128xi32, #tpu.memory_space<hbm>>
        tpu.enqueue_dma source(%dma_start3A_80 : memref<50x128xi32, #tpu.memory_space<hbm>>) target(%dma_start3A_78 : memref<50x128xi32, #tpu.memory_space<vmem>>) target_semaphore(%run_scoped3A : memref<!tpu.dma_semaphore, #tpu.memory_space<semaphore_mem>>)
        %dma_wait3A_81 = arith.constant 0 : i32
        %dma_wait3A_82 = arith.constant 0 : i32
        %dma_wait3A_83 = tpu.memref_slice %arg8[%dma_wait3A_81, %dma_wait3A_82] : memref<110x128xi32, #tpu.memory_space<vmem>> -> memref<50x128xi32, #tpu.memory_space<vmem>>
        %dma_wait3A_84 = arith.constant 0 : i32
        %dma_wait3A_85 = tpu.memref_slice %arg4[%add3A_11, %dma_wait3A_84] : memref<2560x128xi32, #tpu.memory_space<hbm>> -> memref<50x128xi32, #tpu.memory_space<hbm>>
        %dma_wait3A_86 = arith.constant 0 : i32
        %dma_wait3A_87 = arith.constant 0 : i32
        %dma_wait3A_88 = tpu.memref_slice %arg8[%dma_wait3A_86, %dma_wait3A_87] : memref<110x128xi32, #tpu.memory_space<vmem>> -> memref<50x128xi32, #tpu.memory_space<vmem>>
        %dma_wait3A_89 = arith.constant 0 : i32
        %dma_wait3A_90 = tpu.memref_slice %arg4[%add3A_11, %dma_wait3A_89] : memref<2560x128xi32, #tpu.memory_space<hbm>> -> memref<50x128xi32, #tpu.memory_space<hbm>>
        tpu.wait_dma2 semaphore(%run_scoped3A : memref<!tpu.dma_semaphore, #tpu.memory_space<semaphore_mem>>) src(%dma_wait3A_90 : memref<50x128xi32, #tpu.memory_space<hbm>>) dst(%dma_wait3A_88 : memref<50x128xi32, #tpu.memory_space<vmem>>)
        tpu.yield
      }) : () -> ()
      %dma_start3A = arith.constant 0 : i32
      %dma_start3A_12 = arith.constant 0 : i32
      %dma_start3A_13 = tpu.memref_slice %arg7[%dma_start3A, %dma_start3A_12] : memref<110x128xi32, #tpu.memory_space<vmem>> -> memref<1x128xi32, #tpu.memory_space<vmem>>
      %dma_start3A_14 = tpu.memref_squeeze %dma_start3A_13 : memref<1x128xi32, #tpu.memory_space<vmem>> -> memref<128xi32, #tpu.memory_space<vmem>>
      %dma_start3A_15 = arith.constant 0 : i32
      %dma_start3A_16 = arith.constant 0 : i32
      %dma_start3A_17 = tpu.memref_slice %arg2[%dma_start3A_15, %dma_start3A_16] : memref<10240x64xf32, #tpu.memory_space<hbm>> -> memref<10240x64xf32, #tpu.memory_space<hbm>>
      tpu.enqueue_indirect_dma source(%dma_start3A_17 : memref<10240x64xf32, #tpu.memory_space<hbm>>) target(%arg9 : memref<128x64xf32, #tpu.memory_space<vmem>>) offsets(%dma_start3A_14 : memref<128xi32, #tpu.memory_space<vmem>>) semaphore(%arg12 : memref<!tpu.dma_semaphore, #tpu.memory_space<semaphore_mem>>)
      %dma_wait3A = arith.constant 0 : i32
      %dma_wait3A_18 = arith.constant 0 : i32
      %dma_wait3A_19 = tpu.memref_slice %arg7[%dma_wait3A, %dma_wait3A_18] : memref<110x128xi32, #tpu.memory_space<vmem>> -> memref<1x128xi32, #tpu.memory_space<vmem>>
      %dma_wait3A_20 = tpu.memref_squeeze %dma_wait3A_19 : memref<1x128xi32, #tpu.memory_space<vmem>> -> memref<128xi32, #tpu.memory_space<vmem>>
      %dma_wait3A_21 = arith.constant 0 : i32
      %dma_wait3A_22 = arith.constant 0 : i32
      %dma_wait3A_23 = tpu.memref_slice %arg2[%dma_wait3A_21, %dma_wait3A_22] : memref<10240x64xf32, #tpu.memory_space<hbm>> -> memref<10240x64xf32, #tpu.memory_space<hbm>>
      tpu.wait_indirect_dma semaphore(%arg12 : memref<!tpu.dma_semaphore, #tpu.memory_space<semaphore_mem>>) src(%dma_wait3A_23 : memref<10240x64xf32, #tpu.memory_space<hbm>>) dst(%arg9 : memref<128x64xf32, #tpu.memory_space<vmem>>)
      %dma_start3A_24 = arith.constant 0 : i32
      %dma_start3A_25 = arith.constant 0 : i32
      %dma_start3A_26 = tpu.memref_slice %arg8[%dma_start3A_24, %dma_start3A_25] : memref<110x128xi32, #tpu.memory_space<vmem>> -> memref<1x128xi32, #tpu.memory_space<vmem>>
      %dma_start3A_27 = tpu.memref_squeeze %dma_start3A_26 : memref<1x128xi32, #tpu.memory_space<vmem>> -> memref<128xi32, #tpu.memory_space<vmem>>
      %dma_start3A_28 = arith.constant 0 : i32
      %dma_start3A_29 = arith.constant 0 : i32
      %dma_start3A_30 = tpu.memref_slice %arg11[%dma_start3A_28, %dma_start3A_29] : memref<10240x64xf32, #tpu.memory_space<vmem_shared>> -> memref<10240x64xf32, #tpu.memory_space<vmem_shared>>
      tpu.enqueue_indirect_dma source(%arg9 : memref<128x64xf32, #tpu.memory_space<vmem>>) target(%dma_start3A_30 : memref<10240x64xf32, #tpu.memory_space<vmem_shared>>) offsets(%dma_start3A_27 : memref<128xi32, #tpu.memory_space<vmem>>) semaphore(%arg14 : memref<!tpu.dma_semaphore, #tpu.memory_space<semaphore_mem>>) {add = true}
      %dma_start3A_31 = arith.constant 1 : i32
      %dma_start3A_32 = arith.constant 0 : i32
      %dma_start3A_33 = tpu.memref_slice %arg7[%dma_start3A_31, %dma_start3A_32] : memref<110x128xi32, #tpu.memory_space<vmem>> -> memref<1x128xi32, #tpu.memory_space<vmem>>
      %dma_start3A_34 = tpu.memref_squeeze %dma_start3A_33 : memref<1x128xi32, #tpu.memory_space<vmem>> -> memref<128xi32, #tpu.memory_space<vmem>>
      %dma_start3A_35 = arith.constant 0 : i32
      %dma_start3A_36 = arith.constant 0 : i32
      %dma_start3A_37 = tpu.memref_slice %arg2[%dma_start3A_35, %dma_start3A_36] : memref<10240x64xf32, #tpu.memory_space<hbm>> -> memref<10240x64xf32, #tpu.memory_space<hbm>>
      tpu.enqueue_indirect_dma source(%dma_start3A_37 : memref<10240x64xf32, #tpu.memory_space<hbm>>) target(%arg10 : memref<128x64xf32, #tpu.memory_space<vmem>>) offsets(%dma_start3A_34 : memref<128xi32, #tpu.memory_space<vmem>>) semaphore(%arg13 : memref<!tpu.dma_semaphore, #tpu.memory_space<semaphore_mem>>)
      %scan3A = arith.constant 0 : i32
      %scan3A_38 = arith.constant 0 : i32
      %scan3A_39 = arith.constant 24 : i32
      %scan3A_40 = arith.addi %scan3A_38, %scan3A_39 : i32
      %scan3A_41 = arith.constant 1 : i32
      scf.for %scan3A_71 = %scan3A_38 to %scan3A_40 step %scan3A_41  : i32 {
        %mul3A_72 = arith.constant 2 : i32
        %mul3A_73 = arith.muli %mul3A_72, %scan3A_71 : i32
        %add3A_74 = arith.constant 1 : i32
        %add3A_75 = arith.addi %mul3A_73, %add3A_74 : i32
        %dma_wait3A_76 = arith.constant 0 : i32
        %dma_wait3A_77 = tpu.memref_slice %arg7[%add3A_75, %dma_wait3A_76] : memref<110x128xi32, #tpu.memory_space<vmem>> -> memref<1x128xi32, #tpu.memory_space<vmem>>
        %dma_wait3A_78 = tpu.memref_squeeze %dma_wait3A_77 : memref<1x128xi32, #tpu.memory_space<vmem>> -> memref<128xi32, #tpu.memory_space<vmem>>
        %dma_wait3A_79 = arith.constant 0 : i32
        %dma_wait3A_80 = arith.constant 0 : i32
        %dma_wait3A_81 = tpu.memref_slice %arg2[%dma_wait3A_79, %dma_wait3A_80] : memref<10240x64xf32, #tpu.memory_space<hbm>> -> memref<10240x64xf32, #tpu.memory_space<hbm>>
        tpu.wait_indirect_dma semaphore(%arg13 : memref<!tpu.dma_semaphore, #tpu.memory_space<semaphore_mem>>) src(%dma_wait3A_81 : memref<10240x64xf32, #tpu.memory_space<hbm>>) dst(%arg10 : memref<128x64xf32, #tpu.memory_space<vmem>>)
        %dma_start3A_82 = arith.constant 0 : i32
        %dma_start3A_83 = tpu.memref_slice %arg8[%add3A_75, %dma_start3A_82] : memref<110x128xi32, #tpu.memory_space<vmem>> -> memref<1x128xi32, #tpu.memory_space<vmem>>
        %dma_start3A_84 = tpu.memref_squeeze %dma_start3A_83 : memref<1x128xi32, #tpu.memory_space<vmem>> -> memref<128xi32, #tpu.memory_space<vmem>>
        %dma_start3A_85 = arith.constant 0 : i32
        %dma_start3A_86 = arith.constant 0 : i32
        %dma_start3A_87 = tpu.memref_slice %arg11[%dma_start3A_85, %dma_start3A_86] : memref<10240x64xf32, #tpu.memory_space<vmem_shared>> -> memref<10240x64xf32, #tpu.memory_space<vmem_shared>>
        tpu.enqueue_indirect_dma source(%arg10 : memref<128x64xf32, #tpu.memory_space<vmem>>) target(%dma_start3A_87 : memref<10240x64xf32, #tpu.memory_space<vmem_shared>>) offsets(%dma_start3A_84 : memref<128xi32, #tpu.memory_space<vmem>>) semaphore(%arg15 : memref<!tpu.dma_semaphore, #tpu.memory_space<semaphore_mem>>) {add = true}
        %dma_wait3A_88 = arith.constant 0 : i32
        %dma_wait3A_89 = tpu.memref_slice %arg8[%add3A_75, %dma_wait3A_88] : memref<110x128xi32, #tpu.memory_space<vmem>> -> memref<1x128xi32, #tpu.memory_space<vmem>>
        %dma_wait3A_90 = tpu.memref_squeeze %dma_wait3A_89 : memref<1x128xi32, #tpu.memory_space<vmem>> -> memref<128xi32, #tpu.memory_space<vmem>>
        %dma_wait3A_91 = arith.constant 0 : i32
        %dma_wait3A_92 = arith.constant 0 : i32
        %dma_wait3A_93 = tpu.memref_slice %arg11[%dma_wait3A_91, %dma_wait3A_92] : memref<10240x64xf32, #tpu.memory_space<vmem_shared>> -> memref<10240x64xf32, #tpu.memory_space<vmem_shared>>
        tpu.wait_indirect_dma semaphore(%arg14 : memref<!tpu.dma_semaphore, #tpu.memory_space<semaphore_mem>>) src(%arg9 : memref<128x64xf32, #tpu.memory_space<vmem>>) dst(%dma_wait3A_93 : memref<10240x64xf32, #tpu.memory_space<vmem_shared>>)
        %add3A_94 = arith.constant 1 : i32
        %add3A_95 = arith.addi %add3A_75, %add3A_94 : i32
        %dma_start3A_96 = arith.constant 0 : i32
        %dma_start3A_97 = tpu.memref_slice %arg7[%add3A_95, %dma_start3A_96] : memref<110x128xi32, #tpu.memory_space<vmem>> -> memref<1x128xi32, #tpu.memory_space<vmem>>
        %dma_start3A_98 = tpu.memref_squeeze %dma_start3A_97 : memref<1x128xi32, #tpu.memory_space<vmem>> -> memref<128xi32, #tpu.memory_space<vmem>>
        %dma_start3A_99 = arith.constant 0 : i32
        %dma_start3A_100 = arith.constant 0 : i32
        %dma_start3A_101 = tpu.memref_slice %arg2[%dma_start3A_99, %dma_start3A_100] : memref<10240x64xf32, #tpu.memory_space<hbm>> -> memref<10240x64xf32, #tpu.memory_space<hbm>>
        tpu.enqueue_indirect_dma source(%dma_start3A_101 : memref<10240x64xf32, #tpu.memory_space<hbm>>) target(%arg9 : memref<128x64xf32, #tpu.memory_space<vmem>>) offsets(%dma_start3A_98 : memref<128xi32, #tpu.memory_space<vmem>>) semaphore(%arg12 : memref<!tpu.dma_semaphore, #tpu.memory_space<semaphore_mem>>)
        %mul3A_102 = arith.constant 2 : i32
        %mul3A_103 = arith.muli %mul3A_102, %scan3A_71 : i32
        %add3A_104 = arith.constant 2 : i32
        %add3A_105 = arith.addi %mul3A_103, %add3A_104 : i32
        %dma_wait3A_106 = arith.constant 0 : i32
        %dma_wait3A_107 = tpu.memref_slice %arg7[%add3A_105, %dma_wait3A_106] : memref<110x128xi32, #tpu.memory_space<vmem>> -> memref<1x128xi32, #tpu.memory_space<vmem>>
        %dma_wait3A_108 = tpu.memref_squeeze %dma_wait3A_107 : memref<1x128xi32, #tpu.memory_space<vmem>> -> memref<128xi32, #tpu.memory_space<vmem>>
        %dma_wait3A_109 = arith.constant 0 : i32
        %dma_wait3A_110 = arith.constant 0 : i32
        %dma_wait3A_111 = tpu.memref_slice %arg2[%dma_wait3A_109, %dma_wait3A_110] : memref<10240x64xf32, #tpu.memory_space<hbm>> -> memref<10240x64xf32, #tpu.memory_space<hbm>>
        tpu.wait_indirect_dma semaphore(%arg12 : memref<!tpu.dma_semaphore, #tpu.memory_space<semaphore_mem>>) src(%dma_wait3A_111 : memref<10240x64xf32, #tpu.memory_space<hbm>>) dst(%arg9 : memref<128x64xf32, #tpu.memory_space<vmem>>)
        %dma_start3A_112 = arith.constant 0 : i32
        %dma_start3A_113 = tpu.memref_slice %arg8[%add3A_105, %dma_start3A_112] : memref<110x128xi32, #tpu.memory_space<vmem>> -> memref<1x128xi32, #tpu.memory_space<vmem>>
        %dma_start3A_114 = tpu.memref_squeeze %dma_start3A_113 : memref<1x128xi32, #tpu.memory_space<vmem>> -> memref<128xi32, #tpu.memory_space<vmem>>
        %dma_start3A_115 = arith.constant 0 : i32
        %dma_start3A_116 = arith.constant 0 : i32
        %dma_start3A_117 = tpu.memref_slice %arg11[%dma_start3A_115, %dma_start3A_116] : memref<10240x64xf32, #tpu.memory_space<vmem_shared>> -> memref<10240x64xf32, #tpu.memory_space<vmem_shared>>
        tpu.enqueue_indirect_dma source(%arg9 : memref<128x64xf32, #tpu.memory_space<vmem>>) target(%dma_start3A_117 : memref<10240x64xf32, #tpu.memory_space<vmem_shared>>) offsets(%dma_start3A_114 : memref<128xi32, #tpu.memory_space<vmem>>) semaphore(%arg14 : memref<!tpu.dma_semaphore, #tpu.memory_space<semaphore_mem>>) {add = true}
        %dma_wait3A_118 = arith.constant 0 : i32
        %dma_wait3A_119 = tpu.memref_slice %arg8[%add3A_105, %dma_wait3A_118] : memref<110x128xi32, #tpu.memory_space<vmem>> -> memref<1x128xi32, #tpu.memory_space<vmem>>
        %dma_wait3A_120 = tpu.memref_squeeze %dma_wait3A_119 : memref<1x128xi32, #tpu.memory_space<vmem>> -> memref<128xi32, #tpu.memory_space<vmem>>
        %dma_wait3A_121 = arith.constant 0 : i32
        %dma_wait3A_122 = arith.constant 0 : i32
        %dma_wait3A_123 = tpu.memref_slice %arg11[%dma_wait3A_121, %dma_wait3A_122] : memref<10240x64xf32, #tpu.memory_space<vmem_shared>> -> memref<10240x64xf32, #tpu.memory_space<vmem_shared>>
        tpu.wait_indirect_dma semaphore(%arg15 : memref<!tpu.dma_semaphore, #tpu.memory_space<semaphore_mem>>) src(%arg10 : memref<128x64xf32, #tpu.memory_space<vmem>>) dst(%dma_wait3A_123 : memref<10240x64xf32, #tpu.memory_space<vmem_shared>>)
        %add3A_124 = arith.constant 1 : i32
        %add3A_125 = arith.addi %add3A_105, %add3A_124 : i32
        %dma_start3A_126 = arith.constant 0 : i32
        %dma_start3A_127 = tpu.memref_slice %arg7[%add3A_125, %dma_start3A_126] : memref<110x128xi32, #tpu.memory_space<vmem>> -> memref<1x128xi32, #tpu.memory_space<vmem>>
        %dma_start3A_128 = tpu.memref_squeeze %dma_start3A_127 : memref<1x128xi32, #tpu.memory_space<vmem>> -> memref<128xi32, #tpu.memory_space<vmem>>
        %dma_start3A_129 = arith.constant 0 : i32
        %dma_start3A_130 = arith.constant 0 : i32
        %dma_start3A_131 = tpu.memref_slice %arg2[%dma_start3A_129, %dma_start3A_130] : memref<10240x64xf32, #tpu.memory_space<hbm>> -> memref<10240x64xf32, #tpu.memory_space<hbm>>
        tpu.enqueue_indirect_dma source(%dma_start3A_131 : memref<10240x64xf32, #tpu.memory_space<hbm>>) target(%arg10 : memref<128x64xf32, #tpu.memory_space<vmem>>) offsets(%dma_start3A_128 : memref<128xi32, #tpu.memory_space<vmem>>) semaphore(%arg13 : memref<!tpu.dma_semaphore, #tpu.memory_space<semaphore_mem>>)
      }
      %scan3A_42 = arith.constant 24 : i32
      %dma_wait3A_43 = arith.constant 49 : i32
      %dma_wait3A_44 = arith.constant 0 : i32
      %dma_wait3A_45 = tpu.memref_slice %arg7[%dma_wait3A_43, %dma_wait3A_44] : memref<110x128xi32, #tpu.memory_space<vmem>> -> memref<1x128xi32, #tpu.memory_space<vmem>>
      %dma_wait3A_46 = tpu.memref_squeeze %dma_wait3A_45 : memref<1x128xi32, #tpu.memory_space<vmem>> -> memref<128xi32, #tpu.memory_space<vmem>>
      %dma_wait3A_47 = arith.constant 0 : i32
      %dma_wait3A_48 = arith.constant 0 : i32
      %dma_wait3A_49 = tpu.memref_slice %arg2[%dma_wait3A_47, %dma_wait3A_48] : memref<10240x64xf32, #tpu.memory_space<hbm>> -> memref<10240x64xf32, #tpu.memory_space<hbm>>
      tpu.wait_indirect_dma semaphore(%arg13 : memref<!tpu.dma_semaphore, #tpu.memory_space<semaphore_mem>>) src(%dma_wait3A_49 : memref<10240x64xf32, #tpu.memory_space<hbm>>) dst(%arg10 : memref<128x64xf32, #tpu.memory_space<vmem>>)
      %dma_start3A_50 = arith.constant 49 : i32
      %dma_start3A_51 = arith.constant 0 : i32
      %dma_start3A_52 = tpu.memref_slice %arg8[%dma_start3A_50, %dma_start3A_51] : memref<110x128xi32, #tpu.memory_space<vmem>> -> memref<1x128xi32, #tpu.memory_space<vmem>>
      %dma_start3A_53 = tpu.memref_squeeze %dma_start3A_52 : memref<1x128xi32, #tpu.memory_space<vmem>> -> memref<128xi32, #tpu.memory_space<vmem>>
      %dma_start3A_54 = arith.constant 0 : i32
      %dma_start3A_55 = arith.constant 0 : i32
      %dma_start3A_56 = tpu.memref_slice %arg11[%dma_start3A_54, %dma_start3A_55] : memref<10240x64xf32, #tpu.memory_space<vmem_shared>> -> memref<10240x64xf32, #tpu.memory_space<vmem_shared>>
      tpu.enqueue_indirect_dma source(%arg10 : memref<128x64xf32, #tpu.memory_space<vmem>>) target(%dma_start3A_56 : memref<10240x64xf32, #tpu.memory_space<vmem_shared>>) offsets(%dma_start3A_53 : memref<128xi32, #tpu.memory_space<vmem>>) semaphore(%arg15 : memref<!tpu.dma_semaphore, #tpu.memory_space<semaphore_mem>>) {add = true}
      %dma_wait3A_57 = arith.constant 0 : i32
      %dma_wait3A_58 = arith.constant 0 : i32
      %dma_wait3A_59 = tpu.memref_slice %arg8[%dma_wait3A_57, %dma_wait3A_58] : memref<110x128xi32, #tpu.memory_space<vmem>> -> memref<1x128xi32, #tpu.memory_space<vmem>>
      %dma_wait3A_60 = tpu.memref_squeeze %dma_wait3A_59 : memref<1x128xi32, #tpu.memory_space<vmem>> -> memref<128xi32, #tpu.memory_space<vmem>>
      %dma_wait3A_61 = arith.constant 0 : i32
      %dma_wait3A_62 = arith.constant 0 : i32
      %dma_wait3A_63 = tpu.memref_slice %arg11[%dma_wait3A_61, %dma_wait3A_62] : memref<10240x64xf32, #tpu.memory_space<vmem_shared>> -> memref<10240x64xf32, #tpu.memory_space<vmem_shared>>
      tpu.wait_indirect_dma semaphore(%arg14 : memref<!tpu.dma_semaphore, #tpu.memory_space<semaphore_mem>>) src(%arg9 : memref<128x64xf32, #tpu.memory_space<vmem>>) dst(%dma_wait3A_63 : memref<10240x64xf32, #tpu.memory_space<vmem_shared>>)
      %dma_wait3A_64 = arith.constant 0 : i32
      %dma_wait3A_65 = arith.constant 0 : i32
      %dma_wait3A_66 = tpu.memref_slice %arg8[%dma_wait3A_64, %dma_wait3A_65] : memref<110x128xi32, #tpu.memory_space<vmem>> -> memref<1x128xi32, #tpu.memory_space<vmem>>
      %dma_wait3A_67 = tpu.memref_squeeze %dma_wait3A_66 : memref<1x128xi32, #tpu.memory_space<vmem>> -> memref<128xi32, #tpu.memory_space<vmem>>
      %dma_wait3A_68 = arith.constant 0 : i32
      %dma_wait3A_69 = arith.constant 0 : i32
      %dma_wait3A_70 = tpu.memref_slice %arg11[%dma_wait3A_68, %dma_wait3A_69] : memref<10240x64xf32, #tpu.memory_space<vmem_shared>> -> memref<10240x64xf32, #tpu.memory_space<vmem_shared>>
      tpu.wait_indirect_dma semaphore(%arg15 : memref<!tpu.dma_semaphore, #tpu.memory_space<semaphore_mem>>) src(%arg10 : memref<128x64xf32, #tpu.memory_space<vmem>>) dst(%dma_wait3A_70 : memref<10240x64xf32, #tpu.memory_space<vmem_shared>>)
    } else {
    }
    %barrier3A_8 = arith.constant 0 : index
    tpu.barrier barrier_id(%barrier3A_8)
    "tpu.region"() ({
      %run_scoped3A = tpu.sem_alloc : memref<!tpu.dma_semaphore, #tpu.memory_space<semaphore_mem>>
      %dma_start3A = arith.constant 0 : i32
      %dma_start3A_9 = tpu.memref_slice %arg6[%arg0, %mul3A_0, %dma_start3A] : memref<2x10240x64xf32, #tpu.memory_space<hbm>> -> memref<1x640x64xf32, #tpu.memory_space<hbm>>
      %dma_start3A_10 = tpu.memref_squeeze %dma_start3A_9 : memref<1x640x64xf32, #tpu.memory_space<hbm>> -> memref<640x64xf32, #tpu.memory_space<hbm>>
      %dma_start3A_11 = arith.constant 0 : i32
      %dma_start3A_12 = tpu.memref_slice %arg11[%mul3A_0, %dma_start3A_11] : memref<10240x64xf32, #tpu.memory_space<vmem_shared>> -> memref<640x64xf32, #tpu.memory_space<vmem_shared>>
      tpu.enqueue_dma source(%dma_start3A_12 : memref<640x64xf32, #tpu.memory_space<vmem_shared>>) target(%dma_start3A_10 : memref<640x64xf32, #tpu.memory_space<hbm>>) target_semaphore(%run_scoped3A : memref<!tpu.dma_semaphore, #tpu.memory_space<semaphore_mem>>)
      %dma_wait3A = arith.constant 0 : i32
      %dma_wait3A_13 = tpu.memref_slice %arg6[%arg0, %mul3A_0, %dma_wait3A] : memref<2x10240x64xf32, #tpu.memory_space<hbm>> -> memref<1x640x64xf32, #tpu.memory_space<hbm>>
      %dma_wait3A_14 = tpu.memref_squeeze %dma_wait3A_13 : memref<1x640x64xf32, #tpu.memory_space<hbm>> -> memref<640x64xf32, #tpu.memory_space<hbm>>
      %dma_wait3A_15 = arith.constant 0 : i32
      %dma_wait3A_16 = tpu.memref_slice %arg11[%mul3A_0, %dma_wait3A_15] : memref<10240x64xf32, #tpu.memory_space<vmem_shared>> -> memref<640x64xf32, #tpu.memory_space<vmem_shared>>
      tpu.wait_dma2 semaphore(%run_scoped3A : memref<!tpu.dma_semaphore, #tpu.memory_space<semaphore_mem>>) src(%dma_wait3A_16 : memref<640x64xf32, #tpu.memory_space<vmem_shared>>) dst(%dma_wait3A_14 : memref<640x64xf32, #tpu.memory_space<hbm>>)
      tpu.yield
    }) : () -> ()
    return
  }
}

module attributes {stable_mosaic.version = 14 : i64} {
  func.func @_prep_body(%arg0: i32, %arg1: memref<1024x128xf32, #tpu.memory_space<vmem>>, %arg2: memref<128x64xf32, #tpu.memory_space<vmem>>, %arg3: memref<1024x1xf32, #tpu.memory_space<vmem>>, %arg4: memref<1024x1xf32, #tpu.memory_space<vmem>>, %arg5: memref<1024x64xf32, #tpu.memory_space<vmem>>, %arg6: memref<1024x1xf32, #tpu.memory_space<vmem>>) attributes {dimension_semantics = [#tpu.dimension_semantics<arbitrary>], iteration_bounds = array<i64: 10>, scalar_prefetch = 0 : i64, scratch_operands = 0 : i64, tpu.core_type = #tpu.core_type<tc>, window_params = [{transform_indices = @transform_0, window_bounds = array<i64: 1024, 128>}, {pipeline_mode = #tpu.pipeline_mode<synchronous>, transform_indices = @transform_1, window_bounds = array<i64: 128, 64>}, {transform_indices = @transform_2, window_bounds = array<i64: 1024, 1>}, {transform_indices = @transform_3, window_bounds = array<i64: 1024, 1>}, {transform_indices = @transform_4, window_bounds = array<i64: 1024, 64>}, {transform_indices = @transform_5, window_bounds = array<i64: 1024, 1>}]} {
    %get3A = arith.constant 0 : index
    %get3A_0 = arith.constant 0 : index
    %get3A_1 = vector.load %arg3[%get3A, %get3A_0] : memref<1024x1xf32, #tpu.memory_space<vmem>>, vector<1024x1xf32>
    %get3A_2 = arith.constant 0 : index
    %get3A_3 = arith.constant 0 : index
    %get3A_4 = vector.load %arg4[%get3A_2, %get3A_3] : memref<1024x1xf32, #tpu.memory_space<vmem>>, vector<1024x1xf32>
    %add3A = arith.addf %get3A_1, %get3A_4 : vector<1024x1xf32>
    %add3A_5 = arith.constant 1.000000e+00 : f32
    %add3A_6 = vector.broadcast %add3A_5 : f32 to vector<1024x1xf32>
    %add3A_7 = arith.addf %add3A, %add3A_6 : vector<1024x1xf32>
    %rsqrt3A = math.rsqrt %add3A_7 : vector<1024x1xf32>
    %get3A_8 = arith.constant 0 : index
    %get3A_9 = arith.constant 0 : index
    %get3A_10 = vector.load %arg1[%get3A_8, %get3A_9] : memref<1024x128xf32, #tpu.memory_space<vmem>>, vector<1024x128xf32>
    %get3A_11 = arith.constant 0 : index
    %get3A_12 = arith.constant 0 : index
    %get3A_13 = vector.load %arg2[%get3A_11, %get3A_12] : memref<128x64xf32, #tpu.memory_space<vmem>>, vector<128x64xf32>
    %dot_general3A = arith.constant dense<0.000000e+00> : vector<1024x64xf32>
    %dot_general3A_14 = tpu.matmul %get3A_10, %get3A_13, %dot_general3A {dimension_numbers = #tpu.dot_dimension_numbers<[1], [0], [0], [1], [0, 0, 1, 1], [], []>, transpose_lhs_hint = false} : vector<1024x128xf32>, vector<128x64xf32>, vector<1024x64xf32> -> vector<1024x64xf32>
    %mul3A = vector.broadcast %rsqrt3A : vector<1024x1xf32> to vector<1024x64xf32>
    %mul3A_15 = arith.mulf %dot_general3A_14, %mul3A : vector<1024x64xf32>
    %swap3A = arith.constant 0 : index
    %swap3A_16 = arith.constant 0 : index
    %swap3A_17 = vector.load %arg5[%swap3A, %swap3A_16] : memref<1024x64xf32, #tpu.memory_space<vmem>>, vector<1024x64xf32>
    tpu.vector_store %arg5[%swap3A, %swap3A_16], %mul3A_15 {strides = array<i32>} : memref<1024x64xf32, #tpu.memory_space<vmem>>, vector<1024x64xf32>,
    %swap3A_18 = arith.constant 0 : index
    %swap3A_19 = arith.constant 0 : index
    %swap3A_20 = vector.load %arg6[%swap3A_18, %swap3A_19] : memref<1024x1xf32, #tpu.memory_space<vmem>>, vector<1024x1xf32>
    tpu.vector_store %arg6[%swap3A_18, %swap3A_19], %rsqrt3A {strides = array<i32>} : memref<1024x1xf32, #tpu.memory_space<vmem>>, vector<1024x1xf32>,
    return
  }
  func.func @transform_0(%arg0: i32) -> (i32, i32) {
    %c0_i32 = arith.constant 0 : i32
    %c0_i32_0 = arith.constant 0 : i32
    return %arg0, %c0_i32 : i32, i32
  }
  func.func @transform_1(%arg0: i32) -> (i32, i32) {
    %c0_i32 = arith.constant 0 : i32
    %c0_i32_0 = arith.constant 0 : i32
    %c0_i32_1 = arith.constant 0 : i32
    return %c0_i32, %c0_i32_0 : i32, i32
  }
  func.func @transform_2(%arg0: i32) -> (i32, i32) {
    %c0_i32 = arith.constant 0 : i32
    %c0_i32_0 = arith.constant 0 : i32
    return %arg0, %c0_i32 : i32, i32
  }
  func.func @transform_3(%arg0: i32) -> (i32, i32) {
    %c0_i32 = arith.constant 0 : i32
    %c0_i32_0 = arith.constant 0 : i32
    return %arg0, %c0_i32 : i32, i32
  }
  func.func @transform_4(%arg0: i32) -> (i32, i32) {
    %c0_i32 = arith.constant 0 : i32
    %c0_i32_0 = arith.constant 0 : i32
    return %arg0, %c0_i32 : i32, i32
  }
  func.func @transform_5(%arg0: i32) -> (i32, i32) {
    %c0_i32 = arith.constant 0 : i32
    %c0_i32_0 = arith.constant 0 : i32
    return %arg0, %c0_i32 : i32, i32
  }
}

module attributes {stable_mosaic.version = 14 : i64} {
  func.func @_mid_body(%arg0: i32, %arg1: memref<1024x64xf32, #tpu.memory_space<vmem>>, %arg2: memref<1024x64xf32, #tpu.memory_space<vmem>>, %arg3: memref<1024x64xf32, #tpu.memory_space<vmem>>, %arg4: memref<1024x1xf32, #tpu.memory_space<vmem>>, %arg5: memref<1x64xf32, #tpu.memory_space<vmem>>, %arg6: memref<64x64xf32, #tpu.memory_space<vmem>>, %arg7: memref<1024x64xf32, #tpu.memory_space<vmem>>) attributes {dimension_semantics = [#tpu.dimension_semantics<arbitrary>], iteration_bounds = array<i64: 10>, scalar_prefetch = 0 : i64, scratch_operands = 0 : i64, tpu.core_type = #tpu.core_type<tc>, window_params = [{transform_indices = @transform_0, window_bounds = array<i64: 1024, 64>}, {transform_indices = @transform_1, window_bounds = array<i64: 1024, 64>}, {transform_indices = @transform_2, window_bounds = array<i64: 1024, 64>}, {transform_indices = @transform_3, window_bounds = array<i64: 1024, 1>}, {pipeline_mode = #tpu.pipeline_mode<synchronous>, transform_indices = @transform_4, window_bounds = array<i64: 1, 64>}, {pipeline_mode = #tpu.pipeline_mode<synchronous>, transform_indices = @transform_5, window_bounds = array<i64: 64, 64>}, {transform_indices = @transform_6, window_bounds = array<i64: 1024, 64>}]} {
    %get3A = arith.constant 0 : index
    %get3A_0 = arith.constant 0 : index
    %get3A_1 = vector.load %arg4[%get3A, %get3A_0] : memref<1024x1xf32, #tpu.memory_space<vmem>>, vector<1024x1xf32>
    %get3A_2 = arith.constant 0 : index
    %get3A_3 = arith.constant 0 : index
    %get3A_4 = vector.load %arg1[%get3A_2, %get3A_3] : memref<1024x64xf32, #tpu.memory_space<vmem>>, vector<1024x64xf32>
    %get3A_5 = arith.constant 0 : index
    %get3A_6 = arith.constant 0 : index
    %get3A_7 = vector.load %arg2[%get3A_5, %get3A_6] : memref<1024x64xf32, #tpu.memory_space<vmem>>, vector<1024x64xf32>
    %add3A = arith.addf %get3A_4, %get3A_7 : vector<1024x64xf32>
    %get3A_8 = arith.constant 0 : index
    %get3A_9 = arith.constant 0 : index
    %get3A_10 = vector.load %arg3[%get3A_8, %get3A_9] : memref<1024x64xf32, #tpu.memory_space<vmem>>, vector<1024x64xf32>
    %add3A_11 = arith.addf %add3A, %get3A_10 : vector<1024x64xf32>
    %mul3A = vector.broadcast %get3A_1 : vector<1024x1xf32> to vector<1024x64xf32>
    %mul3A_12 = arith.mulf %add3A_11, %mul3A : vector<1024x64xf32>
    %get3A_13 = arith.constant 0 : index
    %get3A_14 = arith.constant 0 : index
    %get3A_15 = vector.load %arg5[%get3A_13, %get3A_14] : memref<1x64xf32, #tpu.memory_space<vmem>>, vector<1x64xf32>
    %add3A_16 = vector.broadcast %get3A_15 : vector<1x64xf32> to vector<1024x64xf32>
    %add3A_17 = arith.addf %mul3A_12, %add3A_16 : vector<1024x64xf32>
    %max3A = arith.constant 0.000000e+00 : f32
    %max3A_18 = vector.broadcast %max3A : f32 to vector<1024x64xf32>
    %max3A_19 = arith.maximumf %add3A_17, %max3A_18 : vector<1024x64xf32>
    %get3A_20 = arith.constant 0 : index
    %get3A_21 = arith.constant 0 : index
    %get3A_22 = vector.load %arg6[%get3A_20, %get3A_21] : memref<64x64xf32, #tpu.memory_space<vmem>>, vector<64x64xf32>
    %dot_general3A = arith.constant dense<0.000000e+00> : vector<1024x64xf32>
    %dot_general3A_23 = tpu.matmul %max3A_19, %get3A_22, %dot_general3A {dimension_numbers = #tpu.dot_dimension_numbers<[1], [0], [0], [1], [0, 0, 1, 1], [], []>, transpose_lhs_hint = false} : vector<1024x64xf32>, vector<64x64xf32>, vector<1024x64xf32> -> vector<1024x64xf32>
    %mul3A_24 = vector.broadcast %get3A_1 : vector<1024x1xf32> to vector<1024x64xf32>
    %mul3A_25 = arith.mulf %dot_general3A_23, %mul3A_24 : vector<1024x64xf32>
    %swap3A = arith.constant 0 : index
    %swap3A_26 = arith.constant 0 : index
    %swap3A_27 = vector.load %arg7[%swap3A, %swap3A_26] : memref<1024x64xf32, #tpu.memory_space<vmem>>, vector<1024x64xf32>
    tpu.vector_store %arg7[%swap3A, %swap3A_26], %mul3A_25 {strides = array<i32>} : memref<1024x64xf32, #tpu.memory_space<vmem>>, vector<1024x64xf32>,
    return
  }
  func.func @transform_0(%arg0: i32) -> (i32, i32) {
    %c0_i32 = arith.constant 0 : i32
    %c0_i32_0 = arith.constant 0 : i32
    return %arg0, %c0_i32 : i32, i32
  }
  func.func @transform_1(%arg0: i32) -> (i32, i32) {
    %c0_i32 = arith.constant 0 : i32
    %c0_i32_0 = arith.constant 0 : i32
    return %arg0, %c0_i32 : i32, i32
  }
  func.func @transform_2(%arg0: i32) -> (i32, i32) {
    %c0_i32 = arith.constant 0 : i32
    %c0_i32_0 = arith.constant 0 : i32
    return %arg0, %c0_i32 : i32, i32
  }
  func.func @transform_3(%arg0: i32) -> (i32, i32) {
    %c0_i32 = arith.constant 0 : i32
    %c0_i32_0 = arith.constant 0 : i32
    return %arg0, %c0_i32 : i32, i32
  }
  func.func @transform_4(%arg0: i32) -> (i32, i32) {
    %c0_i32 = arith.constant 0 : i32
    %c0_i32_0 = arith.constant 0 : i32
    %c0_i32_1 = arith.constant 0 : i32
    return %c0_i32, %c0_i32_0 : i32, i32
  }
  func.func @transform_5(%arg0: i32) -> (i32, i32) {
    %c0_i32 = arith.constant 0 : i32
    %c0_i32_0 = arith.constant 0 : i32
    %c0_i32_1 = arith.constant 0 : i32
    return %c0_i32, %c0_i32_0 : i32, i32
  }
  func.func @transform_6(%arg0: i32) -> (i32, i32) {
    %c0_i32 = arith.constant 0 : i32
    %c0_i32_0 = arith.constant 0 : i32
    return %arg0, %c0_i32 : i32, i32
  }
}

module attributes {stable_mosaic.version = 14 : i64} {
  func.func @_final_body(%arg0: i32, %arg1: memref<1024x64xf32, #tpu.memory_space<vmem>>, %arg2: memref<1024x64xf32, #tpu.memory_space<vmem>>, %arg3: memref<1024x64xf32, #tpu.memory_space<vmem>>, %arg4: memref<1024x1xf32, #tpu.memory_space<vmem>>, %arg5: memref<1x64xf32, #tpu.memory_space<vmem>>, %arg6: memref<1x1024xi32, #tpu.memory_space<vmem>>, %arg7: memref<64x1xf32, #tpu.memory_space<vmem>>, %arg8: memref<1x1xf32, #tpu.memory_space<vmem>>, %arg9: memref<64x1xf32, #tpu.memory_space<vmem>>, %arg10: memref<64x64xf32, #tpu.memory_space<vmem>>, %arg11: memref<64x1xf32, #tpu.memory_space<vmem>>) attributes {dimension_semantics = [#tpu.dimension_semantics<arbitrary>], iteration_bounds = array<i64: 10>, scalar_prefetch = 0 : i64, scratch_operands = 2 : i64, tpu.core_type = #tpu.core_type<tc>, window_params = [{transform_indices = @transform_0, window_bounds = array<i64: 1024, 64>}, {transform_indices = @transform_1, window_bounds = array<i64: 1024, 64>}, {transform_indices = @transform_2, window_bounds = array<i64: 1024, 64>}, {transform_indices = @transform_3, window_bounds = array<i64: 1024, 1>}, {pipeline_mode = #tpu.pipeline_mode<synchronous>, transform_indices = @transform_4, window_bounds = array<i64: 1, 64>}, {transform_indices = @transform_5, window_bounds = array<i64: 1, 1024>}, {pipeline_mode = #tpu.pipeline_mode<synchronous>, transform_indices = @transform_6, window_bounds = array<i64: 64, 1>}, {pipeline_mode = #tpu.pipeline_mode<synchronous>, transform_indices = @transform_7, window_bounds = array<i64: 1, 1>}, {pipeline_mode = #tpu.pipeline_mode<synchronous>, transform_indices = @transform_8, window_bounds = array<i64: 64, 1>}]} {
    %eq3A = arith.constant 0 : i32
    %eq3A_0 = arith.cmpi eq, %arg0, %eq3A : i32
    %convert_element_type3A = arith.extui %eq3A_0 : i1 to i32
    %cond3A = arith.constant 0 : i32
    %cond3A_1 = arith.cmpi ne, %convert_element_type3A, %cond3A : i32
    scf.if %cond3A_1 {
      %broadcast_in_dim3A_47 = arith.constant 0.000000e+00 : f32
      %broadcast_in_dim3A_48 = vector.broadcast %broadcast_in_dim3A_47 : f32 to vector<64x64xf32>
      %swap3A_49 = arith.constant 0 : index
      %swap3A_50 = arith.constant 0 : index
      %swap3A_51 = vector.load %arg10[%swap3A_49, %swap3A_50] : memref<64x64xf32, #tpu.memory_space<vmem>>, vector<64x64xf32>
      tpu.vector_store %arg10[%swap3A_49, %swap3A_50], %broadcast_in_dim3A_48 {strides = array<i32>} : memref<64x64xf32, #tpu.memory_space<vmem>>, vector<64x64xf32>,
      %broadcast_in_dim3A_52 = arith.constant 0.000000e+00 : f32
      %broadcast_in_dim3A_53 = vector.broadcast %broadcast_in_dim3A_52 : f32 to vector<64x1xf32>
      %swap3A_54 = arith.constant 0 : index
      %swap3A_55 = arith.constant 0 : index
      %swap3A_56 = vector.load %arg11[%swap3A_54, %swap3A_55] : memref<64x1xf32, #tpu.memory_space<vmem>>, vector<64x1xf32>
      tpu.vector_store %arg11[%swap3A_54, %swap3A_55], %broadcast_in_dim3A_53 {strides = array<i32>} : memref<64x1xf32, #tpu.memory_space<vmem>>, vector<64x1xf32>,
    } else {
    }
    %get3A = arith.constant 0 : index
    %get3A_2 = arith.constant 0 : index
    %get3A_3 = vector.load %arg1[%get3A, %get3A_2] : memref<1024x64xf32, #tpu.memory_space<vmem>>, vector<1024x64xf32>
    %get3A_4 = arith.constant 0 : index
    %get3A_5 = arith.constant 0 : index
    %get3A_6 = vector.load %arg2[%get3A_4, %get3A_5] : memref<1024x64xf32, #tpu.memory_space<vmem>>, vector<1024x64xf32>
    %add3A = arith.addf %get3A_3, %get3A_6 : vector<1024x64xf32>
    %get3A_7 = arith.constant 0 : index
    %get3A_8 = arith.constant 0 : index
    %get3A_9 = vector.load %arg3[%get3A_7, %get3A_8] : memref<1024x64xf32, #tpu.memory_space<vmem>>, vector<1024x64xf32>
    %add3A_10 = arith.addf %add3A, %get3A_9 : vector<1024x64xf32>
    %get3A_11 = arith.constant 0 : index
    %get3A_12 = arith.constant 0 : index
    %get3A_13 = vector.load %arg4[%get3A_11, %get3A_12] : memref<1024x1xf32, #tpu.memory_space<vmem>>, vector<1024x1xf32>
    %mul3A = vector.broadcast %get3A_13 : vector<1024x1xf32> to vector<1024x64xf32>
    %mul3A_14 = arith.mulf %add3A_10, %mul3A : vector<1024x64xf32>
    %get3A_15 = arith.constant 0 : index
    %get3A_16 = arith.constant 0 : index
    %get3A_17 = vector.load %arg5[%get3A_15, %get3A_16] : memref<1x64xf32, #tpu.memory_space<vmem>>, vector<1x64xf32>
    %add3A_18 = vector.broadcast %get3A_17 : vector<1x64xf32> to vector<1024x64xf32>
    %add3A_19 = arith.addf %mul3A_14, %add3A_18 : vector<1024x64xf32>
    %iota3A = tpu.iota {dimensions = array<i32: 0>} : vector<64x1024xi32>
    %get3A_20 = arith.constant 0 : index
    %get3A_21 = arith.constant 0 : index
    %get3A_22 = vector.load %arg6[%get3A_20, %get3A_21] : memref<1x1024xi32, #tpu.memory_space<vmem>>, vector<1x1024xi32>
    %eq3A_23 = vector.broadcast %get3A_22 : vector<1x1024xi32> to vector<64x1024xi32>
    %eq3A_24 = arith.cmpi eq, %eq3A_23, %iota3A : vector<64x1024xi32>
    %convert_element_type3A_25 = arith.extui %eq3A_24 : vector<64x1024xi1> to vector<64x1024xi32>
    %convert_element_type3A_26 = arith.sitofp %convert_element_type3A_25 : vector<64x1024xi32> to vector<64x1024xf32>
    %get3A_27 = arith.constant 0 : index
    %get3A_28 = arith.constant 0 : index
    %get3A_29 = vector.load %arg10[%get3A_27, %get3A_28] : memref<64x64xf32, #tpu.memory_space<vmem>>, vector<64x64xf32>
    %dot_general3A = arith.constant dense<0.000000e+00> : vector<64x64xf32>
    %dot_general3A_30 = tpu.matmul %convert_element_type3A_26, %add3A_19, %dot_general3A {dimension_numbers = #tpu.dot_dimension_numbers<[1], [0], [0], [1], [0, 0, 1, 1], [], []>, transpose_lhs_hint = false} : vector<64x1024xf32>, vector<1024x64xf32>, vector<64x64xf32> -> vector<64x64xf32>
    %add3A_31 = arith.addf %get3A_29, %dot_general3A_30 : vector<64x64xf32>
    %swap3A = arith.constant 0 : index
    %swap3A_32 = arith.constant 0 : index
    %swap3A_33 = vector.load %arg10[%swap3A, %swap3A_32] : memref<64x64xf32, #tpu.memory_space<vmem>>, vector<64x64xf32>
    tpu.vector_store %arg10[%swap3A, %swap3A_32], %add3A_31 {strides = array<i32>} : memref<64x64xf32, #tpu.memory_space<vmem>>, vector<64x64xf32>,
    %get3A_34 = arith.constant 0 : index
    %get3A_35 = arith.constant 0 : index
    %get3A_36 = vector.load %arg11[%get3A_34, %get3A_35] : memref<64x1xf32, #tpu.memory_space<vmem>>, vector<64x1xf32>
    %reduce_sum3A = arith.constant dense<0.000000e+00> : vector<64xf32>
    %reduce_sum3A_37 = vector.multi_reduction <add>, %convert_element_type3A_26, %reduce_sum3A [1] : vector<64x1024xf32> to vector<64xf32>
    %broadcast_in_dim3A = vector.shape_cast %reduce_sum3A_37 : vector<64xf32> to vector<64x1xf32>
    %add3A_38 = arith.addf %get3A_36, %broadcast_in_dim3A : vector<64x1xf32>
    %swap3A_39 = arith.constant 0 : index
    %swap3A_40 = arith.constant 0 : index
    %swap3A_41 = vector.load %arg11[%swap3A_39, %swap3A_40] : memref<64x1xf32, #tpu.memory_space<vmem>>, vector<64x1xf32>
    tpu.vector_store %arg11[%swap3A_39, %swap3A_40], %add3A_38 {strides = array<i32>} : memref<64x1xf32, #tpu.memory_space<vmem>>, vector<64x1xf32>,
    %eq3A_42 = arith.constant 9 : i32
    %eq3A_43 = arith.cmpi eq, %arg0, %eq3A_42 : i32
    %convert_element_type3A_44 = arith.extui %eq3A_43 : i1 to i32
    %cond3A_45 = arith.constant 0 : i32
    %cond3A_46 = arith.cmpi ne, %convert_element_type3A_44, %cond3A_45 : i32
    scf.if %cond3A_46 {
      %get3A_47 = arith.constant 0 : index
      %get3A_48 = arith.constant 0 : index
      %get3A_49 = vector.load %arg10[%get3A_47, %get3A_48] : memref<64x64xf32, #tpu.memory_space<vmem>>, vector<64x64xf32>
      %get3A_50 = arith.constant 0 : index
      %get3A_51 = arith.constant 0 : index
      %get3A_52 = vector.load %arg11[%get3A_50, %get3A_51] : memref<64x1xf32, #tpu.memory_space<vmem>>, vector<64x1xf32>
      %max3A = arith.constant 1.000000e+00 : f32
      %max3A_53 = vector.broadcast %max3A : f32 to vector<64x1xf32>
      %max3A_54 = arith.maximumf %get3A_52, %max3A_53 : vector<64x1xf32>
      %div3A = vector.broadcast %max3A_54 : vector<64x1xf32> to vector<64x64xf32>
      %div3A_55 = arith.divf %get3A_49, %div3A : vector<64x64xf32>
      %get3A_56 = arith.constant 0 : index
      %get3A_57 = arith.constant 0 : index
      %get3A_58 = vector.load %arg7[%get3A_56, %get3A_57] : memref<64x1xf32, #tpu.memory_space<vmem>>, vector<64x1xf32>
      %dot_general3A_59 = arith.constant dense<0.000000e+00> : vector<64x1xf32>
      %dot_general3A_60 = tpu.matmul %div3A_55, %get3A_58, %dot_general3A_59 {dimension_numbers = #tpu.dot_dimension_numbers<[1], [0], [0], [1], [0, 0, 1, 1], [], []>, transpose_lhs_hint = false} : vector<64x64xf32>, vector<64x1xf32>, vector<64x1xf32> -> vector<64x1xf32>
      %get3A_61 = arith.constant 0 : index
      %get3A_62 = arith.constant 0 : index
      %get3A_63 = vector.load %arg8[%get3A_61, %get3A_62] : memref<1x1xf32, #tpu.memory_space<vmem>>, vector<1x1xf32>
      %add3A_64 = vector.broadcast %get3A_63 : vector<1x1xf32> to vector<64x1xf32>
      %add3A_65 = arith.addf %dot_general3A_60, %add3A_64 : vector<64x1xf32>
      %swap3A_66 = arith.constant 0 : index
      %swap3A_67 = arith.constant 0 : index
      %swap3A_68 = vector.load %arg9[%swap3A_66, %swap3A_67] : memref<64x1xf32, #tpu.memory_space<vmem>>, vector<64x1xf32>
      tpu.vector_store %arg9[%swap3A_66, %swap3A_67], %add3A_65 {strides = array<i32>} : memref<64x1xf32, #tpu.memory_space<vmem>>, vector<64x1xf32>,
    } else {
    }
    return
  }
  func.func @transform_0(%arg0: i32) -> (i32, i32) {
    %c0_i32 = arith.constant 0 : i32
    %c0_i32_0 = arith.constant 0 : i32
    return %arg0, %c0_i32 : i32, i32
  }
  func.func @transform_1(%arg0: i32) -> (i32, i32) {
    %c0_i32 = arith.constant 0 : i32
    %c0_i32_0 = arith.constant 0 : i32
    return %arg0, %c0_i32 : i32, i32
  }
  func.func @transform_2(%arg0: i32) -> (i32, i32) {
    %c0_i32 = arith.constant 0 : i32
    %c0_i32_0 = arith.constant 0 : i32
    return %arg0, %c0_i32 : i32, i32
  }
  func.func @transform_3(%arg0: i32) -> (i32, i32) {
    %c0_i32 = arith.constant 0 : i32
    %c0_i32_0 = arith.constant 0 : i32
    return %arg0, %c0_i32 : i32, i32
  }
  func.func @transform_4(%arg0: i32) -> (i32, i32) {
    %c0_i32 = arith.constant 0 : i32
    %c0_i32_0 = arith.constant 0 : i32
    %c0_i32_1 = arith.constant 0 : i32
    return %c0_i32, %c0_i32_0 : i32, i32
  }
  func.func @transform_5(%arg0: i32) -> (i32, i32) {
    %c0_i32 = arith.constant 0 : i32
    %c0_i32_0 = arith.constant 0 : i32
    return %c0_i32, %arg0 : i32, i32
  }
  func.func @transform_6(%arg0: i32) -> (i32, i32) {
    %c0_i32 = arith.constant 0 : i32
    %c0_i32_0 = arith.constant 0 : i32
    %c0_i32_1 = arith.constant 0 : i32
    return %c0_i32, %c0_i32_0 : i32, i32
  }
  func.func @transform_7(%arg0: i32) -> (i32, i32) {
    %c0_i32 = arith.constant 0 : i32
    %c0_i32_0 = arith.constant 0 : i32
    %c0_i32_1 = arith.constant 0 : i32
    return %c0_i32, %c0_i32_0 : i32, i32
  }
  func.func @transform_8(%arg0: i32) -> (i32, i32) {
    %c0_i32 = arith.constant 0 : i32
    %c0_i32_0 = arith.constant 0 : i32
    %c0_i32_1 = arith.constant 0 : i32
    return %c0_i32, %c0_i32_0 : i32, i32
  }
}

</mosaic_0001>

<sc_bundles>
// kernel: kernel.10.cloned.1.call-start
scs
__scs_entry_jumppad:
0x0: {  	(pc) =	sbr.rel $0x88, $3  }
0x1: {  	(tag) =	ssettag $0x0;
	lr =	simm.s32 $0x1  }
0x2: {  	[smem:$0x3F96] =	sst lr;
	_ =	strace $0xD0000000  }
0x3: {  	_ = 	snop  }
0x4: {  	_ = 	snop  }
0x5: {  	_ = 	snop  }
0x6: {  	_ = 	snop  }
0x7: {  	_ = 	snop  }
__scs_overlays_trampoline_lowered:
0x8: {  	[smem:$0x3FA5] =	sst s0  }
0x9: {  	[smem:$0x3FA6] =	sst s1  }
0xa: {  	[smem:$0x3FA7] =	sst s2  }
0xb: {  	[smem:$0x3FA8] =	sst s3  }
0xc: {  	[smem:$0x3FA9] =	sst s4  }
0xd: {  	[smem:$0x3FAA] =	sst s5  }
0xe: {  	[smem:$0x3FAB] =	sst s6  }
0xf: {  	[smem:$0x3FAC] =	sst s7  }
0x10: {  	[smem:$0x3FAD] =	sst s8  }
0x11: {  	[smem:$0x3FAE] =	sst s9;
	s0 =	simm.s32 @!p0 $0x0  }
0x12: {  	s1 =	sld [smem:$0x3F94];
	s0 =	simm.s32 @p0 $0x1  }
0x13: {  	[smem:$0x3FAF] =	sst s0;
	s0 =	simm.s32 @!p1 $0x0  }
0x14: {  	s2 =	sld [smem:$0x3F93];
	s0 =	simm.s32 @p1 $0x1  }
0x15: {  	[smem:$0x3FB0] =	sst s0;
	s0 =	simm.s32 @!p2 $0x0  }
0x16: {  	s3 =	sld [smem:$0x3FDB];
	s0 =	simm.s32 @p2 $0x1  }
0x17: {  	s4 =	simm.s32 $0x1BF5;
	[smem:$0x3FB2] =	sst s0  }
0x18: {  	s0 =	sld [smem:$0x3F95];
	_ =	swait.ge [sflag:s4], $0x0  }
0x19: {  	s7 =	sld [smem:$0x3F96]  }
0x1a: {  	s8 =	sadd.s32 $0xFFFFE003, lr  }
0x1b: {  	s9 =	sadd.s32 $0xFFFFFEF7, lr;
	s5 =	simm.s32 $0xFFFFFFFF;
	p2 =	slt.u32 s8, $0xFFFFF086  }
0x1c: {  	p1 =	slt.u32 s9, $0xF7A;
	s5 =	simm.s32 @!p2 $0x0  }
0x1d: {  	s5 =	simm.s32 @p1 $0x1;
	p0 =	seq.s32 s7, s2  }
0x1e: {  	s7 =	smul.u32 @!p0 $0xF7A, s2;
	p2 =	seq.s32 @!p0 s5, $0x0  }
0x1f: {  	s9 =	smul.u32 $0xF7A, s1;
	s8 =	simm.s32 @!p0 $0x1BF5;
	p2 =	por !p2, p0  }
0x20: {  	[sflag:s8] =	ssyncset.s32 @!p0 $0xFFFFF086;
	s6 =	sadd.s32 @!p0 s3, s7;
	s7 =	simm.s32 @!p0 $0x108  }
0x21: {  	s3 =	sadd.s32 s3, s9;
	s6 =	sadd.s32 @!p0 $0x88, s6;
	s7 =	simm.s32 @p2 $0x1082  }
0x22: {  	[simem:s7], [sflag:s8] =	dma.local @!p0 [hbm:s6], $0xF7A  }
0x23: {  	s9 =	sor.u32 $0xD0000000, s2;
	s6 =	simm.s32 $0x108;
	_ =	swait.ge @!p0 [sflag:s8], $0x0  }
0x24: {  	s3 =	sadd.s32 $0x88, s3;
	s6 =	simm.s32 @!p1 $0x1082;
	[sflag:s4] =	ssyncset.s32 $0xFFFFF086  }
0x25: {  	[simem:s6], [sflag:s4] =	dma.local [hbm:s3], $0xF7A  }
0x26: {  	[smem:$0x3F96] =	sst s1;
	(tag) =	ssettag s2;
	_ =	strace s9  }
0x27: {  	s1 =	sld [smem:$0x3FA6]  }
0x28: {  	s2 =	sld [smem:$0x3FA7]  }
0x29: {  	s4 =	sld [smem:$0x3FA9]  }
0x2a: {  	p0 =	seq.s32 s5, $0x0;
	s5 =	sld [smem:$0x3FAA]  }
0x2b: {  	s6 =	sld [smem:$0x3FAB]  }
0x2c: {  	s7 =	sld [smem:$0x3FAC]  }
0x2d: {  	s3 =	simm.s32 $0x108;
	s8 =	sld [smem:$0x3FAD]  }
0x2e: {  	s3 =	simm.s32 @!p0 $0x1082;
	s9 =	sld [smem:$0x3FAE]  }
0x2f: {  	lr =	sadd.s32 s0, s3;
	s0 =	sld [smem:$0x3FA5]  }
0x30: {  	s3 =	sld [smem:$0x3FA8]  }
0x31: {  	[smem:$0x3FB1] =	sst s10  }
0x32: {  	s10 =	sld [smem:$0x3FAF];
	_ =	sdelay $0x3  }
0x33: {  	p0 =	seq.s32 s10, $0x1;
	s10 =	sld [smem:$0x3FB1];
	_ =	sdelay $0x3  }
0x34: {  	[smem:$0x3FB1] =	sst s10  }
0x35: {  	s10 =	sld [smem:$0x3FB0];
	_ =	sdelay $0x3  }
0x36: {  	p1 =	seq.s32 s10, $0x1;
	s10 =	sld [smem:$0x3FB1];
	_ =	sdelay $0x3  }
0x37: {  	[smem:$0x3FB1] =	sst s10  }
0x38: {  	s10 =	sld [smem:$0x3FB2]  }
0x39: {  	_ = 	snop;
	(pc) =	sbr.ind lr, $3  }
0x3a: {  	_ = 	snop  }
0x3b: {  	_ = 	snop  }
0x3c: {  	p2 =	seq.s32 s10, $0x1;
	s10 =	sld [smem:$0x3FB1]  }
0x3d: {  	_ =	shalt  }
0x3e: {  	_ =	shalt  }
0x3f: {  	_ =	shalt  }
0x40: {  	_ =	shalt  }
0x41: {  	_ =	shalt  }
0x42: {  	_ =	shalt  }
0x43: {  	_ =	shalt  }
0x44: {  	_ =	shalt  }
0x45: {  	_ =	shalt  }
0x46: {  	_ =	shalt  }
0x47: {  	_ =	shalt  }
0x48: {  	_ =	shalt  }
0x49: {  	_ =	shalt  }
0x4a: {  	_ =	shalt  }
0x4b: {  	_ =	shalt  }
0x4c: {  	_ =	shalt  }
0x4d: {  	_ =	shalt  }
0x4e: {  	_ =	shalt  }
0x4f: {  	_ =	shalt  }
0x50: {  	_ =	shalt  }
0x51: {  	_ =	shalt  }
0x52: {  	_ =	shalt  }
0x53: {  	_ =	shalt  }
0x54: {  	_ =	shalt  }
0x55: {  	_ =	shalt  }
0x56: {  	_ =	shalt  }
0x57: {  	_ =	shalt  }
0x58: {  	_ =	shalt  }
0x59: {  	_ =	shalt  }
0x5a: {  	_ =	shalt  }
0x5b: {  	_ =	shalt  }
0x5c: {  	_ =	shalt  }
0x5d: {  	_ =	shalt  }
0x5e: {  	_ =	shalt  }
0x5f: {  	_ =	shalt  }
0x60: {  	_ =	shalt  }
0x61: {  	_ =	shalt  }
0x62: {  	_ =	shalt  }
0x63: {  	_ =	shalt  }
0x64: {  	_ =	shalt  }
0x65: {  	_ =	shalt  }
0x66: {  	_ =	shalt  }
0x67: {  	_ =	shalt  }
0x68: {  	_ =	shalt  }
0x69: {  	_ =	shalt  }
0x6a: {  	_ =	shalt  }
0x6b: {  	_ =	shalt  }
0x6c: {  	_ =	shalt  }
0x6d: {  	_ =	shalt  }
0x6e: {  	_ =	shalt  }
0x6f: {  	_ =	shalt  }
0x70: {  	_ =	shalt  }
0x71: {  	_ =	shalt  }
0x72: {  	_ =	shalt  }
0x73: {  	_ =	shalt  }
0x74: {  	_ =	shalt  }
0x75: {  	_ =	shalt  }
0x76: {  	_ =	shalt  }
0x77: {  	_ =	shalt  }
0x78: {  	_ =	shalt  }
0x79: {  	_ =	shalt  }
0x7a: {  	_ =	shalt  }
0x7b: {  	_ =	shalt  }
0x7c: {  	_ =	shalt  }
0x7d: {  	_ =	shalt  }
0x7e: {  	_ =	shalt  }
0x7f: {  	_ =	shalt  }
0x80: {  	_ =	shalt  }
0x81: {  	_ =	shalt  }
0x82: {  	_ =	shalt  }
0x83: {  	_ =	shalt  }
0x84: {  	_ =	shalt  }
0x85: {  	_ =	shalt  }
0x86: {  	_ =	shalt  }
0x87: {  	_ =	shalt  }
.Lfunc_end0:
.L_simem_size_0:
called_computation_lowered:
.L_overlay_start_0:
0x88: {  	s2 =	sld [smem:$0x3FD9]  }
0x89: {  	s3 =	sld [smem:$0x3FFE];
	_ =	sdelay $0x1  }
0x8a: {  	s1 =	srdreg.scid  }
0x8b: {  	s0 =	sand.u32 $0x1, s1  }
0x8c: {  	s16 =	sshll.u32 s0, $0xA;
	s2 =	sadd.s32 s3, s2  }
0x8d: {  	s2 =	sadd.s32 s2, s16  }
0x8e: {  	[smem:$0x3FBD] =	sst s2  }
0x8f: {  	_ = 	snop  }
0x90: {  	(tm) =	ssettm $0x1  }
0x91: {  	s17 =	sld [smem:$0x3FFB];
	_ =	sdelay $0x3  }
0x92: {  	_ =	strace s17  }
0x93: {  	s2 =	sld [smem:$0x3FFC];
	_ =	sdelay $0x3  }
0x94: {  	_ =	strace s2  }
0x95: {  	s2 =	sld [smem:$0x3FFD];
	_ =	sdelay $0x3  }
0x96: {  	_ =	strace s2  }
0x97: {  	_ =	strace $0x8FFFFFFF  }
0x98: {  	s18 =	sld [smem:$0x3FDB];
	_ =	sdelay $0x1  }
0x99: {  	s19 =	simm.s32 $_scs_section_size  }
0x9a: {  	s4 =	simm.s32 $_size__tile_overlayer_lowered;
	s5 =	simm.s32 $_tile_overlayer_lowered  }
0x9b: {  	s22 =	simm.s32 $0x1BFF;
	s21 =	sshll.u32 s5, $0x1;
	s2 =	sadd.s32 s19, s18  }
0x9c: {  	s6 =	simm.s32 $0x0;
	s20 =	sshll.u32 s4, $0x1;
	s4 =	sadd.s32 s21, s2  }
0x9d: {  	[timem:s6], [sflag:s22] =	dma.local [hbm:s4], s20  }
0x9e: {  	_ =	swait.ge [sflag:s22], s20  }
0x9f: {  	s3 =	ssub.s32 $0x0, s20;
	[sflag:s22] =	ssyncset.done $0x0  }
0xa0: {  	[sflag:s22] =	ssyncadd.s32 s3;
	_ =	sdelay $0x1  }
0xa1: {  	s23 =	simm.s32 $0x1B8B  }
0xa2: {  	_ =	swait.ge [sflag:s23], $0x1  }
0xa3: {  	[sflag:s23] =	ssyncset.done $0x0  }
0xa4: {  	s25 =	simm.s32 $0x1B8E;
	s24 =	sld [smem:$0x3FFE];
	[sflag:s23] =	ssyncadd.s32 $0xFFFFFFFF  }
0xa5: {  	s26 =	simm.s32 $execute0_lowered;
	[smem:$0x3FD2] =	sst s25  }
0xa6: {  	s4 =	sshll.u32 s26, $0x1;
	_ =	strace $0x80000046;
	[dreg:$0x1] =	wrdreg $0xFFFFFFFF  }
0xa7: {  	s28 =	simm.s32 $_size_execute0_lowered;
	s2 =	sadd.s32 s2, s4;
	[dreg:$0x0] =	wrdreg $0x0  }
0xa8: {  	s4 =	sshll.u32 s28, $0x1;
	[dreg:$0x2] =	wrdreg s2  }
0xa9: {  	[dreg:$0x3] =	wrdreg s4  }
0xaa: {  	[dreg:$0x4] =	wrdreg $0xC0  }
0xab: {  	_ =	task [dreg:s6], $0x5FFFF  }
0xac: {  	[dreg:$0x1] =	wrdreg $0xFFFFFFFF  }
0xad: {  	[dreg:$0x0] =	wrdreg $0x60  }
0xae: {  	[dreg:$0x2] =	wrdreg s24  }
0xaf: {  	[dreg:$0x3] =	wrdreg $0x30000  }
0xb0: {  	[dreg:$0x4] =	wrdreg $0x9  }
0xb1: {  	_ =	task.clear_ibuf [dreg:s6], $0x5FFFF;
	_ =	strace $0x90000046  }
0xb2: {  	s29 =	simm.s32 $0x9;
	_ =	strace $0x80000048  }
0xb3: {  	_ =	swait.ge [sflag:s29], $0x1  }
0xb4: {  	[sflag:s29] =	ssyncadd.s32 $0xFFFFFFFF  }
0xb5: {  	_ =	strace $0x90000048  }
0xb6: {  	_ =	sfence  }
0xb7: {  	s30 =	sld [smem:$0x0];
	_ =	sdelay $0x2  }
0xb8: {  	s31 =	sshll.u32 s1, $0xD;
	s1 =	sshrl.u32 s1, $0x2  }
0xb9: {  	s3 =	sand.u32 $0x4000, s31;
	s1 =	sadd.s32 s1, s30  }
0xba: {  	s0 =	sor.u32 s3, s0;
	s1 =	sshll.u32 s1, $0x11  }
0xbb: {  	s0 =	sor.u32 s1, s0  }
0xbc: {  	s0 =	sadd.s32 $0x8F2B, s0  }
0xbd: {  	[sflag:s0] =	ssyncadd.remote.s32 $0x1  }
0xbe: {  	_ =	sfence.sel $0xFFFF  }
0xbf: {  	[dreg:$0x0] =	wrdreg $0xFFFFFFFF;
	(pc) =	sbr.abs _section_cstart, $3  }
0xc0: {  	[dreg:$0x1] =	wrdreg $0xFFFFFFFF  }
0xc1: {  	_ =	task.clear_ibuf [dreg:s6], $0x2FFFF;
	_ =	strace $0x9FFFFFFF  }
0xc2: {  	(tm) =	ssettm $0x7FFFFFFF  }
0xc3: {  	_ =	shalt  }
tec
execute0_lowered:
.L_overlay_start_1:
0x0: {  	(tag) =	ssettag $0x1  }
0x1: {  	s5 =	rddreg [dreg:$0x0]  }
0x2: {  	s0 =	srdreg.scid;
	s2 =	rddreg [dreg:$0x1]  }
0x3: {  	s3 =	simm.s32 $0x0;
	s4 =	sand.u32 $0x1, s0;
	s0 =	stileid.u32  }
0x4: {  	s13 =	simm.s32 $0x80;
	s14 =	simm.s32 $0x0;
	s7 =	smul.u32 $0x2800, s0  }
0x5: {  	[smem:$0x7FF] =	sst s3;
	s1 =	sshll.u32 s4, $0x4;
	s8 =	smul.u32 $0x28000, s4  }
0x6: {  	s10 =	ssub.s32 $0x2, s4;
	s4 =	sadd.s32 $0x12400, s5;
	s1 =	sor.u32 s0, s1  }
0x7: {  	s31 =	sshll.u32 s0, $0x6;
	s11 =	sshrl.u32 s10, $0x1;
	s6 =	smul.u32 $0x500, s1  }
0x8: {  	s1 =	rddreg [dreg:$0x2];
	_ =	strace $0x80000047;
	s9 =	sshrl.u32 s7, $0x3  }
0x9: {  	s8 =	sadd.s32 s7, s8;
	s10 =	ssub.s32 s10, s11;
	s12 =	sadd.s32 s7, s2  }
0xa: {  	s11 =	sor.u32 $0x1C01, s31;
	s9 =	sadd.s32 s9, s5;
	s8 =	sshrl.u32 s8, $0x3  }
0xb: {  	s12 =	sshrl.u32 s12, $0x3;
	s6 =	sadd.s32 s6, s5;
	s8 =	sadd.s32 s8, s5  }
0xc: {  	s5 =	sadd.s32 $0x3400, s6;
	s6 =	sadd.s32 $0xD400, s9;
	s7 =	sadd.s32 $0x12600, s8  }
0xd: {  	s8 =	smax.u32 s10, $0x1;
	s9 =	simm.s32 $0x1;
	s10 =	simm.s32 $0x2800  }
.LBB2_1:
0xe: {  	[tilespmem:s3], [sflag:$0x1] =	stream.linear.gather [hbm4b:s5+s3], $0x2800, $0x38;
	[tilespmem:$0x5800] =	vst v63  }
0xf: {  	_ =	swait.ge [sflag:s9], $0x2800  }
0x10: {  	[sflag:s9] =	ssyncset.done $0x0  }
0x11: {  	[sflag:s9] =	ssyncadd.s32 $0xFFFFD800  }
0x12: {  	[tilespmem:s10], [sflag:$0x1] =	stream.linear.gather [hbm4b:s4+s3], $0x800, $0x38;
	[tilespmem:$0x5800] =	vst v63  }
0x13: {  	_ =	swait.ge [sflag:s9], $0x800  }
0x14: {  	[sflag:s9] =	ssyncset.done $0x0  }
0x15: {  	[sflag:s9] =	ssyncadd.s32 $0xFFFFF800  }
0x16: {  	[spmem:s12], [sflag:s11] =	dma.local [hbm:s6], $0x500  }
0x17: {  	_ =	swait.ge [sflag:s9], $0x500  }
0x18: {  	[sflag:s9] =	ssyncset.done $0x0  }
0x19: {  	[sflag:s9] =	ssyncadd.s32 $0xFFFFFB00  }
0x1a: {  	s15 =	simm.s32 $0x0;
	[bflag:$0x0] =	sbarrier.arrive $0xFFFF  }
0x1b: {  	[spmem:s2] =	stream.indirect.scatter.add.f32 [tilespmem:s10], [sflag:$0x1], $0x10, s15, s13, $0xb8;
	[tilespmem:$0x5800] =	vst v63  }
0x1c: {  	_ =	swait.ge [sflag:s9], $0x800  }
0x1d: {  	s15 =	simm.s32 $0x200;
	[sflag:s9] =	ssyncset.done $0x0  }
.LBB2_2:
0x1e: {  	s16 =	sshra.s32 s15, $0x2;
	[sflag:s9] =	ssyncadd.s32 $0xFFFFF800;
	p0 =	sne.s32 s15, $0x9E00  }
0x1f: {  	[spmem:s2] =	stream.indirect.scatter.add.f32 [tilespmem:s10], [sflag:$0x1], $0x10, s16, s13, $0xb8;
	[tilespmem:$0x5800] =	vst v63  }
.Ltmp0:
0x20: {  	_ = 	snop;
	(pc) =	sbr.rel @p0 .LBB2_2-.Ltmp0, $4  }
0x21: {  	_ = 	snop  }
0x22: {  	s15 =	sadd.s32 $0x200, s15  }
0x23: {  	_ =	swait.ge [sflag:s9], $0x800  }
0x24: {  	[sflag:s9] =	ssyncset.done $0x0  }
0x25: {  	s14 =	sadd.s32 $0x1, s14  }
0x26: {  	[sflag:s9] =	ssyncadd.s32 $0xFFFFF800;
	p0 =	sne.s32 s14, s8  }
.Ltmp1:
0x27: {  	[bflag:$0x0] =	sbarrier.arrive $0xFFFF;
	(pc) =	sbr.rel @p0 .LBB2_1-.Ltmp1, $4  }
0x28: {  	[hbm:s7], [sflag:s11] =	dma.local [spmem:s12], $0x500  }
0x29: {  	_ =	swait.ge [sflag:s9], $0x500  }
0x2a: {  	[sflag:s9] =	ssyncset.done $0x0  }
0x2b: {  	[sflag:s9] =	ssyncadd.s32 $0xFFFFFB00  }
0x2c: {  	_ =	sfence.sel $0x180000  }
0x2d: {  	[bflag:$0x0] =	sbarrier.arrive $0xFFFF  }
0x2e: {  	p0 =	sne.s32 s0, $0x0;
	_ =	strace $0x90000047  }
0x2f: {  	s0 =	sadd.s32 @!p0 $0x100000, s1;
	[bflag:$0x2] =	sbarrier.arrive $0xFFFF  }
0x30: {  	[sflag:s0] =	ssyncadd.tile.s32 @!p0 $0x1;
	_ =	shalt  }
.Lfunc_end2:
_tile_overlayer_lowered:
.L_overlay_start_2:
0x31: {  	(tag) =	ssettag $0x2  }
0x32: {  	s0 =	rddreg [dreg:$0x0];
	s2 =	stileid.u32  }
0x33: {  	s1 =	rddreg [dreg:$0x1];
	p0 =	sne.s32 s2, $0x0  }
0x34: {  	s3 =	rddreg [dreg:$0x2];
	[bflag:$0x3] =	sbarrier.arrive $0xFFFF;
	s2 =	simm.s32 @!p0 $0x1C01  }
0x35: {  	[timem:s3], [sflag:s2] =	dma.local @!p0 [hbm:s0], s1  }
0x36: {  	s0 =	simm.s32 @!p0 $0x1  }
0x37: {  	_ =	swait.ge @!p0 [sflag:s0], s1  }
0x38: {  	s1 =	ssub.s32 @!p0 $0x0, s1;
	[sflag:s0] =	ssyncset.done @!p0 $0x0  }
0x39: {  	[sflag:s0] =	ssyncadd.s32 @!p0 s1  }
0x3a: {  	[bflag:$0x3] =	sbarrier.arrive $0xFFFF  }
0x3b: {  	_ =	shalt  }

// kernel: kernel.13.cloned.1.call-start
scs
__scs_entry_jumppad:
0x0: {  	(pc) =	sbr.rel $0x88, $3  }
0x1: {  	(tag) =	ssettag $0x0;
	lr =	simm.s32 $0x1  }
0x2: {  	[smem:$0x3F96] =	sst lr;
	_ =	strace $0xD0000000  }
0x3: {  	_ = 	snop  }
0x4: {  	_ = 	snop  }
0x5: {  	_ = 	snop  }
0x6: {  	_ = 	snop  }
0x7: {  	_ = 	snop  }
__scs_overlays_trampoline_lowered:
0x8: {  	[smem:$0x3FA5] =	sst s0  }
0x9: {  	[smem:$0x3FA6] =	sst s1  }
0xa: {  	[smem:$0x3FA7] =	sst s2  }
0xb: {  	[smem:$0x3FA8] =	sst s3  }
0xc: {  	[smem:$0x3FA9] =	sst s4  }
0xd: {  	[smem:$0x3FAA] =	sst s5  }
0xe: {  	[smem:$0x3FAB] =	sst s6  }
0xf: {  	[smem:$0x3FAC] =	sst s7  }
0x10: {  	[smem:$0x3FAD] =	sst s8  }
0x11: {  	[smem:$0x3FAE] =	sst s9;
	s0 =	simm.s32 @!p0 $0x0  }
0x12: {  	s1 =	sld [smem:$0x3F94];
	s0 =	simm.s32 @p0 $0x1  }
0x13: {  	[smem:$0x3FAF] =	sst s0;
	s0 =	simm.s32 @!p1 $0x0  }
0x14: {  	s2 =	sld [smem:$0x3F93];
	s0 =	simm.s32 @p1 $0x1  }
0x15: {  	[smem:$0x3FB0] =	sst s0;
	s0 =	simm.s32 @!p2 $0x0  }
0x16: {  	s3 =	sld [smem:$0x3FDB];
	s0 =	simm.s32 @p2 $0x1  }
0x17: {  	s4 =	simm.s32 $0x1BF5;
	[smem:$0x3FB2] =	sst s0  }
0x18: {  	s0 =	sld [smem:$0x3F95];
	_ =	swait.ge [sflag:s4], $0x0  }
0x19: {  	s7 =	sld [smem:$0x3F96]  }
0x1a: {  	s8 =	sadd.s32 $0xFFFFE003, lr  }
0x1b: {  	s9 =	sadd.s32 $0xFFFFFEF7, lr;
	s5 =	simm.s32 $0xFFFFFFFF;
	p2 =	slt.u32 s8, $0xFFFFF086  }
0x1c: {  	p1 =	slt.u32 s9, $0xF7A;
	s5 =	simm.s32 @!p2 $0x0  }
0x1d: {  	s5 =	simm.s32 @p1 $0x1;
	p0 =	seq.s32 s7, s2  }
0x1e: {  	s7 =	smul.u32 @!p0 $0xF7A, s2;
	p2 =	seq.s32 @!p0 s5, $0x0  }
0x1f: {  	s9 =	smul.u32 $0xF7A, s1;
	s8 =	simm.s32 @!p0 $0x1BF5;
	p2 =	por !p2, p0  }
0x20: {  	[sflag:s8] =	ssyncset.s32 @!p0 $0xFFFFF086;
	s6 =	sadd.s32 @!p0 s3, s7;
	s7 =	simm.s32 @!p0 $0x108  }
0x21: {  	s3 =	sadd.s32 s3, s9;
	s6 =	sadd.s32 @!p0 $0x88, s6;
	s7 =	simm.s32 @p2 $0x1082  }
0x22: {  	[simem:s7], [sflag:s8] =	dma.local @!p0 [hbm:s6], $0xF7A  }
0x23: {  	s9 =	sor.u32 $0xD0000000, s2;
	s6 =	simm.s32 $0x108;
	_ =	swait.ge @!p0 [sflag:s8], $0x0  }
0x24: {  	s3 =	sadd.s32 $0x88, s3;
	s6 =	simm.s32 @!p1 $0x1082;
	[sflag:s4] =	ssyncset.s32 $0xFFFFF086  }
0x25: {  	[simem:s6], [sflag:s4] =	dma.local [hbm:s3], $0xF7A  }
0x26: {  	[smem:$0x3F96] =	sst s1;
	(tag) =	ssettag s2;
	_ =	strace s9  }
0x27: {  	s1 =	sld [smem:$0x3FA6]  }
0x28: {  	s2 =	sld [smem:$0x3FA7]  }
0x29: {  	s4 =	sld [smem:$0x3FA9]  }
0x2a: {  	p0 =	seq.s32 s5, $0x0;
	s5 =	sld [smem:$0x3FAA]  }
0x2b: {  	s6 =	sld [smem:$0x3FAB]  }
0x2c: {  	s7 =	sld [smem:$0x3FAC]  }
0x2d: {  	s3 =	simm.s32 $0x108;
	s8 =	sld [smem:$0x3FAD]  }
0x2e: {  	s3 =	simm.s32 @!p0 $0x1082;
	s9 =	sld [smem:$0x3FAE]  }
0x2f: {  	lr =	sadd.s32 s0, s3;
	s0 =	sld [smem:$0x3FA5]  }
0x30: {  	s3 =	sld [smem:$0x3FA8]  }
0x31: {  	[smem:$0x3FB1] =	sst s10  }
0x32: {  	s10 =	sld [smem:$0x3FAF];
	_ =	sdelay $0x3  }
0x33: {  	p0 =	seq.s32 s10, $0x1;
	s10 =	sld [smem:$0x3FB1];
	_ =	sdelay $0x3  }
0x34: {  	[smem:$0x3FB1] =	sst s10  }
0x35: {  	s10 =	sld [smem:$0x3FB0];
	_ =	sdelay $0x3  }
0x36: {  	p1 =	seq.s32 s10, $0x1;
	s10 =	sld [smem:$0x3FB1];
	_ =	sdelay $0x3  }
0x37: {  	[smem:$0x3FB1] =	sst s10  }
0x38: {  	s10 =	sld [smem:$0x3FB2]  }
0x39: {  	_ = 	snop;
	(pc) =	sbr.ind lr, $3  }
0x3a: {  	_ = 	snop  }
0x3b: {  	_ = 	snop  }
0x3c: {  	p2 =	seq.s32 s10, $0x1;
	s10 =	sld [smem:$0x3FB1]  }
0x3d: {  	_ =	shalt  }
0x3e: {  	_ =	shalt  }
0x3f: {  	_ =	shalt  }
0x40: {  	_ =	shalt  }
0x41: {  	_ =	shalt  }
0x42: {  	_ =	shalt  }
0x43: {  	_ =	shalt  }
0x44: {  	_ =	shalt  }
0x45: {  	_ =	shalt  }
0x46: {  	_ =	shalt  }
0x47: {  	_ =	shalt  }
0x48: {  	_ =	shalt  }
0x49: {  	_ =	shalt  }
0x4a: {  	_ =	shalt  }
0x4b: {  	_ =	shalt  }
0x4c: {  	_ =	shalt  }
0x4d: {  	_ =	shalt  }
0x4e: {  	_ =	shalt  }
0x4f: {  	_ =	shalt  }
0x50: {  	_ =	shalt  }
0x51: {  	_ =	shalt  }
0x52: {  	_ =	shalt  }
0x53: {  	_ =	shalt  }
0x54: {  	_ =	shalt  }
0x55: {  	_ =	shalt  }
0x56: {  	_ =	shalt  }
0x57: {  	_ =	shalt  }
0x58: {  	_ =	shalt  }
0x59: {  	_ =	shalt  }
0x5a: {  	_ =	shalt  }
0x5b: {  	_ =	shalt  }
0x5c: {  	_ =	shalt  }
0x5d: {  	_ =	shalt  }
0x5e: {  	_ =	shalt  }
0x5f: {  	_ =	shalt  }
0x60: {  	_ =	shalt  }
0x61: {  	_ =	shalt  }
0x62: {  	_ =	shalt  }
0x63: {  	_ =	shalt  }
0x64: {  	_ =	shalt  }
0x65: {  	_ =	shalt  }
0x66: {  	_ =	shalt  }
0x67: {  	_ =	shalt  }
0x68: {  	_ =	shalt  }
0x69: {  	_ =	shalt  }
0x6a: {  	_ =	shalt  }
0x6b: {  	_ =	shalt  }
0x6c: {  	_ =	shalt  }
0x6d: {  	_ =	shalt  }
0x6e: {  	_ =	shalt  }
0x6f: {  	_ =	shalt  }
0x70: {  	_ =	shalt  }
0x71: {  	_ =	shalt  }
0x72: {  	_ =	shalt  }
0x73: {  	_ =	shalt  }
0x74: {  	_ =	shalt  }
0x75: {  	_ =	shalt  }
0x76: {  	_ =	shalt  }
0x77: {  	_ =	shalt  }
0x78: {  	_ =	shalt  }
0x79: {  	_ =	shalt  }
0x7a: {  	_ =	shalt  }
0x7b: {  	_ =	shalt  }
0x7c: {  	_ =	shalt  }
0x7d: {  	_ =	shalt  }
0x7e: {  	_ =	shalt  }
0x7f: {  	_ =	shalt  }
0x80: {  	_ =	shalt  }
0x81: {  	_ =	shalt  }
0x82: {  	_ =	shalt  }
0x83: {  	_ =	shalt  }
0x84: {  	_ =	shalt  }
0x85: {  	_ =	shalt  }
0x86: {  	_ =	shalt  }
0x87: {  	_ =	shalt  }
.Lfunc_end0:
.L_simem_size_0:
called_computation.1_lowered:
.L_overlay_start_0:
0x88: {  	s2 =	sld [smem:$0x3FD9]  }
0x89: {  	s3 =	sld [smem:$0x3FFE];
	_ =	sdelay $0x1  }
0x8a: {  	s1 =	srdreg.scid  }
0x8b: {  	s0 =	sand.u32 $0x1, s1  }
0x8c: {  	s16 =	sshll.u32 s0, $0xA;
	s2 =	sadd.s32 s3, s2  }
0x8d: {  	s2 =	sadd.s32 s2, s16  }
0x8e: {  	[smem:$0x3FBD] =	sst s2  }
0x8f: {  	_ = 	snop  }
0x90: {  	(tm) =	ssettm $0x1  }
0x91: {  	s17 =	sld [smem:$0x3FFB];
	_ =	sdelay $0x3  }
0x92: {  	_ =	strace s17  }
0x93: {  	s2 =	sld [smem:$0x3FFC];
	_ =	sdelay $0x3  }
0x94: {  	_ =	strace s2  }
0x95: {  	s2 =	sld [smem:$0x3FFD];
	_ =	sdelay $0x3  }
0x96: {  	_ =	strace s2  }
0x97: {  	_ =	strace $0x8FFFFFFF  }
0x98: {  	s18 =	sld [smem:$0x3FDB];
	_ =	sdelay $0x1  }
0x99: {  	s19 =	simm.s32 $_scs_section_size  }
0x9a: {  	s4 =	simm.s32 $_size__tile_overlayer_lowered;
	s5 =	simm.s32 $_tile_overlayer_lowered  }
0x9b: {  	s22 =	simm.s32 $0x1BFF;
	s21 =	sshll.u32 s5, $0x1;
	s2 =	sadd.s32 s19, s18  }
0x9c: {  	s6 =	simm.s32 $0x0;
	s20 =	sshll.u32 s4, $0x1;
	s4 =	sadd.s32 s21, s2  }
0x9d: {  	[timem:s6], [sflag:s22] =	dma.local [hbm:s4], s20  }
0x9e: {  	_ =	swait.ge [sflag:s22], s20  }
0x9f: {  	s3 =	ssub.s32 $0x0, s20;
	[sflag:s22] =	ssyncset.done $0x0  }
0xa0: {  	[sflag:s22] =	ssyncadd.s32 s3;
	_ =	sdelay $0x1  }
0xa1: {  	s23 =	simm.s32 $0x1B8B  }
0xa2: {  	_ =	swait.ge [sflag:s23], $0x1  }
0xa3: {  	[sflag:s23] =	ssyncset.done $0x0  }
0xa4: {  	s25 =	simm.s32 $0x1B8E;
	s24 =	sld [smem:$0x3FFE];
	[sflag:s23] =	ssyncadd.s32 $0xFFFFFFFF  }
0xa5: {  	s26 =	simm.s32 $execute0_lowered;
	[smem:$0x3FD2] =	sst s25  }
0xa6: {  	s4 =	sshll.u32 s26, $0x1;
	_ =	strace $0x80000049;
	[dreg:$0x1] =	wrdreg $0xFFFFFFFF  }
0xa7: {  	s28 =	simm.s32 $_size_execute0_lowered;
	s2 =	sadd.s32 s2, s4;
	[dreg:$0x0] =	wrdreg $0x0  }
0xa8: {  	s4 =	sshll.u32 s28, $0x1;
	[dreg:$0x2] =	wrdreg s2  }
0xa9: {  	[dreg:$0x3] =	wrdreg s4  }
0xaa: {  	[dreg:$0x4] =	wrdreg $0xC0  }
0xab: {  	_ =	task [dreg:s6], $0x5FFFF  }
0xac: {  	[dreg:$0x1] =	wrdreg $0xFFFFFFFF  }
0xad: {  	[dreg:$0x0] =	wrdreg $0x60  }
0xae: {  	[dreg:$0x2] =	wrdreg s24  }
0xaf: {  	[dreg:$0x3] =	wrdreg $0xAE000  }
0xb0: {  	[dreg:$0x4] =	wrdreg $0x9  }
0xb1: {  	_ =	task.clear_ibuf [dreg:s6], $0x5FFFF;
	_ =	strace $0x90000049  }
0xb2: {  	s29 =	simm.s32 $0x9;
	_ =	strace $0x8000004B  }
0xb3: {  	_ =	swait.ge [sflag:s29], $0x1  }
0xb4: {  	[sflag:s29] =	ssyncadd.s32 $0xFFFFFFFF  }
0xb5: {  	_ =	strace $0x9000004B  }
0xb6: {  	_ =	sfence  }
0xb7: {  	s30 =	sld [smem:$0x0];
	_ =	sdelay $0x2  }
0xb8: {  	s31 =	sshll.u32 s1, $0xD;
	s1 =	sshrl.u32 s1, $0x2  }
0xb9: {  	s3 =	sand.u32 $0x4000, s31;
	s1 =	sadd.s32 s1, s30  }
0xba: {  	s0 =	sor.u32 s3, s0;
	s1 =	sshll.u32 s1, $0x11  }
0xbb: {  	s0 =	sor.u32 s1, s0  }
0xbc: {  	s0 =	sadd.s32 $0x8F2B, s0  }
0xbd: {  	[sflag:s0] =	ssyncadd.remote.s32 $0x1  }
0xbe: {  	_ =	sfence.sel $0xFFFF  }
0xbf: {  	[dreg:$0x0] =	wrdreg $0xFFFFFFFF;
	(pc) =	sbr.abs _section_cstart, $3  }
0xc0: {  	[dreg:$0x1] =	wrdreg $0xFFFFFFFF  }
0xc1: {  	_ =	task.clear_ibuf [dreg:s6], $0x2FFFF;
	_ =	strace $0x9FFFFFFF  }
0xc2: {  	(tm) =	ssettm $0x7FFFFFFF  }
0xc3: {  	_ =	shalt  }
tec
execute0_lowered:
.L_overlay_start_1:
0x0: {  	(tag) =	ssettag $0x1  }
0x1: {  	s5 =	rddreg [dreg:$0x0]  }
0x2: {  	s2 =	rddreg [dreg:$0x1]  }
0x3: {  	s0 =	rddreg [dreg:$0x2];
	s1 =	stileid.u32  }
0x4: {  	s4 =	srdreg.scid;
	s3 =	simm.s32 $0x0;
	s16 =	simm.s32 $0x80  }
0x5: {  	s17 =	simm.s32 $0x6E00;
	s18 =	simm.s32 $0x1;
	s19 =	simm.s32 $0x8E00  }
0x6: {  	s20 =	simm.s32 $0x2;
	s21 =	simm.s32 $0x3;
	s22 =	simm.s32 $0x4  }
0x7: {  	s23 =	simm.s32 $0x0;
	s6 =	smul.u32 $0xA000, s1;
	s7 =	sand.u32 $0x1, s4  }
0x8: {  	[smem:$0x7FF] =	sst s3;
	s4 =	sadd.s32 $0x4E600, s5;
	s28 =	smul.u32 $0x1900, s1  }
0x9: {  	s9 =	sadd.s32 $0x1C600, s5;
	s10 =	sadd.s32 $0x3400, s5;
	s30 =	smul.u32 $0x6E0, s1  }
0xa: {  	s29 =	sshll.u32 s1, $0x6;
	s8 =	smul.u32 $0xA0000, s7;
	_ =	strace $0x8000004A  }
0xb: {  	s12 =	ssub.s32 $0x2, s7;
	p0 =	seq.s32 s7, $0x1;
	s11 =	sshrl.u32 s6, $0x3  }
0xc: {  	s26 =	sshrl.u32 s12, $0x1;
	s14 =	sadd.s32 s6, s2;
	s15 =	sshrl.u32 s28, $0x3  }
0xd: {  	s7 =	sadd.s32 s9, s30;
	s8 =	sadd.s32 s6, s8;
	s11 =	sadd.s32 s11, s5  }
.Ltmp0:
0xe: {  	s12 =	ssub.s32 s12, s26;
	s6 =	sor.u32 $0x1C05, s29;
	(pc) =	sbr.rel .LBB2_1-.Ltmp0, $4  }
0xf: {  	s31 =	sadd.s32 $0x6E00, s15;
	s15 =	simm.s32 $0x3700;
	s8 =	sshrl.u32 s8, $0x3  }
0x10: {  	s9 =	sadd.s32 s9, s31;
	s12 =	smax.u32 s12, $0x1;
	s13 =	sadd.s32 s8, s5  }
0x11: {  	s5 =	sadd.s32 $0x62600, s11;
	s8 =	sadd.s32 s10, s30;
	s10 =	sadd.s32 s10, s31  }
0x12: {  	s11 =	sadd.s32 $0x76600, s13;
	s13 =	sshrl.u32 s14, $0x3;
	s14 =	simm.s32 $0x5  }
.LBB2_4:
0x13: {  	[tilespmem:s19], [sflag:$0x2] =	stream.indirect.gather [hbm4b:s4+s16], $0x40, s25, s16, $0xb8;
	[tilespmem:$0x14E00] =	vst v63  }
0x14: {  	s24 =	simm.s32 $0x6D80  }
.LBB2_8:
0x15: {  	_ =	swait.ge [sflag:s20], $0x2000  }
0x16: {  	[sflag:s20] =	ssyncset.done $0x0  }
0x17: {  	[sflag:s20] =	ssyncadd.s32 $0xFFFFE000  }
0x18: {  	[spmem:s2] =	stream.indirect.scatter.add.f32 [tilespmem:s19], [sflag:$0x4], $0x40, s24, s16, $0xb8;
	[tilespmem:$0x14E00] =	vst v63  }
0x19: {  	_ =	swait.ge [sflag:s21], $0x2000  }
0x1a: {  	[sflag:s21] =	ssyncset.done $0x0  }
0x1b: {  	[sflag:s21] =	ssyncadd.s32 $0xFFFFE000  }
0x1c: {  	_ =	swait.ge [sflag:s22], $0x2000  }
0x1d: {  	s23 =	sadd.s32 $0x1, s23;
	[sflag:s22] =	ssyncset.done $0x0  }
0x1e: {  	p1 =	sne.s32 s23, s12;
	[sflag:s22] =	ssyncadd.s32 $0xFFFFE000  }
.Ltmp1:
0x1f: {  	[bflag:$0x0] =	sbarrier.arrive $0xFFFF;
	(pc) =	sbr.rel @!p1 .LBB2_9-.Ltmp1, $4  }
0x20: {  	[hbm:s11], [sflag:s6] =	dma.local [spmem:s13], $0x1400  }
0x21: {  	_ =	swait.ge [sflag:s14], $0x1400  }
0x22: {  	[sflag:s14] =	ssyncset.done $0x0  }
0x23: {  	[sflag:s14] =	ssyncadd.s32 $0xFFFFEC00  }
.LBB2_1:
0x24: {  	[spmem:s13], [sflag:s6] =	dma.local [hbm:s5], $0x1400  }
.Ltmp2:
0x25: {  	_ =	swait.ge [sflag:s14], $0x1400;
	(pc) =	sbr.rel @!p0 .LBB2_2-.Ltmp2, $3  }
0x26: {  	[sflag:s14] =	ssyncset.done $0x0  }
0x27: {  	[sflag:s14] =	ssyncadd.s32 $0xFFFFEC00  }
0x28: {  	[bflag:$0x0] =	sbarrier.arrive $0xFFFF;
	_ =	sdelay $0x1  }
0x29: {  	[tilespmem:s3], [sflag:$0x5] =	stream.linear.gather [hbm4b:s9+s3], $0x1900, $0x38;
	[tilespmem:$0x14E00] =	vst v63  }
0x2a: {  	_ =	swait.ge [sflag:s14], $0x1900  }
0x2b: {  	[sflag:s14] =	ssyncset.done $0x0  }
0x2c: {  	[sflag:s14] =	ssyncadd.s32 $0xFFFFE700  }
0x2d: {  	[tilespmem:s15], [sflag:$0x5] =	stream.linear.gather [hbm4b:s10+s3], $0x1900, $0x38;
	[tilespmem:$0x14E00] =	vst v63  }
0x2e: {  	_ =	swait.ge [sflag:s14], $0x1900  }
0x2f: {  	[sflag:s14] =	ssyncset.done $0x0  }
0x30: {  	[sflag:s14] =	ssyncadd.s32 $0xFFFFE700  }
0x31: {  	[tilespmem:s17], [sflag:$0x1] =	stream.indirect.gather [hbm4b:s4+s16], $0x40, s3, s16, $0xb8;
	[tilespmem:$0x14E00] =	vst v63  }
0x32: {  	_ =	swait.ge [sflag:s18], $0x2000  }
0x33: {  	[sflag:s18] =	ssyncset.done $0x0  }
0x34: {  	[sflag:s18] =	ssyncadd.s32 $0xFFFFE000  }
0x35: {  	[spmem:s2] =	stream.indirect.scatter.add.f32 [tilespmem:s17], [sflag:$0x3], $0x40, s15, s16, $0xb8;
	[tilespmem:$0x14E00] =	vst v63  }
0x36: {  	_ = 	snop  }
0x37: {  	[tilespmem:s19], [sflag:$0x2] =	stream.indirect.gather [hbm4b:s4+s16], $0x40, s16, s16, $0xb8;
	[tilespmem:$0x14E00] =	vst v63  }
0x38: {  	_ =	swait.ge [sflag:s20], $0x2000  }
0x39: {  	[sflag:s20] =	ssyncset.done $0x0  }
0x3a: {  	s24 =	simm.s32 $0x3780;
	[sflag:s20] =	ssyncadd.s32 $0xFFFFE000  }
0x3b: {  	[spmem:s2] =	stream.indirect.scatter.add.f32 [tilespmem:s19], [sflag:$0x4], $0x40, s24, s16, $0xb8;
	[tilespmem:$0x14E00] =	vst v63  }
0x3c: {  	_ =	swait.ge [sflag:s21], $0x2000  }
0x3d: {  	[sflag:s21] =	ssyncset.done $0x0  }
0x3e: {  	s30 =	simm.s32 $0x100;
	[sflag:s21] =	ssyncadd.s32 $0xFFFFE000  }
0x3f: {  	[tilespmem:s17], [sflag:$0x1] =	stream.indirect.gather [hbm4b:s4+s16], $0x40, s30, s16, $0xb8;
	[tilespmem:$0x14E00] =	vst v63  }
0x40: {  	_ =	swait.ge [sflag:s18], $0x2000  }
0x41: {  	[sflag:s18] =	ssyncset.done $0x0  }
0x42: {  	s31 =	simm.s32 $0x3800;
	[sflag:s18] =	ssyncadd.s32 $0xFFFFE000  }
0x43: {  	[spmem:s2] =	stream.indirect.scatter.add.f32 [tilespmem:s17], [sflag:$0x3], $0x40, s31, s16, $0xb8;
	[tilespmem:$0x14E00] =	vst v63  }
0x44: {  	_ =	swait.ge [sflag:s22], $0x2000  }
0x45: {  	[sflag:s22] =	ssyncset.done $0x0  }
0x46: {  	s25 =	simm.s32 $0x180;
	s24 =	simm.s32 $0xFFFFA400;
	[sflag:s22] =	ssyncadd.s32 $0xFFFFE000  }
.LBB2_6:
0x47: {  	[tilespmem:s19], [sflag:$0x2] =	stream.indirect.gather [hbm4b:s4+s16], $0x40, s25, s16, $0xb8;
	[tilespmem:$0x14E00] =	vst v63  }
0x48: {  	s25 =	smov.u32 s24  }
0x49: {  	p1 =	sne.s32 s24, $0xFFFFFC00;
	s24 =	sadd.s32 $0x400, s24;
	_ =	swait.ge [sflag:s20], $0x2000  }
0x4a: {  	s25 =	sshra.s32 s25, $0x2;
	[sflag:s20] =	ssyncset.done $0x0  }
0x4b: {  	s26 =	sadd.s32 $0x4F80, s25;
	[sflag:s20] =	ssyncadd.s32 $0xFFFFE000  }
0x4c: {  	[spmem:s2] =	stream.indirect.scatter.add.f32 [tilespmem:s19], [sflag:$0x4], $0x40, s26, s16, $0xb8;
	[tilespmem:$0x14E00] =	vst v63  }
0x4d: {  	_ =	swait.ge [sflag:s21], $0x2000  }
0x4e: {  	[sflag:s21] =	ssyncset.done $0x0  }
0x4f: {  	s26 =	sadd.s32 $0x1900, s25;
	[sflag:s21] =	ssyncadd.s32 $0xFFFFE000  }
0x50: {  	[tilespmem:s17], [sflag:$0x1] =	stream.indirect.gather [hbm4b:s4+s16], $0x40, s26, s16, $0xb8;
	[tilespmem:$0x14E00] =	vst v63  }
0x51: {  	_ =	swait.ge [sflag:s18], $0x2000  }
0x52: {  	[sflag:s18] =	ssyncset.done $0x0  }
.Ltmp3:
0x53: {  	s26 =	sadd.s32 $0x5000, s25;
	[sflag:s18] =	ssyncadd.s32 $0xFFFFE000;
	(pc) =	sbr.rel @p1 .LBB2_6-.Ltmp3, $4  }
0x54: {  	[spmem:s2] =	stream.indirect.scatter.add.f32 [tilespmem:s17], [sflag:$0x3], $0x40, s26, s16, $0xb8;
	[tilespmem:$0x14E00] =	vst v63  }
0x55: {  	_ =	swait.ge [sflag:s22], $0x2000  }
0x56: {  	[sflag:s22] =	ssyncset.done $0x0  }
0x57: {  	s25 =	sadd.s32 $0x1980, s25;
	[sflag:s22] =	ssyncadd.s32 $0xFFFFE000  }
.Ltmp4:
0x58: {  	(pc) =	sbr.rel .LBB2_8-.Ltmp4, $3  }
0x59: {  	_ =	sdelay $0x1  }
0x5a: {  	[tilespmem:s19], [sflag:$0x2] =	stream.indirect.gather [hbm4b:s4+s16], $0x40, s25, s16, $0xb8;
	[tilespmem:$0x14E00] =	vst v63  }
0x5b: {  	s24 =	simm.s32 $0x4F80  }
.LBB2_2:
0x5c: {  	[tilespmem:s3], [sflag:$0x5] =	stream.linear.gather [hbm4b:s7+s3], $0x3700, $0x38;
	[tilespmem:$0x14E00] =	vst v63  }
0x5d: {  	_ =	swait.ge [sflag:s14], $0x3700  }
0x5e: {  	[sflag:s14] =	ssyncset.done $0x0  }
0x5f: {  	[sflag:s14] =	ssyncadd.s32 $0xFFFFC900  }
0x60: {  	[tilespmem:s15], [sflag:$0x5] =	stream.linear.gather [hbm4b:s8+s3], $0x3700, $0x38;
	[tilespmem:$0x14E00] =	vst v63  }
0x61: {  	_ =	swait.ge [sflag:s14], $0x3700  }
0x62: {  	[sflag:s14] =	ssyncset.done $0x0  }
0x63: {  	[sflag:s14] =	ssyncadd.s32 $0xFFFFC900  }
0x64: {  	[tilespmem:s17], [sflag:$0x1] =	stream.indirect.gather [hbm4b:s4+s16], $0x40, s3, s16, $0xb8;
	[tilespmem:$0x14E00] =	vst v63  }
0x65: {  	_ =	swait.ge [sflag:s18], $0x2000  }
0x66: {  	[sflag:s18] =	ssyncset.done $0x0  }
0x67: {  	[sflag:s18] =	ssyncadd.s32 $0xFFFFE000  }
0x68: {  	[spmem:s2] =	stream.indirect.scatter.add.f32 [tilespmem:s17], [sflag:$0x3], $0x40, s15, s16, $0xb8;
	[tilespmem:$0x14E00] =	vst v63  }
0x69: {  	_ = 	snop  }
0x6a: {  	[tilespmem:s19], [sflag:$0x2] =	stream.indirect.gather [hbm4b:s4+s16], $0x40, s16, s16, $0xb8;
	[tilespmem:$0x14E00] =	vst v63  }
0x6b: {  	_ =	swait.ge [sflag:s20], $0x2000  }
0x6c: {  	[sflag:s20] =	ssyncset.done $0x0  }
0x6d: {  	s24 =	simm.s32 $0x3780;
	[sflag:s20] =	ssyncadd.s32 $0xFFFFE000  }
0x6e: {  	[spmem:s2] =	stream.indirect.scatter.add.f32 [tilespmem:s19], [sflag:$0x4], $0x40, s24, s16, $0xb8;
	[tilespmem:$0x14E00] =	vst v63  }
0x6f: {  	_ =	swait.ge [sflag:s21], $0x2000  }
0x70: {  	[sflag:s21] =	ssyncset.done $0x0  }
0x71: {  	s30 =	simm.s32 $0x100;
	[sflag:s21] =	ssyncadd.s32 $0xFFFFE000  }
0x72: {  	[tilespmem:s17], [sflag:$0x1] =	stream.indirect.gather [hbm4b:s4+s16], $0x40, s30, s16, $0xb8;
	[tilespmem:$0x14E00] =	vst v63  }
0x73: {  	_ =	swait.ge [sflag:s18], $0x2000  }
0x74: {  	p1 =	por $0x0, $0x0;
	[sflag:s18] =	ssyncset.done $0x0  }
.Ltmp5:
0x75: {  	s31 =	simm.s32 $0x3800;
	[sflag:s18] =	ssyncadd.s32 $0xFFFFE000;
	(pc) =	sbr.rel @p1 .LBB2_4-.Ltmp5, $4  }
0x76: {  	[spmem:s2] =	stream.indirect.scatter.add.f32 [tilespmem:s17], [sflag:$0x3], $0x40, s31, s16, $0xb8;
	[tilespmem:$0x14E00] =	vst v63  }
0x77: {  	_ =	swait.ge [sflag:s22], $0x2000  }
0x78: {  	[sflag:s22] =	ssyncset.done $0x0  }
0x79: {  	s25 =	simm.s32 $0x180;
	s24 =	simm.s32 $0xFFFF2C00;
	[sflag:s22] =	ssyncadd.s32 $0xFFFFE000  }
.LBB2_3:
0x7a: {  	[tilespmem:s19], [sflag:$0x2] =	stream.indirect.gather [hbm4b:s4+s16], $0x40, s25, s16, $0xb8;
	[tilespmem:$0x14E00] =	vst v63  }
0x7b: {  	s25 =	smov.u32 s24  }
0x7c: {  	p1 =	seq.s32 s24, $0xFFFFFC00;
	s24 =	sadd.s32 $0x400, s24;
	_ =	swait.ge [sflag:s20], $0x2000  }
0x7d: {  	s25 =	sshra.s32 s25, $0x2;
	[sflag:s20] =	ssyncset.done $0x0  }
0x7e: {  	s26 =	sadd.s32 $0x6D80, s25;
	[sflag:s20] =	ssyncadd.s32 $0xFFFFE000  }
0x7f: {  	[spmem:s2] =	stream.indirect.scatter.add.f32 [tilespmem:s19], [sflag:$0x4], $0x40, s26, s16, $0xb8;
	[tilespmem:$0x14E00] =	vst v63  }
0x80: {  	_ =	swait.ge [sflag:s21], $0x2000  }
0x81: {  	[sflag:s21] =	ssyncset.done $0x0  }
0x82: {  	s26 =	sadd.s32 $0x3700, s25;
	[sflag:s21] =	ssyncadd.s32 $0xFFFFE000  }
0x83: {  	[tilespmem:s17], [sflag:$0x1] =	stream.indirect.gather [hbm4b:s4+s16], $0x40, s26, s16, $0xb8;
	[tilespmem:$0x14E00] =	vst v63  }
0x84: {  	_ =	swait.ge [sflag:s18], $0x2000  }
0x85: {  	[sflag:s18] =	ssyncset.done $0x0  }
.Ltmp6:
0x86: {  	s26 =	sadd.s32 $0x6E00, s25;
	[sflag:s18] =	ssyncadd.s32 $0xFFFFE000;
	(pc) =	sbr.rel @!p1 .LBB2_3-.Ltmp6, $4  }
0x87: {  	[spmem:s2] =	stream.indirect.scatter.add.f32 [tilespmem:s17], [sflag:$0x3], $0x40, s26, s16, $0xb8;
	[tilespmem:$0x14E00] =	vst v63  }
0x88: {  	_ =	swait.ge [sflag:s22], $0x2000  }
0x89: {  	[sflag:s22] =	ssyncset.done $0x0  }
0x8a: {  	s25 =	sadd.s32 $0x3780, s25;
	[sflag:s22] =	ssyncadd.s32 $0xFFFFE000  }
.Ltmp7:
0x8b: {  	_ = 	snop;
	(pc) =	sbr.rel .LBB2_4-.Ltmp7, $1  }
0x8c: {  	_ =	sdelay $0x3  }
.LBB2_9:
0x8d: {  	_ =	sfence.sel $0x180000  }
0x8e: {  	[bflag:$0x0] =	sbarrier.arrive $0xFFFF  }
0x8f: {  	p0 =	sne.s32 s1, $0x0;
	_ =	strace $0x9000004A  }
0x90: {  	s0 =	sadd.s32 @!p0 $0x100000, s0;
	[bflag:$0x2] =	sbarrier.arrive $0xFFFF  }
0x91: {  	[sflag:s0] =	ssyncadd.tile.s32 @!p0 $0x1;
	_ =	shalt  }
.Lfunc_end2:
_tile_overlayer_lowered:
.L_overlay_start_2:
0x92: {  	(tag) =	ssettag $0x2  }
0x93: {  	s0 =	rddreg [dreg:$0x0];
	s2 =	stileid.u32  }
0x94: {  	s1 =	rddreg [dreg:$0x1];
	p0 =	sne.s32 s2, $0x0  }
0x95: {  	s3 =	rddreg [dreg:$0x2];
	[bflag:$0x3] =	sbarrier.arrive $0xFFFF;
	s2 =	simm.s32 @!p0 $0x1C05  }
0x96: {  	[timem:s3], [sflag:s2] =	dma.local @!p0 [hbm:s0], s1  }
0x97: {  	s0 =	simm.s32 @!p0 $0x5  }
0x98: {  	_ =	swait.ge @!p0 [sflag:s0], s1  }
0x99: {  	s1 =	ssub.s32 @!p0 $0x0, s1;
	[sflag:s0] =	ssyncset.done @!p0 $0x0  }
0x9a: {  	[sflag:s0] =	ssyncadd.s32 @!p0 s1  }
0x9b: {  	[bflag:$0x3] =	sbarrier.arrive $0xFFFF  }
0x9c: {  	_ =	shalt  }

// kernel: kernel.16.cloned.1.call-start
scs
__scs_entry_jumppad:
0x0: {  	(pc) =	sbr.rel $0x88, $3  }
0x1: {  	(tag) =	ssettag $0x0;
	lr =	simm.s32 $0x1  }
0x2: {  	[smem:$0x3F96] =	sst lr;
	_ =	strace $0xD0000000  }
0x3: {  	_ = 	snop  }
0x4: {  	_ = 	snop  }
0x5: {  	_ = 	snop  }
0x6: {  	_ = 	snop  }
0x7: {  	_ = 	snop  }
__scs_overlays_trampoline_lowered:
0x8: {  	[smem:$0x3FA5] =	sst s0  }
0x9: {  	[smem:$0x3FA6] =	sst s1  }
0xa: {  	[smem:$0x3FA7] =	sst s2  }
0xb: {  	[smem:$0x3FA8] =	sst s3  }
0xc: {  	[smem:$0x3FA9] =	sst s4  }
0xd: {  	[smem:$0x3FAA] =	sst s5  }
0xe: {  	[smem:$0x3FAB] =	sst s6  }
0xf: {  	[smem:$0x3FAC] =	sst s7  }
0x10: {  	[smem:$0x3FAD] =	sst s8  }
0x11: {  	[smem:$0x3FAE] =	sst s9;
	s0 =	simm.s32 @!p0 $0x0  }
0x12: {  	s1 =	sld [smem:$0x3F94];
	s0 =	simm.s32 @p0 $0x1  }
0x13: {  	[smem:$0x3FAF] =	sst s0;
	s0 =	simm.s32 @!p1 $0x0  }
0x14: {  	s2 =	sld [smem:$0x3F93];
	s0 =	simm.s32 @p1 $0x1  }
0x15: {  	[smem:$0x3FB0] =	sst s0;
	s0 =	simm.s32 @!p2 $0x0  }
0x16: {  	s3 =	sld [smem:$0x3FDB];
	s0 =	simm.s32 @p2 $0x1  }
0x17: {  	s4 =	simm.s32 $0x1BF5;
	[smem:$0x3FB2] =	sst s0  }
0x18: {  	s0 =	sld [smem:$0x3F95];
	_ =	swait.ge [sflag:s4], $0x0  }
0x19: {  	s7 =	sld [smem:$0x3F96]  }
0x1a: {  	s8 =	sadd.s32 $0xFFFFE003, lr  }
0x1b: {  	s9 =	sadd.s32 $0xFFFFFEF7, lr;
	s5 =	simm.s32 $0xFFFFFFFF;
	p2 =	slt.u32 s8, $0xFFFFF086  }
0x1c: {  	p1 =	slt.u32 s9, $0xF7A;
	s5 =	simm.s32 @!p2 $0x0  }
0x1d: {  	s5 =	simm.s32 @p1 $0x1;
	p0 =	seq.s32 s7, s2  }
0x1e: {  	s7 =	smul.u32 @!p0 $0xF7A, s2;
	p2 =	seq.s32 @!p0 s5, $0x0  }
0x1f: {  	s9 =	smul.u32 $0xF7A, s1;
	s8 =	simm.s32 @!p0 $0x1BF5;
	p2 =	por !p2, p0  }
0x20: {  	[sflag:s8] =	ssyncset.s32 @!p0 $0xFFFFF086;
	s6 =	sadd.s32 @!p0 s3, s7;
	s7 =	simm.s32 @!p0 $0x108  }
0x21: {  	s3 =	sadd.s32 s3, s9;
	s6 =	sadd.s32 @!p0 $0x88, s6;
	s7 =	simm.s32 @p2 $0x1082  }
0x22: {  	[simem:s7], [sflag:s8] =	dma.local @!p0 [hbm:s6], $0xF7A  }
0x23: {  	s9 =	sor.u32 $0xD0000000, s2;
	s6 =	simm.s32 $0x108;
	_ =	swait.ge @!p0 [sflag:s8], $0x0  }
0x24: {  	s3 =	sadd.s32 $0x88, s3;
	s6 =	simm.s32 @!p1 $0x1082;
	[sflag:s4] =	ssyncset.s32 $0xFFFFF086  }
0x25: {  	[simem:s6], [sflag:s4] =	dma.local [hbm:s3], $0xF7A  }
0x26: {  	[smem:$0x3F96] =	sst s1;
	(tag) =	ssettag s2;
	_ =	strace s9  }
0x27: {  	s1 =	sld [smem:$0x3FA6]  }
0x28: {  	s2 =	sld [smem:$0x3FA7]  }
0x29: {  	s4 =	sld [smem:$0x3FA9]  }
0x2a: {  	p0 =	seq.s32 s5, $0x0;
	s5 =	sld [smem:$0x3FAA]  }
0x2b: {  	s6 =	sld [smem:$0x3FAB]  }
0x2c: {  	s7 =	sld [smem:$0x3FAC]  }
0x2d: {  	s3 =	simm.s32 $0x108;
	s8 =	sld [smem:$0x3FAD]  }
0x2e: {  	s3 =	simm.s32 @!p0 $0x1082;
	s9 =	sld [smem:$0x3FAE]  }
0x2f: {  	lr =	sadd.s32 s0, s3;
	s0 =	sld [smem:$0x3FA5]  }
0x30: {  	s3 =	sld [smem:$0x3FA8]  }
0x31: {  	[smem:$0x3FB1] =	sst s10  }
0x32: {  	s10 =	sld [smem:$0x3FAF];
	_ =	sdelay $0x3  }
0x33: {  	p0 =	seq.s32 s10, $0x1;
	s10 =	sld [smem:$0x3FB1];
	_ =	sdelay $0x3  }
0x34: {  	[smem:$0x3FB1] =	sst s10  }
0x35: {  	s10 =	sld [smem:$0x3FB0];
	_ =	sdelay $0x3  }
0x36: {  	p1 =	seq.s32 s10, $0x1;
	s10 =	sld [smem:$0x3FB1];
	_ =	sdelay $0x3  }
0x37: {  	[smem:$0x3FB1] =	sst s10  }
0x38: {  	s10 =	sld [smem:$0x3FB2]  }
0x39: {  	_ = 	snop;
	(pc) =	sbr.ind lr, $3  }
0x3a: {  	_ = 	snop  }
0x3b: {  	_ = 	snop  }
0x3c: {  	p2 =	seq.s32 s10, $0x1;
	s10 =	sld [smem:$0x3FB1]  }
0x3d: {  	_ =	shalt  }
0x3e: {  	_ =	shalt  }
0x3f: {  	_ =	shalt  }
0x40: {  	_ =	shalt  }
0x41: {  	_ =	shalt  }
0x42: {  	_ =	shalt  }
0x43: {  	_ =	shalt  }
0x44: {  	_ =	shalt  }
0x45: {  	_ =	shalt  }
0x46: {  	_ =	shalt  }
0x47: {  	_ =	shalt  }
0x48: {  	_ =	shalt  }
0x49: {  	_ =	shalt  }
0x4a: {  	_ =	shalt  }
0x4b: {  	_ =	shalt  }
0x4c: {  	_ =	shalt  }
0x4d: {  	_ =	shalt  }
0x4e: {  	_ =	shalt  }
0x4f: {  	_ =	shalt  }
0x50: {  	_ =	shalt  }
0x51: {  	_ =	shalt  }
0x52: {  	_ =	shalt  }
0x53: {  	_ =	shalt  }
0x54: {  	_ =	shalt  }
0x55: {  	_ =	shalt  }
0x56: {  	_ =	shalt  }
0x57: {  	_ =	shalt  }
0x58: {  	_ =	shalt  }
0x59: {  	_ =	shalt  }
0x5a: {  	_ =	shalt  }
0x5b: {  	_ =	shalt  }
0x5c: {  	_ =	shalt  }
0x5d: {  	_ =	shalt  }
0x5e: {  	_ =	shalt  }
0x5f: {  	_ =	shalt  }
0x60: {  	_ =	shalt  }
0x61: {  	_ =	shalt  }
0x62: {  	_ =	shalt  }
0x63: {  	_ =	shalt  }
0x64: {  	_ =	shalt  }
0x65: {  	_ =	shalt  }
0x66: {  	_ =	shalt  }
0x67: {  	_ =	shalt  }
0x68: {  	_ =	shalt  }
0x69: {  	_ =	shalt  }
0x6a: {  	_ =	shalt  }
0x6b: {  	_ =	shalt  }
0x6c: {  	_ =	shalt  }
0x6d: {  	_ =	shalt  }
0x6e: {  	_ =	shalt  }
0x6f: {  	_ =	shalt  }
0x70: {  	_ =	shalt  }
0x71: {  	_ =	shalt  }
0x72: {  	_ =	shalt  }
0x73: {  	_ =	shalt  }
0x74: {  	_ =	shalt  }
0x75: {  	_ =	shalt  }
0x76: {  	_ =	shalt  }
0x77: {  	_ =	shalt  }
0x78: {  	_ =	shalt  }
0x79: {  	_ =	shalt  }
0x7a: {  	_ =	shalt  }
0x7b: {  	_ =	shalt  }
0x7c: {  	_ =	shalt  }
0x7d: {  	_ =	shalt  }
0x7e: {  	_ =	shalt  }
0x7f: {  	_ =	shalt  }
0x80: {  	_ =	shalt  }
0x81: {  	_ =	shalt  }
0x82: {  	_ =	shalt  }
0x83: {  	_ =	shalt  }
0x84: {  	_ =	shalt  }
0x85: {  	_ =	shalt  }
0x86: {  	_ =	shalt  }
0x87: {  	_ =	shalt  }
.Lfunc_end0:
.L_simem_size_0:
called_computation.2_lowered:
.L_overlay_start_0:
0x88: {  	s2 =	sld [smem:$0x3FD9]  }
0x89: {  	s3 =	sld [smem:$0x3FFE];
	_ =	sdelay $0x1  }
0x8a: {  	s1 =	srdreg.scid  }
0x8b: {  	s0 =	sand.u32 $0x1, s1  }
0x8c: {  	s16 =	sshll.u32 s0, $0xA;
	s2 =	sadd.s32 s3, s2  }
0x8d: {  	s2 =	sadd.s32 s2, s16  }
0x8e: {  	[smem:$0x3FBD] =	sst s2  }
0x8f: {  	_ = 	snop  }
0x90: {  	(tm) =	ssettm $0x1  }
0x91: {  	s17 =	sld [smem:$0x3FFB];
	_ =	sdelay $0x3  }
0x92: {  	_ =	strace s17  }
0x93: {  	s2 =	sld [smem:$0x3FFC];
	_ =	sdelay $0x3  }
0x94: {  	_ =	strace s2  }
0x95: {  	s2 =	sld [smem:$0x3FFD];
	_ =	sdelay $0x3  }
0x96: {  	_ =	strace s2  }
0x97: {  	_ =	strace $0x8FFFFFFF  }
0x98: {  	s18 =	sld [smem:$0x3FDB];
	_ =	sdelay $0x1  }
0x99: {  	s19 =	simm.s32 $_scs_section_size  }
0x9a: {  	s4 =	simm.s32 $_size__tile_overlayer_lowered;
	s5 =	simm.s32 $_tile_overlayer_lowered  }
0x9b: {  	s22 =	simm.s32 $0x1BFF;
	s21 =	sshll.u32 s5, $0x1;
	s2 =	sadd.s32 s19, s18  }
0x9c: {  	s6 =	simm.s32 $0x0;
	s20 =	sshll.u32 s4, $0x1;
	s4 =	sadd.s32 s21, s2  }
0x9d: {  	[timem:s6], [sflag:s22] =	dma.local [hbm:s4], s20  }
0x9e: {  	_ =	swait.ge [sflag:s22], s20  }
0x9f: {  	s3 =	ssub.s32 $0x0, s20;
	[sflag:s22] =	ssyncset.done $0x0  }
0xa0: {  	[sflag:s22] =	ssyncadd.s32 s3;
	_ =	sdelay $0x1  }
0xa1: {  	s23 =	simm.s32 $0x1B8B  }
0xa2: {  	_ =	swait.ge [sflag:s23], $0x1  }
0xa3: {  	[sflag:s23] =	ssyncset.done $0x0  }
0xa4: {  	s25 =	simm.s32 $0x1B8E;
	s24 =	sld [smem:$0x3FFE];
	[sflag:s23] =	ssyncadd.s32 $0xFFFFFFFF  }
0xa5: {  	s26 =	simm.s32 $execute0_lowered;
	[smem:$0x3FD2] =	sst s25  }
0xa6: {  	s4 =	sshll.u32 s26, $0x1;
	_ =	strace $0x8000004C;
	[dreg:$0x1] =	wrdreg $0xFFFFFFFF  }
0xa7: {  	s28 =	simm.s32 $_size_execute0_lowered;
	s2 =	sadd.s32 s2, s4;
	[dreg:$0x0] =	wrdreg $0x0  }
0xa8: {  	s4 =	sshll.u32 s28, $0x1;
	[dreg:$0x2] =	wrdreg s2  }
0xa9: {  	[dreg:$0x3] =	wrdreg s4  }
0xaa: {  	[dreg:$0x4] =	wrdreg $0xC0  }
0xab: {  	_ =	task [dreg:s6], $0x5FFFF  }
0xac: {  	[dreg:$0x1] =	wrdreg $0xFFFFFFFF  }
0xad: {  	[dreg:$0x0] =	wrdreg $0x60  }
0xae: {  	[dreg:$0x2] =	wrdreg s24  }
0xaf: {  	[dreg:$0x3] =	wrdreg $0xAE000  }
0xb0: {  	[dreg:$0x4] =	wrdreg $0x9  }
0xb1: {  	_ =	task.clear_ibuf [dreg:s6], $0x5FFFF;
	_ =	strace $0x9000004C  }
0xb2: {  	s29 =	simm.s32 $0x9;
	_ =	strace $0x8000004E  }
0xb3: {  	_ =	swait.ge [sflag:s29], $0x1  }
0xb4: {  	[sflag:s29] =	ssyncadd.s32 $0xFFFFFFFF  }
0xb5: {  	_ =	strace $0x9000004E  }
0xb6: {  	_ =	sfence  }
0xb7: {  	s30 =	sld [smem:$0x0];
	_ =	sdelay $0x2  }
0xb8: {  	s31 =	sshll.u32 s1, $0xD;
	s1 =	sshrl.u32 s1, $0x2  }
0xb9: {  	s3 =	sand.u32 $0x4000, s31;
	s1 =	sadd.s32 s1, s30  }
0xba: {  	s0 =	sor.u32 s3, s0;
	s1 =	sshll.u32 s1, $0x11  }
0xbb: {  	s0 =	sor.u32 s1, s0  }
0xbc: {  	s0 =	sadd.s32 $0x8F2B, s0  }
0xbd: {  	[sflag:s0] =	ssyncadd.remote.s32 $0x1  }
0xbe: {  	_ =	sfence.sel $0xFFFF  }
0xbf: {  	[dreg:$0x0] =	wrdreg $0xFFFFFFFF;
	(pc) =	sbr.abs _section_cstart, $3  }
0xc0: {  	[dreg:$0x1] =	wrdreg $0xFFFFFFFF  }
0xc1: {  	_ =	task.clear_ibuf [dreg:s6], $0x2FFFF;
	_ =	strace $0x9FFFFFFF  }
0xc2: {  	(tm) =	ssettm $0x7FFFFFFF  }
0xc3: {  	_ =	shalt  }
tec
execute0_lowered:
.L_overlay_start_1:
0x0: {  	(tag) =	ssettag $0x1  }
0x1: {  	s5 =	rddreg [dreg:$0x0]  }
0x2: {  	s2 =	rddreg [dreg:$0x1]  }
0x3: {  	s0 =	rddreg [dreg:$0x2];
	s1 =	stileid.u32  }
0x4: {  	s4 =	srdreg.scid;
	s3 =	simm.s32 $0x0;
	s16 =	simm.s32 $0x80  }
0x5: {  	s17 =	simm.s32 $0x6E00;
	s18 =	simm.s32 $0x1;
	s19 =	simm.s32 $0x8E00  }
0x6: {  	s20 =	simm.s32 $0x2;
	s21 =	simm.s32 $0x3;
	s22 =	simm.s32 $0x4  }
0x7: {  	s23 =	simm.s32 $0x0;
	s6 =	smul.u32 $0xA000, s1;
	s7 =	sand.u32 $0x1, s4  }
0x8: {  	[smem:$0x7FF] =	sst s3;
	s4 =	sadd.s32 $0x4E600, s5;
	s28 =	smul.u32 $0x1900, s1  }
0x9: {  	s9 =	sadd.s32 $0x1C600, s5;
	s10 =	sadd.s32 $0x3400, s5;
	s30 =	smul.u32 $0x6E0, s1  }
0xa: {  	s29 =	sshll.u32 s1, $0x6;
	s8 =	smul.u32 $0xA0000, s7;
	_ =	strace $0x8000004D  }
0xb: {  	s12 =	ssub.s32 $0x2, s7;
	p0 =	seq.s32 s7, $0x1;
	s11 =	sshrl.u32 s6, $0x3  }
0xc: {  	s26 =	sshrl.u32 s12, $0x1;
	s14 =	sadd.s32 s6, s2;
	s15 =	sshrl.u32 s28, $0x3  }
0xd: {  	s7 =	sadd.s32 s9, s30;
	s8 =	sadd.s32 s6, s8;
	s11 =	sadd.s32 s11, s5  }
.Ltmp0:
0xe: {  	s12 =	ssub.s32 s12, s26;
	s6 =	sor.u32 $0x1C05, s29;
	(pc) =	sbr.rel .LBB2_1-.Ltmp0, $4  }
0xf: {  	s31 =	sadd.s32 $0x6E00, s15;
	s15 =	simm.s32 $0x3700;
	s8 =	sshrl.u32 s8, $0x3  }
0x10: {  	s9 =	sadd.s32 s9, s31;
	s12 =	smax.u32 s12, $0x1;
	s13 =	sadd.s32 s8, s5  }
0x11: {  	s5 =	sadd.s32 $0x62600, s11;
	s8 =	sadd.s32 s10, s30;
	s10 =	sadd.s32 s10, s31  }
0x12: {  	s11 =	sadd.s32 $0x76600, s13;
	s13 =	sshrl.u32 s14, $0x3;
	s14 =	simm.s32 $0x5  }
.LBB2_4:
0x13: {  	[tilespmem:s19], [sflag:$0x2] =	stream.indirect.gather [hbm4b:s4+s16], $0x40, s25, s16, $0xb8;
	[tilespmem:$0x14E00] =	vst v63  }
0x14: {  	s24 =	simm.s32 $0x6D80  }
.LBB2_8:
0x15: {  	_ =	swait.ge [sflag:s20], $0x2000  }
0x16: {  	[sflag:s20] =	ssyncset.done $0x0  }
0x17: {  	[sflag:s20] =	ssyncadd.s32 $0xFFFFE000  }
0x18: {  	[spmem:s2] =	stream.indirect.scatter.add.f32 [tilespmem:s19], [sflag:$0x4], $0x40, s24, s16, $0xb8;
	[tilespmem:$0x14E00] =	vst v63  }
0x19: {  	_ =	swait.ge [sflag:s21], $0x2000  }
0x1a: {  	[sflag:s21] =	ssyncset.done $0x0  }
0x1b: {  	[sflag:s21] =	ssyncadd.s32 $0xFFFFE000  }
0x1c: {  	_ =	swait.ge [sflag:s22], $0x2000  }
0x1d: {  	s23 =	sadd.s32 $0x1, s23;
	[sflag:s22] =	ssyncset.done $0x0  }
0x1e: {  	p1 =	sne.s32 s23, s12;
	[sflag:s22] =	ssyncadd.s32 $0xFFFFE000  }
.Ltmp1:
0x1f: {  	[bflag:$0x0] =	sbarrier.arrive $0xFFFF;
	(pc) =	sbr.rel @!p1 .LBB2_9-.Ltmp1, $4  }
0x20: {  	[hbm:s11], [sflag:s6] =	dma.local [spmem:s13], $0x1400  }
0x21: {  	_ =	swait.ge [sflag:s14], $0x1400  }
0x22: {  	[sflag:s14] =	ssyncset.done $0x0  }
0x23: {  	[sflag:s14] =	ssyncadd.s32 $0xFFFFEC00  }
.LBB2_1:
0x24: {  	[spmem:s13], [sflag:s6] =	dma.local [hbm:s5], $0x1400  }
.Ltmp2:
0x25: {  	_ =	swait.ge [sflag:s14], $0x1400;
	(pc) =	sbr.rel @!p0 .LBB2_2-.Ltmp2, $3  }
0x26: {  	[sflag:s14] =	ssyncset.done $0x0  }
0x27: {  	[sflag:s14] =	ssyncadd.s32 $0xFFFFEC00  }
0x28: {  	[bflag:$0x0] =	sbarrier.arrive $0xFFFF;
	_ =	sdelay $0x1  }
0x29: {  	[tilespmem:s3], [sflag:$0x5] =	stream.linear.gather [hbm4b:s9+s3], $0x1900, $0x38;
	[tilespmem:$0x14E00] =	vst v63  }
0x2a: {  	_ =	swait.ge [sflag:s14], $0x1900  }
0x2b: {  	[sflag:s14] =	ssyncset.done $0x0  }
0x2c: {  	[sflag:s14] =	ssyncadd.s32 $0xFFFFE700  }
0x2d: {  	[tilespmem:s15], [sflag:$0x5] =	stream.linear.gather [hbm4b:s10+s3], $0x1900, $0x38;
	[tilespmem:$0x14E00] =	vst v63  }
0x2e: {  	_ =	swait.ge [sflag:s14], $0x1900  }
0x2f: {  	[sflag:s14] =	ssyncset.done $0x0  }
0x30: {  	[sflag:s14] =	ssyncadd.s32 $0xFFFFE700  }
0x31: {  	[tilespmem:s17], [sflag:$0x1] =	stream.indirect.gather [hbm4b:s4+s16], $0x40, s3, s16, $0xb8;
	[tilespmem:$0x14E00] =	vst v63  }
0x32: {  	_ =	swait.ge [sflag:s18], $0x2000  }
0x33: {  	[sflag:s18] =	ssyncset.done $0x0  }
0x34: {  	[sflag:s18] =	ssyncadd.s32 $0xFFFFE000  }
0x35: {  	[spmem:s2] =	stream.indirect.scatter.add.f32 [tilespmem:s17], [sflag:$0x3], $0x40, s15, s16, $0xb8;
	[tilespmem:$0x14E00] =	vst v63  }
0x36: {  	_ = 	snop  }
0x37: {  	[tilespmem:s19], [sflag:$0x2] =	stream.indirect.gather [hbm4b:s4+s16], $0x40, s16, s16, $0xb8;
	[tilespmem:$0x14E00] =	vst v63  }
0x38: {  	_ =	swait.ge [sflag:s20], $0x2000  }
0x39: {  	[sflag:s20] =	ssyncset.done $0x0  }
0x3a: {  	s24 =	simm.s32 $0x3780;
	[sflag:s20] =	ssyncadd.s32 $0xFFFFE000  }
0x3b: {  	[spmem:s2] =	stream.indirect.scatter.add.f32 [tilespmem:s19], [sflag:$0x4], $0x40, s24, s16, $0xb8;
	[tilespmem:$0x14E00] =	vst v63  }
0x3c: {  	_ =	swait.ge [sflag:s21], $0x2000  }
0x3d: {  	[sflag:s21] =	ssyncset.done $0x0  }
0x3e: {  	s30 =	simm.s32 $0x100;
	[sflag:s21] =	ssyncadd.s32 $0xFFFFE000  }
0x3f: {  	[tilespmem:s17], [sflag:$0x1] =	stream.indirect.gather [hbm4b:s4+s16], $0x40, s30, s16, $0xb8;
	[tilespmem:$0x14E00] =	vst v63  }
0x40: {  	_ =	swait.ge [sflag:s18], $0x2000  }
0x41: {  	[sflag:s18] =	ssyncset.done $0x0  }
0x42: {  	s31 =	simm.s32 $0x3800;
	[sflag:s18] =	ssyncadd.s32 $0xFFFFE000  }
0x43: {  	[spmem:s2] =	stream.indirect.scatter.add.f32 [tilespmem:s17], [sflag:$0x3], $0x40, s31, s16, $0xb8;
	[tilespmem:$0x14E00] =	vst v63  }
0x44: {  	_ =	swait.ge [sflag:s22], $0x2000  }
0x45: {  	[sflag:s22] =	ssyncset.done $0x0  }
0x46: {  	s25 =	simm.s32 $0x180;
	s24 =	simm.s32 $0xFFFFA400;
	[sflag:s22] =	ssyncadd.s32 $0xFFFFE000  }
.LBB2_6:
0x47: {  	[tilespmem:s19], [sflag:$0x2] =	stream.indirect.gather [hbm4b:s4+s16], $0x40, s25, s16, $0xb8;
	[tilespmem:$0x14E00] =	vst v63  }
0x48: {  	s25 =	smov.u32 s24  }
0x49: {  	p1 =	sne.s32 s24, $0xFFFFFC00;
	s24 =	sadd.s32 $0x400, s24;
	_ =	swait.ge [sflag:s20], $0x2000  }
0x4a: {  	s25 =	sshra.s32 s25, $0x2;
	[sflag:s20] =	ssyncset.done $0x0  }
0x4b: {  	s26 =	sadd.s32 $0x4F80, s25;
	[sflag:s20] =	ssyncadd.s32 $0xFFFFE000  }
0x4c: {  	[spmem:s2] =	stream.indirect.scatter.add.f32 [tilespmem:s19], [sflag:$0x4], $0x40, s26, s16, $0xb8;
	[tilespmem:$0x14E00] =	vst v63  }
0x4d: {  	_ =	swait.ge [sflag:s21], $0x2000  }
0x4e: {  	[sflag:s21] =	ssyncset.done $0x0  }
0x4f: {  	s26 =	sadd.s32 $0x1900, s25;
	[sflag:s21] =	ssyncadd.s32 $0xFFFFE000  }
0x50: {  	[tilespmem:s17], [sflag:$0x1] =	stream.indirect.gather [hbm4b:s4+s16], $0x40, s26, s16, $0xb8;
	[tilespmem:$0x14E00] =	vst v63  }
0x51: {  	_ =	swait.ge [sflag:s18], $0x2000  }
0x52: {  	[sflag:s18] =	ssyncset.done $0x0  }
.Ltmp3:
0x53: {  	s26 =	sadd.s32 $0x5000, s25;
	[sflag:s18] =	ssyncadd.s32 $0xFFFFE000;
	(pc) =	sbr.rel @p1 .LBB2_6-.Ltmp3, $4  }
0x54: {  	[spmem:s2] =	stream.indirect.scatter.add.f32 [tilespmem:s17], [sflag:$0x3], $0x40, s26, s16, $0xb8;
	[tilespmem:$0x14E00] =	vst v63  }
0x55: {  	_ =	swait.ge [sflag:s22], $0x2000  }
0x56: {  	[sflag:s22] =	ssyncset.done $0x0  }
0x57: {  	s25 =	sadd.s32 $0x1980, s25;
	[sflag:s22] =	ssyncadd.s32 $0xFFFFE000  }
.Ltmp4:
0x58: {  	(pc) =	sbr.rel .LBB2_8-.Ltmp4, $3  }
0x59: {  	_ =	sdelay $0x1  }
0x5a: {  	[tilespmem:s19], [sflag:$0x2] =	stream.indirect.gather [hbm4b:s4+s16], $0x40, s25, s16, $0xb8;
	[tilespmem:$0x14E00] =	vst v63  }
0x5b: {  	s24 =	simm.s32 $0x4F80  }
.LBB2_2:
0x5c: {  	[tilespmem:s3], [sflag:$0x5] =	stream.linear.gather [hbm4b:s7+s3], $0x3700, $0x38;
	[tilespmem:$0x14E00] =	vst v63  }
0x5d: {  	_ =	swait.ge [sflag:s14], $0x3700  }
0x5e: {  	[sflag:s14] =	ssyncset.done $0x0  }
0x5f: {  	[sflag:s14] =	ssyncadd.s32 $0xFFFFC900  }
0x60: {  	[tilespmem:s15], [sflag:$0x5] =	stream.linear.gather [hbm4b:s8+s3], $0x3700, $0x38;
	[tilespmem:$0x14E00] =	vst v63  }
0x61: {  	_ =	swait.ge [sflag:s14], $0x3700  }
0x62: {  	[sflag:s14] =	ssyncset.done $0x0  }
0x63: {  	[sflag:s14] =	ssyncadd.s32 $0xFFFFC900  }
0x64: {  	[tilespmem:s17], [sflag:$0x1] =	stream.indirect.gather [hbm4b:s4+s16], $0x40, s3, s16, $0xb8;
	[tilespmem:$0x14E00] =	vst v63  }
0x65: {  	_ =	swait.ge [sflag:s18], $0x2000  }
0x66: {  	[sflag:s18] =	ssyncset.done $0x0  }
0x67: {  	[sflag:s18] =	ssyncadd.s32 $0xFFFFE000  }
0x68: {  	[spmem:s2] =	stream.indirect.scatter.add.f32 [tilespmem:s17], [sflag:$0x3], $0x40, s15, s16, $0xb8;
	[tilespmem:$0x14E00] =	vst v63  }
0x69: {  	_ = 	snop  }
0x6a: {  	[tilespmem:s19], [sflag:$0x2] =	stream.indirect.gather [hbm4b:s4+s16], $0x40, s16, s16, $0xb8;
	[tilespmem:$0x14E00] =	vst v63  }
0x6b: {  	_ =	swait.ge [sflag:s20], $0x2000  }
0x6c: {  	[sflag:s20] =	ssyncset.done $0x0  }
0x6d: {  	s24 =	simm.s32 $0x3780;
	[sflag:s20] =	ssyncadd.s32 $0xFFFFE000  }
0x6e: {  	[spmem:s2] =	stream.indirect.scatter.add.f32 [tilespmem:s19], [sflag:$0x4], $0x40, s24, s16, $0xb8;
	[tilespmem:$0x14E00] =	vst v63  }
0x6f: {  	_ =	swait.ge [sflag:s21], $0x2000  }
0x70: {  	[sflag:s21] =	ssyncset.done $0x0  }
0x71: {  	s30 =	simm.s32 $0x100;
	[sflag:s21] =	ssyncadd.s32 $0xFFFFE000  }
0x72: {  	[tilespmem:s17], [sflag:$0x1] =	stream.indirect.gather [hbm4b:s4+s16], $0x40, s30, s16, $0xb8;
	[tilespmem:$0x14E00] =	vst v63  }
0x73: {  	_ =	swait.ge [sflag:s18], $0x2000  }
0x74: {  	p1 =	por $0x0, $0x0;
	[sflag:s18] =	ssyncset.done $0x0  }
.Ltmp5:
0x75: {  	s31 =	simm.s32 $0x3800;
	[sflag:s18] =	ssyncadd.s32 $0xFFFFE000;
	(pc) =	sbr.rel @p1 .LBB2_4-.Ltmp5, $4  }
0x76: {  	[spmem:s2] =	stream.indirect.scatter.add.f32 [tilespmem:s17], [sflag:$0x3], $0x40, s31, s16, $0xb8;
	[tilespmem:$0x14E00] =	vst v63  }
0x77: {  	_ =	swait.ge [sflag:s22], $0x2000  }
0x78: {  	[sflag:s22] =	ssyncset.done $0x0  }
0x79: {  	s25 =	simm.s32 $0x180;
	s24 =	simm.s32 $0xFFFF2C00;
	[sflag:s22] =	ssyncadd.s32 $0xFFFFE000  }
.LBB2_3:
0x7a: {  	[tilespmem:s19], [sflag:$0x2] =	stream.indirect.gather [hbm4b:s4+s16], $0x40, s25, s16, $0xb8;
	[tilespmem:$0x14E00] =	vst v63  }
0x7b: {  	s25 =	smov.u32 s24  }
0x7c: {  	p1 =	seq.s32 s24, $0xFFFFFC00;
	s24 =	sadd.s32 $0x400, s24;
	_ =	swait.ge [sflag:s20], $0x2000  }
0x7d: {  	s25 =	sshra.s32 s25, $0x2;
	[sflag:s20] =	ssyncset.done $0x0  }
0x7e: {  	s26 =	sadd.s32 $0x6D80, s25;
	[sflag:s20] =	ssyncadd.s32 $0xFFFFE000  }
0x7f: {  	[spmem:s2] =	stream.indirect.scatter.add.f32 [tilespmem:s19], [sflag:$0x4], $0x40, s26, s16, $0xb8;
	[tilespmem:$0x14E00] =	vst v63  }
0x80: {  	_ =	swait.ge [sflag:s21], $0x2000  }
0x81: {  	[sflag:s21] =	ssyncset.done $0x0  }
0x82: {  	s26 =	sadd.s32 $0x3700, s25;
	[sflag:s21] =	ssyncadd.s32 $0xFFFFE000  }
0x83: {  	[tilespmem:s17], [sflag:$0x1] =	stream.indirect.gather [hbm4b:s4+s16], $0x40, s26, s16, $0xb8;
	[tilespmem:$0x14E00] =	vst v63  }
0x84: {  	_ =	swait.ge [sflag:s18], $0x2000  }
0x85: {  	[sflag:s18] =	ssyncset.done $0x0  }
.Ltmp6:
0x86: {  	s26 =	sadd.s32 $0x6E00, s25;
	[sflag:s18] =	ssyncadd.s32 $0xFFFFE000;
	(pc) =	sbr.rel @!p1 .LBB2_3-.Ltmp6, $4  }
0x87: {  	[spmem:s2] =	stream.indirect.scatter.add.f32 [tilespmem:s17], [sflag:$0x3], $0x40, s26, s16, $0xb8;
	[tilespmem:$0x14E00] =	vst v63  }
0x88: {  	_ =	swait.ge [sflag:s22], $0x2000  }
0x89: {  	[sflag:s22] =	ssyncset.done $0x0  }
0x8a: {  	s25 =	sadd.s32 $0x3780, s25;
	[sflag:s22] =	ssyncadd.s32 $0xFFFFE000  }
.Ltmp7:
0x8b: {  	_ = 	snop;
	(pc) =	sbr.rel .LBB2_4-.Ltmp7, $1  }
0x8c: {  	_ =	sdelay $0x3  }
.LBB2_9:
0x8d: {  	_ =	sfence.sel $0x180000  }
0x8e: {  	[bflag:$0x0] =	sbarrier.arrive $0xFFFF  }
0x8f: {  	p0 =	sne.s32 s1, $0x0;
	_ =	strace $0x9000004D  }
0x90: {  	s0 =	sadd.s32 @!p0 $0x100000, s0;
	[bflag:$0x2] =	sbarrier.arrive $0xFFFF  }
0x91: {  	[sflag:s0] =	ssyncadd.tile.s32 @!p0 $0x1;
	_ =	shalt  }
.Lfunc_end2:
_tile_overlayer_lowered:
.L_overlay_start_2:
0x92: {  	(tag) =	ssettag $0x2  }
0x93: {  	s0 =	rddreg [dreg:$0x0];
	s2 =	stileid.u32  }
0x94: {  	s1 =	rddreg [dreg:$0x1];
	p0 =	sne.s32 s2, $0x0  }
0x95: {  	s3 =	rddreg [dreg:$0x2];
	[bflag:$0x3] =	sbarrier.arrive $0xFFFF;
	s2 =	simm.s32 @!p0 $0x1C05  }
0x96: {  	[timem:s3], [sflag:s2] =	dma.local @!p0 [hbm:s0], s1  }
0x97: {  	s0 =	simm.s32 @!p0 $0x5  }
0x98: {  	_ =	swait.ge @!p0 [sflag:s0], s1  }
0x99: {  	s1 =	ssub.s32 @!p0 $0x0, s1;
	[sflag:s0] =	ssyncset.done @!p0 $0x0  }
0x9a: {  	[sflag:s0] =	ssyncadd.s32 @!p0 s1  }
0x9b: {  	[bflag:$0x3] =	sbarrier.arrive $0xFFFF  }
0x9c: {  	_ =	shalt  }

// kernel: kernel.19.cloned.1.call-start
scs
__scs_entry_jumppad:
0x0: {  	(pc) =	sbr.rel $0x88, $3  }
0x1: {  	(tag) =	ssettag $0x0;
	lr =	simm.s32 $0x1  }
0x2: {  	[smem:$0x3F96] =	sst lr;
	_ =	strace $0xD0000000  }
0x3: {  	_ = 	snop  }
0x4: {  	_ = 	snop  }
0x5: {  	_ = 	snop  }
0x6: {  	_ = 	snop  }
0x7: {  	_ = 	snop  }
__scs_overlays_trampoline_lowered:
0x8: {  	[smem:$0x3FA5] =	sst s0  }
0x9: {  	[smem:$0x3FA6] =	sst s1  }
0xa: {  	[smem:$0x3FA7] =	sst s2  }
0xb: {  	[smem:$0x3FA8] =	sst s3  }
0xc: {  	[smem:$0x3FA9] =	sst s4  }
0xd: {  	[smem:$0x3FAA] =	sst s5  }
0xe: {  	[smem:$0x3FAB] =	sst s6  }
0xf: {  	[smem:$0x3FAC] =	sst s7  }
0x10: {  	[smem:$0x3FAD] =	sst s8  }
0x11: {  	[smem:$0x3FAE] =	sst s9;
	s0 =	simm.s32 @!p0 $0x0  }
0x12: {  	s1 =	sld [smem:$0x3F94];
	s0 =	simm.s32 @p0 $0x1  }
0x13: {  	[smem:$0x3FAF] =	sst s0;
	s0 =	simm.s32 @!p1 $0x0  }
0x14: {  	s2 =	sld [smem:$0x3F93];
	s0 =	simm.s32 @p1 $0x1  }
0x15: {  	[smem:$0x3FB0] =	sst s0;
	s0 =	simm.s32 @!p2 $0x0  }
0x16: {  	s3 =	sld [smem:$0x3FDB];
	s0 =	simm.s32 @p2 $0x1  }
0x17: {  	s4 =	simm.s32 $0x1BF5;
	[smem:$0x3FB2] =	sst s0  }
0x18: {  	s0 =	sld [smem:$0x3F95];
	_ =	swait.ge [sflag:s4], $0x0  }
0x19: {  	s7 =	sld [smem:$0x3F96]  }
0x1a: {  	s8 =	sadd.s32 $0xFFFFE003, lr  }
0x1b: {  	s9 =	sadd.s32 $0xFFFFFEF7, lr;
	s5 =	simm.s32 $0xFFFFFFFF;
	p2 =	slt.u32 s8, $0xFFFFF086  }
0x1c: {  	p1 =	slt.u32 s9, $0xF7A;
	s5 =	simm.s32 @!p2 $0x0  }
0x1d: {  	s5 =	simm.s32 @p1 $0x1;
	p0 =	seq.s32 s7, s2  }
0x1e: {  	s7 =	smul.u32 @!p0 $0xF7A, s2;
	p2 =	seq.s32 @!p0 s5, $0x0  }
0x1f: {  	s9 =	smul.u32 $0xF7A, s1;
	s8 =	simm.s32 @!p0 $0x1BF5;
	p2 =	por !p2, p0  }
0x20: {  	[sflag:s8] =	ssyncset.s32 @!p0 $0xFFFFF086;
	s6 =	sadd.s32 @!p0 s3, s7;
	s7 =	simm.s32 @!p0 $0x108  }
0x21: {  	s3 =	sadd.s32 s3, s9;
	s6 =	sadd.s32 @!p0 $0x88, s6;
	s7 =	simm.s32 @p2 $0x1082  }
0x22: {  	[simem:s7], [sflag:s8] =	dma.local @!p0 [hbm:s6], $0xF7A  }
0x23: {  	s9 =	sor.u32 $0xD0000000, s2;
	s6 =	simm.s32 $0x108;
	_ =	swait.ge @!p0 [sflag:s8], $0x0  }
0x24: {  	s3 =	sadd.s32 $0x88, s3;
	s6 =	simm.s32 @!p1 $0x1082;
	[sflag:s4] =	ssyncset.s32 $0xFFFFF086  }
0x25: {  	[simem:s6], [sflag:s4] =	dma.local [hbm:s3], $0xF7A  }
0x26: {  	[smem:$0x3F96] =	sst s1;
	(tag) =	ssettag s2;
	_ =	strace s9  }
0x27: {  	s1 =	sld [smem:$0x3FA6]  }
0x28: {  	s2 =	sld [smem:$0x3FA7]  }
0x29: {  	s4 =	sld [smem:$0x3FA9]  }
0x2a: {  	p0 =	seq.s32 s5, $0x0;
	s5 =	sld [smem:$0x3FAA]  }
0x2b: {  	s6 =	sld [smem:$0x3FAB]  }
0x2c: {  	s7 =	sld [smem:$0x3FAC]  }
0x2d: {  	s3 =	simm.s32 $0x108;
	s8 =	sld [smem:$0x3FAD]  }
0x2e: {  	s3 =	simm.s32 @!p0 $0x1082;
	s9 =	sld [smem:$0x3FAE]  }
0x2f: {  	lr =	sadd.s32 s0, s3;
	s0 =	sld [smem:$0x3FA5]  }
0x30: {  	s3 =	sld [smem:$0x3FA8]  }
0x31: {  	[smem:$0x3FB1] =	sst s10  }
0x32: {  	s10 =	sld [smem:$0x3FAF];
	_ =	sdelay $0x3  }
0x33: {  	p0 =	seq.s32 s10, $0x1;
	s10 =	sld [smem:$0x3FB1];
	_ =	sdelay $0x3  }
0x34: {  	[smem:$0x3FB1] =	sst s10  }
0x35: {  	s10 =	sld [smem:$0x3FB0];
	_ =	sdelay $0x3  }
0x36: {  	p1 =	seq.s32 s10, $0x1;
	s10 =	sld [smem:$0x3FB1];
	_ =	sdelay $0x3  }
0x37: {  	[smem:$0x3FB1] =	sst s10  }
0x38: {  	s10 =	sld [smem:$0x3FB2]  }
0x39: {  	_ = 	snop;
	(pc) =	sbr.ind lr, $3  }
0x3a: {  	_ = 	snop  }
0x3b: {  	_ = 	snop  }
0x3c: {  	p2 =	seq.s32 s10, $0x1;
	s10 =	sld [smem:$0x3FB1]  }
0x3d: {  	_ =	shalt  }
0x3e: {  	_ =	shalt  }
0x3f: {  	_ =	shalt  }
0x40: {  	_ =	shalt  }
0x41: {  	_ =	shalt  }
0x42: {  	_ =	shalt  }
0x43: {  	_ =	shalt  }
0x44: {  	_ =	shalt  }
0x45: {  	_ =	shalt  }
0x46: {  	_ =	shalt  }
0x47: {  	_ =	shalt  }
0x48: {  	_ =	shalt  }
0x49: {  	_ =	shalt  }
0x4a: {  	_ =	shalt  }
0x4b: {  	_ =	shalt  }
0x4c: {  	_ =	shalt  }
0x4d: {  	_ =	shalt  }
0x4e: {  	_ =	shalt  }
0x4f: {  	_ =	shalt  }
0x50: {  	_ =	shalt  }
0x51: {  	_ =	shalt  }
0x52: {  	_ =	shalt  }
0x53: {  	_ =	shalt  }
0x54: {  	_ =	shalt  }
0x55: {  	_ =	shalt  }
0x56: {  	_ =	shalt  }
0x57: {  	_ =	shalt  }
0x58: {  	_ =	shalt  }
0x59: {  	_ =	shalt  }
0x5a: {  	_ =	shalt  }
0x5b: {  	_ =	shalt  }
0x5c: {  	_ =	shalt  }
0x5d: {  	_ =	shalt  }
0x5e: {  	_ =	shalt  }
0x5f: {  	_ =	shalt  }
0x60: {  	_ =	shalt  }
0x61: {  	_ =	shalt  }
0x62: {  	_ =	shalt  }
0x63: {  	_ =	shalt  }
0x64: {  	_ =	shalt  }
0x65: {  	_ =	shalt  }
0x66: {  	_ =	shalt  }
0x67: {  	_ =	shalt  }
0x68: {  	_ =	shalt  }
0x69: {  	_ =	shalt  }
0x6a: {  	_ =	shalt  }
0x6b: {  	_ =	shalt  }
0x6c: {  	_ =	shalt  }
0x6d: {  	_ =	shalt  }
0x6e: {  	_ =	shalt  }
0x6f: {  	_ =	shalt  }
0x70: {  	_ =	shalt  }
0x71: {  	_ =	shalt  }
0x72: {  	_ =	shalt  }
0x73: {  	_ =	shalt  }
0x74: {  	_ =	shalt  }
0x75: {  	_ =	shalt  }
0x76: {  	_ =	shalt  }
0x77: {  	_ =	shalt  }
0x78: {  	_ =	shalt  }
0x79: {  	_ =	shalt  }
0x7a: {  	_ =	shalt  }
0x7b: {  	_ =	shalt  }
0x7c: {  	_ =	shalt  }
0x7d: {  	_ =	shalt  }
0x7e: {  	_ =	shalt  }
0x7f: {  	_ =	shalt  }
0x80: {  	_ =	shalt  }
0x81: {  	_ =	shalt  }
0x82: {  	_ =	shalt  }
0x83: {  	_ =	shalt  }
0x84: {  	_ =	shalt  }
0x85: {  	_ =	shalt  }
0x86: {  	_ =	shalt  }
0x87: {  	_ =	shalt  }
.Lfunc_end0:
.L_simem_size_0:
called_computation.3_lowered:
.L_overlay_start_0:
0x88: {  	s2 =	sld [smem:$0x3FD9]  }
0x89: {  	s3 =	sld [smem:$0x3FFE];
	_ =	sdelay $0x1  }
0x8a: {  	s1 =	srdreg.scid  }
0x8b: {  	s0 =	sand.u32 $0x1, s1  }
0x8c: {  	s16 =	sshll.u32 s0, $0xA;
	s2 =	sadd.s32 s3, s2  }
0x8d: {  	s2 =	sadd.s32 s2, s16  }
0x8e: {  	[smem:$0x3FBD] =	sst s2  }
0x8f: {  	_ = 	snop  }
0x90: {  	(tm) =	ssettm $0x1  }
0x91: {  	s17 =	sld [smem:$0x3FFB];
	_ =	sdelay $0x3  }
0x92: {  	_ =	strace s17  }
0x93: {  	s2 =	sld [smem:$0x3FFC];
	_ =	sdelay $0x3  }
0x94: {  	_ =	strace s2  }
0x95: {  	s2 =	sld [smem:$0x3FFD];
	_ =	sdelay $0x3  }
0x96: {  	_ =	strace s2  }
0x97: {  	_ =	strace $0x8FFFFFFF  }
0x98: {  	s18 =	sld [smem:$0x3FDB];
	_ =	sdelay $0x1  }
0x99: {  	s19 =	simm.s32 $_scs_section_size  }
0x9a: {  	s4 =	simm.s32 $_size__tile_overlayer_lowered;
	s5 =	simm.s32 $_tile_overlayer_lowered  }
0x9b: {  	s22 =	simm.s32 $0x1BFF;
	s21 =	sshll.u32 s5, $0x1;
	s2 =	sadd.s32 s19, s18  }
0x9c: {  	s6 =	simm.s32 $0x0;
	s20 =	sshll.u32 s4, $0x1;
	s4 =	sadd.s32 s21, s2  }
0x9d: {  	[timem:s6], [sflag:s22] =	dma.local [hbm:s4], s20  }
0x9e: {  	_ =	swait.ge [sflag:s22], s20  }
0x9f: {  	s3 =	ssub.s32 $0x0, s20;
	[sflag:s22] =	ssyncset.done $0x0  }
0xa0: {  	[sflag:s22] =	ssyncadd.s32 s3;
	_ =	sdelay $0x1  }
0xa1: {  	s23 =	simm.s32 $0x1B8B  }
0xa2: {  	_ =	swait.ge [sflag:s23], $0x1  }
0xa3: {  	[sflag:s23] =	ssyncset.done $0x0  }
0xa4: {  	s25 =	simm.s32 $0x1B8E;
	s24 =	sld [smem:$0x3FFE];
	[sflag:s23] =	ssyncadd.s32 $0xFFFFFFFF  }
0xa5: {  	s26 =	simm.s32 $execute0_lowered;
	[smem:$0x3FD2] =	sst s25  }
0xa6: {  	s4 =	sshll.u32 s26, $0x1;
	_ =	strace $0x8000004F;
	[dreg:$0x1] =	wrdreg $0xFFFFFFFF  }
0xa7: {  	s28 =	simm.s32 $_size_execute0_lowered;
	s2 =	sadd.s32 s2, s4;
	[dreg:$0x0] =	wrdreg $0x0  }
0xa8: {  	s4 =	sshll.u32 s28, $0x1;
	[dreg:$0x2] =	wrdreg s2  }
0xa9: {  	[dreg:$0x3] =	wrdreg s4  }
0xaa: {  	[dreg:$0x4] =	wrdreg $0xC0  }
0xab: {  	_ =	task [dreg:s6], $0x5FFFF  }
0xac: {  	[dreg:$0x1] =	wrdreg $0xFFFFFFFF  }
0xad: {  	[dreg:$0x0] =	wrdreg $0x60  }
0xae: {  	[dreg:$0x2] =	wrdreg s24  }
0xaf: {  	[dreg:$0x3] =	wrdreg $0xAE000  }
0xb0: {  	[dreg:$0x4] =	wrdreg $0x9  }
0xb1: {  	_ =	task.clear_ibuf [dreg:s6], $0x5FFFF;
	_ =	strace $0x9000004F  }
0xb2: {  	s29 =	simm.s32 $0x9;
	_ =	strace $0x80000051  }
0xb3: {  	_ =	swait.ge [sflag:s29], $0x1  }
0xb4: {  	[sflag:s29] =	ssyncadd.s32 $0xFFFFFFFF  }
0xb5: {  	_ =	strace $0x90000051  }
0xb6: {  	_ =	sfence  }
0xb7: {  	s30 =	sld [smem:$0x0];
	_ =	sdelay $0x2  }
0xb8: {  	s31 =	sshll.u32 s1, $0xD;
	s1 =	sshrl.u32 s1, $0x2  }
0xb9: {  	s3 =	sand.u32 $0x4000, s31;
	s1 =	sadd.s32 s1, s30  }
0xba: {  	s0 =	sor.u32 s3, s0;
	s1 =	sshll.u32 s1, $0x11  }
0xbb: {  	s0 =	sor.u32 s1, s0  }
0xbc: {  	s0 =	sadd.s32 $0x8F2B, s0  }
0xbd: {  	[sflag:s0] =	ssyncadd.remote.s32 $0x1  }
0xbe: {  	_ =	sfence.sel $0xFFFF  }
0xbf: {  	[dreg:$0x0] =	wrdreg $0xFFFFFFFF;
	(pc) =	sbr.abs _section_cstart, $3  }
0xc0: {  	[dreg:$0x1] =	wrdreg $0xFFFFFFFF  }
0xc1: {  	_ =	task.clear_ibuf [dreg:s6], $0x2FFFF;
	_ =	strace $0x9FFFFFFF  }
0xc2: {  	(tm) =	ssettm $0x7FFFFFFF  }
0xc3: {  	_ =	shalt  }
tec
execute0_lowered:
.L_overlay_start_1:
0x0: {  	(tag) =	ssettag $0x1  }
0x1: {  	s5 =	rddreg [dreg:$0x0]  }
0x2: {  	s2 =	rddreg [dreg:$0x1]  }
0x3: {  	s0 =	rddreg [dreg:$0x2];
	s1 =	stileid.u32  }
0x4: {  	s4 =	srdreg.scid;
	s3 =	simm.s32 $0x0;
	s16 =	simm.s32 $0x80  }
0x5: {  	s17 =	simm.s32 $0x6E00;
	s18 =	simm.s32 $0x1;
	s19 =	simm.s32 $0x8E00  }
0x6: {  	s20 =	simm.s32 $0x2;
	s21 =	simm.s32 $0x3;
	s22 =	simm.s32 $0x4  }
0x7: {  	s23 =	simm.s32 $0x0;
	s6 =	smul.u32 $0xA000, s1;
	s7 =	sand.u32 $0x1, s4  }
0x8: {  	[smem:$0x7FF] =	sst s3;
	s4 =	sadd.s32 $0x4E600, s5;
	s28 =	smul.u32 $0x1900, s1  }
0x9: {  	s9 =	sadd.s32 $0x1C600, s5;
	s10 =	sadd.s32 $0x3400, s5;
	s30 =	smul.u32 $0x6E0, s1  }
0xa: {  	s29 =	sshll.u32 s1, $0x6;
	s8 =	smul.u32 $0xA0000, s7;
	_ =	strace $0x80000050  }
0xb: {  	s12 =	ssub.s32 $0x2, s7;
	p0 =	seq.s32 s7, $0x1;
	s11 =	sshrl.u32 s6, $0x3  }
0xc: {  	s26 =	sshrl.u32 s12, $0x1;
	s14 =	sadd.s32 s6, s2;
	s15 =	sshrl.u32 s28, $0x3  }
0xd: {  	s7 =	sadd.s32 s9, s30;
	s8 =	sadd.s32 s6, s8;
	s11 =	sadd.s32 s11, s5  }
.Ltmp0:
0xe: {  	s12 =	ssub.s32 s12, s26;
	s6 =	sor.u32 $0x1C05, s29;
	(pc) =	sbr.rel .LBB2_1-.Ltmp0, $4  }
0xf: {  	s31 =	sadd.s32 $0x6E00, s15;
	s15 =	simm.s32 $0x3700;
	s8 =	sshrl.u32 s8, $0x3  }
0x10: {  	s9 =	sadd.s32 s9, s31;
	s12 =	smax.u32 s12, $0x1;
	s13 =	sadd.s32 s8, s5  }
0x11: {  	s5 =	sadd.s32 $0x62600, s11;
	s8 =	sadd.s32 s10, s30;
	s10 =	sadd.s32 s10, s31  }
0x12: {  	s11 =	sadd.s32 $0x76600, s13;
	s13 =	sshrl.u32 s14, $0x3;
	s14 =	simm.s32 $0x5  }
.LBB2_4:
0x13: {  	[tilespmem:s19], [sflag:$0x2] =	stream.indirect.gather [hbm4b:s4+s16], $0x40, s25, s16, $0xb8;
	[tilespmem:$0x14E00] =	vst v63  }
0x14: {  	s24 =	simm.s32 $0x6D80  }
.LBB2_8:
0x15: {  	_ =	swait.ge [sflag:s20], $0x2000  }
0x16: {  	[sflag:s20] =	ssyncset.done $0x0  }
0x17: {  	[sflag:s20] =	ssyncadd.s32 $0xFFFFE000  }
0x18: {  	[spmem:s2] =	stream.indirect.scatter.add.f32 [tilespmem:s19], [sflag:$0x4], $0x40, s24, s16, $0xb8;
	[tilespmem:$0x14E00] =	vst v63  }
0x19: {  	_ =	swait.ge [sflag:s21], $0x2000  }
0x1a: {  	[sflag:s21] =	ssyncset.done $0x0  }
0x1b: {  	[sflag:s21] =	ssyncadd.s32 $0xFFFFE000  }
0x1c: {  	_ =	swait.ge [sflag:s22], $0x2000  }
0x1d: {  	s23 =	sadd.s32 $0x1, s23;
	[sflag:s22] =	ssyncset.done $0x0  }
0x1e: {  	p1 =	sne.s32 s23, s12;
	[sflag:s22] =	ssyncadd.s32 $0xFFFFE000  }
.Ltmp1:
0x1f: {  	[bflag:$0x0] =	sbarrier.arrive $0xFFFF;
	(pc) =	sbr.rel @!p1 .LBB2_9-.Ltmp1, $4  }
0x20: {  	[hbm:s11], [sflag:s6] =	dma.local [spmem:s13], $0x1400  }
0x21: {  	_ =	swait.ge [sflag:s14], $0x1400  }
0x22: {  	[sflag:s14] =	ssyncset.done $0x0  }
0x23: {  	[sflag:s14] =	ssyncadd.s32 $0xFFFFEC00  }
.LBB2_1:
0x24: {  	[spmem:s13], [sflag:s6] =	dma.local [hbm:s5], $0x1400  }
.Ltmp2:
0x25: {  	_ =	swait.ge [sflag:s14], $0x1400;
	(pc) =	sbr.rel @!p0 .LBB2_2-.Ltmp2, $3  }
0x26: {  	[sflag:s14] =	ssyncset.done $0x0  }
0x27: {  	[sflag:s14] =	ssyncadd.s32 $0xFFFFEC00  }
0x28: {  	[bflag:$0x0] =	sbarrier.arrive $0xFFFF;
	_ =	sdelay $0x1  }
0x29: {  	[tilespmem:s3], [sflag:$0x5] =	stream.linear.gather [hbm4b:s9+s3], $0x1900, $0x38;
	[tilespmem:$0x14E00] =	vst v63  }
0x2a: {  	_ =	swait.ge [sflag:s14], $0x1900  }
0x2b: {  	[sflag:s14] =	ssyncset.done $0x0  }
0x2c: {  	[sflag:s14] =	ssyncadd.s32 $0xFFFFE700  }
0x2d: {  	[tilespmem:s15], [sflag:$0x5] =	stream.linear.gather [hbm4b:s10+s3], $0x1900, $0x38;
	[tilespmem:$0x14E00] =	vst v63  }
0x2e: {  	_ =	swait.ge [sflag:s14], $0x1900  }
0x2f: {  	[sflag:s14] =	ssyncset.done $0x0  }
0x30: {  	[sflag:s14] =	ssyncadd.s32 $0xFFFFE700  }
0x31: {  	[tilespmem:s17], [sflag:$0x1] =	stream.indirect.gather [hbm4b:s4+s16], $0x40, s3, s16, $0xb8;
	[tilespmem:$0x14E00] =	vst v63  }
0x32: {  	_ =	swait.ge [sflag:s18], $0x2000  }
0x33: {  	[sflag:s18] =	ssyncset.done $0x0  }
0x34: {  	[sflag:s18] =	ssyncadd.s32 $0xFFFFE000  }
0x35: {  	[spmem:s2] =	stream.indirect.scatter.add.f32 [tilespmem:s17], [sflag:$0x3], $0x40, s15, s16, $0xb8;
	[tilespmem:$0x14E00] =	vst v63  }
0x36: {  	_ = 	snop  }
0x37: {  	[tilespmem:s19], [sflag:$0x2] =	stream.indirect.gather [hbm4b:s4+s16], $0x40, s16, s16, $0xb8;
	[tilespmem:$0x14E00] =	vst v63  }
0x38: {  	_ =	swait.ge [sflag:s20], $0x2000  }
0x39: {  	[sflag:s20] =	ssyncset.done $0x0  }
0x3a: {  	s24 =	simm.s32 $0x3780;
	[sflag:s20] =	ssyncadd.s32 $0xFFFFE000  }
0x3b: {  	[spmem:s2] =	stream.indirect.scatter.add.f32 [tilespmem:s19], [sflag:$0x4], $0x40, s24, s16, $0xb8;
	[tilespmem:$0x14E00] =	vst v63  }
0x3c: {  	_ =	swait.ge [sflag:s21], $0x2000  }
0x3d: {  	[sflag:s21] =	ssyncset.done $0x0  }
0x3e: {  	s30 =	simm.s32 $0x100;
	[sflag:s21] =	ssyncadd.s32 $0xFFFFE000  }
0x3f: {  	[tilespmem:s17], [sflag:$0x1] =	stream.indirect.gather [hbm4b:s4+s16], $0x40, s30, s16, $0xb8;
	[tilespmem:$0x14E00] =	vst v63  }
0x40: {  	_ =	swait.ge [sflag:s18], $0x2000  }
0x41: {  	[sflag:s18] =	ssyncset.done $0x0  }
0x42: {  	s31 =	simm.s32 $0x3800;
	[sflag:s18] =	ssyncadd.s32 $0xFFFFE000  }
0x43: {  	[spmem:s2] =	stream.indirect.scatter.add.f32 [tilespmem:s17], [sflag:$0x3], $0x40, s31, s16, $0xb8;
	[tilespmem:$0x14E00] =	vst v63  }
0x44: {  	_ =	swait.ge [sflag:s22], $0x2000  }
0x45: {  	[sflag:s22] =	ssyncset.done $0x0  }
0x46: {  	s25 =	simm.s32 $0x180;
	s24 =	simm.s32 $0xFFFFA400;
	[sflag:s22] =	ssyncadd.s32 $0xFFFFE000  }
.LBB2_6:
0x47: {  	[tilespmem:s19], [sflag:$0x2] =	stream.indirect.gather [hbm4b:s4+s16], $0x40, s25, s16, $0xb8;
	[tilespmem:$0x14E00] =	vst v63  }
0x48: {  	s25 =	smov.u32 s24  }
0x49: {  	p1 =	sne.s32 s24, $0xFFFFFC00;
	s24 =	sadd.s32 $0x400, s24;
	_ =	swait.ge [sflag:s20], $0x2000  }
0x4a: {  	s25 =	sshra.s32 s25, $0x2;
	[sflag:s20] =	ssyncset.done $0x0  }
0x4b: {  	s26 =	sadd.s32 $0x4F80, s25;
	[sflag:s20] =	ssyncadd.s32 $0xFFFFE000  }
0x4c: {  	[spmem:s2] =	stream.indirect.scatter.add.f32 [tilespmem:s19], [sflag:$0x4], $0x40, s26, s16, $0xb8;
	[tilespmem:$0x14E00] =	vst v63  }
0x4d: {  	_ =	swait.ge [sflag:s21], $0x2000  }
0x4e: {  	[sflag:s21] =	ssyncset.done $0x0  }
0x4f: {  	s26 =	sadd.s32 $0x1900, s25;
	[sflag:s21] =	ssyncadd.s32 $0xFFFFE000  }
0x50: {  	[tilespmem:s17], [sflag:$0x1] =	stream.indirect.gather [hbm4b:s4+s16], $0x40, s26, s16, $0xb8;
	[tilespmem:$0x14E00] =	vst v63  }
0x51: {  	_ =	swait.ge [sflag:s18], $0x2000  }
0x52: {  	[sflag:s18] =	ssyncset.done $0x0  }
.Ltmp3:
0x53: {  	s26 =	sadd.s32 $0x5000, s25;
	[sflag:s18] =	ssyncadd.s32 $0xFFFFE000;
	(pc) =	sbr.rel @p1 .LBB2_6-.Ltmp3, $4  }
0x54: {  	[spmem:s2] =	stream.indirect.scatter.add.f32 [tilespmem:s17], [sflag:$0x3], $0x40, s26, s16, $0xb8;
	[tilespmem:$0x14E00] =	vst v63  }
0x55: {  	_ =	swait.ge [sflag:s22], $0x2000  }
0x56: {  	[sflag:s22] =	ssyncset.done $0x0  }
0x57: {  	s25 =	sadd.s32 $0x1980, s25;
	[sflag:s22] =	ssyncadd.s32 $0xFFFFE000  }
.Ltmp4:
0x58: {  	(pc) =	sbr.rel .LBB2_8-.Ltmp4, $3  }
0x59: {  	_ =	sdelay $0x1  }
0x5a: {  	[tilespmem:s19], [sflag:$0x2] =	stream.indirect.gather [hbm4b:s4+s16], $0x40, s25, s16, $0xb8;
	[tilespmem:$0x14E00] =	vst v63  }
0x5b: {  	s24 =	simm.s32 $0x4F80  }
.LBB2_2:
0x5c: {  	[tilespmem:s3], [sflag:$0x5] =	stream.linear.gather [hbm4b:s7+s3], $0x3700, $0x38;
	[tilespmem:$0x14E00] =	vst v63  }
0x5d: {  	_ =	swait.ge [sflag:s14], $0x3700  }
0x5e: {  	[sflag:s14] =	ssyncset.done $0x0  }
0x5f: {  	[sflag:s14] =	ssyncadd.s32 $0xFFFFC900  }
0x60: {  	[tilespmem:s15], [sflag:$0x5] =	stream.linear.gather [hbm4b:s8+s3], $0x3700, $0x38;
	[tilespmem:$0x14E00] =	vst v63  }
0x61: {  	_ =	swait.ge [sflag:s14], $0x3700  }
0x62: {  	[sflag:s14] =	ssyncset.done $0x0  }
0x63: {  	[sflag:s14] =	ssyncadd.s32 $0xFFFFC900  }
0x64: {  	[tilespmem:s17], [sflag:$0x1] =	stream.indirect.gather [hbm4b:s4+s16], $0x40, s3, s16, $0xb8;
	[tilespmem:$0x14E00] =	vst v63  }
0x65: {  	_ =	swait.ge [sflag:s18], $0x2000  }
0x66: {  	[sflag:s18] =	ssyncset.done $0x0  }
0x67: {  	[sflag:s18] =	ssyncadd.s32 $0xFFFFE000  }
0x68: {  	[spmem:s2] =	stream.indirect.scatter.add.f32 [tilespmem:s17], [sflag:$0x3], $0x40, s15, s16, $0xb8;
	[tilespmem:$0x14E00] =	vst v63  }
0x69: {  	_ = 	snop  }
0x6a: {  	[tilespmem:s19], [sflag:$0x2] =	stream.indirect.gather [hbm4b:s4+s16], $0x40, s16, s16, $0xb8;
	[tilespmem:$0x14E00] =	vst v63  }
0x6b: {  	_ =	swait.ge [sflag:s20], $0x2000  }
0x6c: {  	[sflag:s20] =	ssyncset.done $0x0  }
0x6d: {  	s24 =	simm.s32 $0x3780;
	[sflag:s20] =	ssyncadd.s32 $0xFFFFE000  }
0x6e: {  	[spmem:s2] =	stream.indirect.scatter.add.f32 [tilespmem:s19], [sflag:$0x4], $0x40, s24, s16, $0xb8;
	[tilespmem:$0x14E00] =	vst v63  }
0x6f: {  	_ =	swait.ge [sflag:s21], $0x2000  }
0x70: {  	[sflag:s21] =	ssyncset.done $0x0  }
0x71: {  	s30 =	simm.s32 $0x100;
	[sflag:s21] =	ssyncadd.s32 $0xFFFFE000  }
0x72: {  	[tilespmem:s17], [sflag:$0x1] =	stream.indirect.gather [hbm4b:s4+s16], $0x40, s30, s16, $0xb8;
	[tilespmem:$0x14E00] =	vst v63  }
0x73: {  	_ =	swait.ge [sflag:s18], $0x2000  }
0x74: {  	p1 =	por $0x0, $0x0;
	[sflag:s18] =	ssyncset.done $0x0  }
.Ltmp5:
0x75: {  	s31 =	simm.s32 $0x3800;
	[sflag:s18] =	ssyncadd.s32 $0xFFFFE000;
	(pc) =	sbr.rel @p1 .LBB2_4-.Ltmp5, $4  }
0x76: {  	[spmem:s2] =	stream.indirect.scatter.add.f32 [tilespmem:s17], [sflag:$0x3], $0x40, s31, s16, $0xb8;
	[tilespmem:$0x14E00] =	vst v63  }
0x77: {  	_ =	swait.ge [sflag:s22], $0x2000  }
0x78: {  	[sflag:s22] =	ssyncset.done $0x0  }
0x79: {  	s25 =	simm.s32 $0x180;
	s24 =	simm.s32 $0xFFFF2C00;
	[sflag:s22] =	ssyncadd.s32 $0xFFFFE000  }
.LBB2_3:
0x7a: {  	[tilespmem:s19], [sflag:$0x2] =	stream.indirect.gather [hbm4b:s4+s16], $0x40, s25, s16, $0xb8;
	[tilespmem:$0x14E00] =	vst v63  }
0x7b: {  	s25 =	smov.u32 s24  }
0x7c: {  	p1 =	seq.s32 s24, $0xFFFFFC00;
	s24 =	sadd.s32 $0x400, s24;
	_ =	swait.ge [sflag:s20], $0x2000  }
0x7d: {  	s25 =	sshra.s32 s25, $0x2;
	[sflag:s20] =	ssyncset.done $0x0  }
0x7e: {  	s26 =	sadd.s32 $0x6D80, s25;
	[sflag:s20] =	ssyncadd.s32 $0xFFFFE000  }
0x7f: {  	[spmem:s2] =	stream.indirect.scatter.add.f32 [tilespmem:s19], [sflag:$0x4], $0x40, s26, s16, $0xb8;
	[tilespmem:$0x14E00] =	vst v63  }
0x80: {  	_ =	swait.ge [sflag:s21], $0x2000  }
0x81: {  	[sflag:s21] =	ssyncset.done $0x0  }
0x82: {  	s26 =	sadd.s32 $0x3700, s25;
	[sflag:s21] =	ssyncadd.s32 $0xFFFFE000  }
0x83: {  	[tilespmem:s17], [sflag:$0x1] =	stream.indirect.gather [hbm4b:s4+s16], $0x40, s26, s16, $0xb8;
	[tilespmem:$0x14E00] =	vst v63  }
0x84: {  	_ =	swait.ge [sflag:s18], $0x2000  }
0x85: {  	[sflag:s18] =	ssyncset.done $0x0  }
.Ltmp6:
0x86: {  	s26 =	sadd.s32 $0x6E00, s25;
	[sflag:s18] =	ssyncadd.s32 $0xFFFFE000;
	(pc) =	sbr.rel @!p1 .LBB2_3-.Ltmp6, $4  }
0x87: {  	[spmem:s2] =	stream.indirect.scatter.add.f32 [tilespmem:s17], [sflag:$0x3], $0x40, s26, s16, $0xb8;
	[tilespmem:$0x14E00] =	vst v63  }
0x88: {  	_ =	swait.ge [sflag:s22], $0x2000  }
0x89: {  	[sflag:s22] =	ssyncset.done $0x0  }
0x8a: {  	s25 =	sadd.s32 $0x3780, s25;
	[sflag:s22] =	ssyncadd.s32 $0xFFFFE000  }
.Ltmp7:
0x8b: {  	_ = 	snop;
	(pc) =	sbr.rel .LBB2_4-.Ltmp7, $1  }
0x8c: {  	_ =	sdelay $0x3  }
.LBB2_9:
0x8d: {  	_ =	sfence.sel $0x180000  }
0x8e: {  	[bflag:$0x0] =	sbarrier.arrive $0xFFFF  }
0x8f: {  	p0 =	sne.s32 s1, $0x0;
	_ =	strace $0x90000050  }
0x90: {  	s0 =	sadd.s32 @!p0 $0x100000, s0;
	[bflag:$0x2] =	sbarrier.arrive $0xFFFF  }
0x91: {  	[sflag:s0] =	ssyncadd.tile.s32 @!p0 $0x1;
	_ =	shalt  }
.Lfunc_end2:
_tile_overlayer_lowered:
.L_overlay_start_2:
0x92: {  	(tag) =	ssettag $0x2  }
0x93: {  	s0 =	rddreg [dreg:$0x0];
	s2 =	stileid.u32  }
0x94: {  	s1 =	rddreg [dreg:$0x1];
	p0 =	sne.s32 s2, $0x0  }
0x95: {  	s3 =	rddreg [dreg:$0x2];
	[bflag:$0x3] =	sbarrier.arrive $0xFFFF;
	s2 =	simm.s32 @!p0 $0x1C05  }
0x96: {  	[timem:s3], [sflag:s2] =	dma.local @!p0 [hbm:s0], s1  }
0x97: {  	s0 =	simm.s32 @!p0 $0x5  }
0x98: {  	_ =	swait.ge @!p0 [sflag:s0], s1  }
0x99: {  	s1 =	ssub.s32 @!p0 $0x0, s1;
	[sflag:s0] =	ssyncset.done @!p0 $0x0  }
0x9a: {  	[sflag:s0] =	ssyncadd.s32 @!p0 s1  }
0x9b: {  	[bflag:$0x3] =	sbarrier.arrive $0xFFFF  }
0x9c: {  	_ =	shalt  }

</sc_bundles>
